<compile_context>
chip_gen: v7x
topology: tpu7x:2x2x1
jax: 0.10.2.dev20260603
libtpu: 0.0.44.dev20260713+nightly
codegen_flags: <defaults>
</compile_context>

<pallas_src>
import functools

import jax
import jax.numpy as jnp
from jax import lax
from jax.experimental import pallas as pl
from jax.experimental.pallas import tpu as pltpu
from jax.experimental.pallas import tpu_sc as plsc

N = 10000
E = 320000
D_IN = 128
HID = 256
G = 128

NC = 2
NS = 16
CHUNK = 128

E_PAD = ((E + NC * NS * CHUNK * 2 - 1) // (NC * NS * CHUNK * 2)) * (
    NC * NS * CHUNK * 2
)
ROWS_PAD = ((N + 1 + NS * 8 - 1) // (NS * 8)) * (NS * 8)
RPT = ROWS_PAD // NS

_EPT_DEG = E_PAD // (NC * NS)
_NCHUNK_DEG = _EPT_DEG // CHUNK


def _deg_body(
    dst2_hbm, ones_hbm, z128_hbm, out_hbm, didx_v, ones_v, acc_sh, isd0, isd1
):
    c = lax.axis_index("c")
    s = lax.axis_index("s")
    pltpu.sync_copy(ones_hbm, ones_v)
    pltpu.sync_copy(
        z128_hbm.at[pl.ds(s * RPT, RPT)], acc_sh.at[pl.ds(s * RPT, RPT)]
    )
    plsc.subcore_barrier()
    isd = (isd0, isd1)
    base_r = (c * NS + s) * _NCHUNK_DEG

    pltpu.sync_copy(dst2_hbm.at[base_r], didx_v.at[0])
    pltpu.async_copy(dst2_hbm.at[base_r + 1], didx_v.at[1], isd[1])

    def group(g, carry):
        for b in (0, 1):
            nb = 1 - b
            k = 2 * g + b

            def wait_next():
                pltpu.make_async_copy(
                    dst2_hbm.at[base_r + k + 1], didx_v.at[nb], isd[nb]
                ).wait()

            if b == 0:
                wait_next()
            else:
                pl.when(g < _NCHUNK_DEG // 2 - 1)(wait_next)

            pltpu.sync_copy(ones_v, acc_sh.at[didx_v.at[b]], add=True)

            @pl.when(g < _NCHUNK_DEG // 2 - 1)
            def _():
                pltpu.async_copy(
                    dst2_hbm.at[base_r + k + 2], didx_v.at[b], isd[b]
                )

        return carry

    lax.fori_loop(0, _NCHUNK_DEG // 2, group, 0)
    plsc.subcore_barrier()
    pltpu.sync_copy(
        acc_sh.at[pl.ds(s * RPT, RPT)],
        out_hbm.at[pl.ds(c * ROWS_PAD + s * RPT, RPT)],
    )


_EPT_SC = E_PAD // NS
_NCHUNK_SC = _EPT_SC // CHUNK


_EROWS = E_PAD // CHUNK
_NCHT = _EROWS // NS


def _scatter_body(
    m_hbm, src2_hbm, dst2_hbm, z128_hbm, out_hbm,
    sidx_v, didx_v, rows_v, acc_sh,
    iss0, isd0, iss1, isd1, gs0, gs1,
):
    c = lax.axis_index("c")
    s = lax.axis_index("s")
    pltpu.sync_copy(
        z128_hbm.at[pl.ds(s * RPT, RPT)], acc_sh.at[pl.ds(s * RPT, RPT)]
    )
    plsc.subcore_barrier()
    iss = (iss0, iss1)
    isd = (isd0, isd1)
    gs = (gs0, gs1)
    r0 = s * _NCHT
    sb = c * _EROWS + r0

    pltpu.sync_copy(src2_hbm.at[sb], sidx_v.at[0])
    pltpu.sync_copy(dst2_hbm.at[r0], didx_v.at[0])
    pltpu.async_copy(m_hbm.at[sidx_v.at[0]], rows_v.at[0], gs[0])
    pltpu.async_copy(src2_hbm.at[sb + 1], sidx_v.at[1], iss[1])
    pltpu.async_copy(dst2_hbm.at[r0 + 1], didx_v.at[1], isd[1])

    def group(g, carry):
        for b in (0, 1):
            nb = 1 - b
            k = 2 * g + b

            def stage_next():
                pltpu.make_async_copy(
                    src2_hbm.at[sb + k + 1], sidx_v.at[nb], iss[nb]
                ).wait()
                pltpu.make_async_copy(
                    dst2_hbm.at[r0 + k + 1], didx_v.at[nb], isd[nb]
                ).wait()
                pltpu.async_copy(m_hbm.at[sidx_v.at[nb]], rows_v.at[nb], gs[nb])

            if b == 0:
                stage_next()
            else:
                pl.when(g < _NCHT // 2 - 1)(stage_next)

            pltpu.make_async_copy(
                m_hbm.at[sidx_v.at[b]], rows_v.at[b], gs[b]
            ).wait()
            pltpu.sync_copy(rows_v.at[b], acc_sh.at[didx_v.at[b]], add=True)

            @pl.when(g < _NCHT // 2 - 1)
            def _():
                pltpu.async_copy(src2_hbm.at[sb + k + 2], sidx_v.at[b], iss[b])
                pltpu.async_copy(dst2_hbm.at[r0 + k + 2], didx_v.at[b], isd[b])

        return carry

    lax.fori_loop(0, _NCHT // 2, group, 0)
    plsc.subcore_barrier()
    pltpu.sync_copy(
        acc_sh.at[pl.ds(s * RPT, RPT)],
        out_hbm.at[pl.ds(c * ROWS_PAD + s * RPT, RPT)],
    )


@functools.cache
def _sc_kernels():
    mesh = plsc.VectorSubcoreMesh(
        core_axis_name="c", subcore_axis_name="s", num_cores=NC, num_subcores=NS
    )
    deg_k = pl.kernel(
        _deg_body,
        out_type=jax.ShapeDtypeStruct((NC * ROWS_PAD, 128), jnp.float32),
        mesh=mesh,
        scratch_types=[
            pltpu.VMEM((2, CHUNK), jnp.int32),
            pltpu.VMEM((CHUNK, 128), jnp.float32),
            pltpu.VMEM_SHARED((ROWS_PAD, 128), jnp.float32),
        ] + [pltpu.SemaphoreType.DMA] * 2,
    )
    scat_k = pl.kernel(
        _scatter_body,
        out_type=jax.ShapeDtypeStruct((NC * ROWS_PAD, 128), jnp.float32),
        mesh=mesh,
        scratch_types=[
            pltpu.VMEM((2, CHUNK), jnp.int32),
            pltpu.VMEM((2, CHUNK), jnp.int32),
            pltpu.VMEM((2, CHUNK, 128), jnp.float32),
            pltpu.VMEM_SHARED((ROWS_PAD, 128), jnp.float32),
        ] + [pltpu.SemaphoreType.DMA] * 6,
    )
    return deg_k, scat_k


BN = 2000
NG = N // BN


def _dinv_from_degp(degp_blk):
    deg = degp_blk[0, :, 0:1] + degp_blk[1, :, 0:1] + 1.0
    return lax.rsqrt(jnp.maximum(deg, 1.0))


def _l1_body(x_ref, w_ref, degp_ref, m_ref):
    dinv = _dinv_from_degp(degp_ref[...])
    h = jnp.dot(x_ref[...], w_ref[...], preferred_element_type=jnp.float32)
    m = h * dinv
    m_ref[0] = m[:, :128]
    m_ref[1] = m[:, 128:]


_l1_call = pl.pallas_call(
    _l1_body,
    grid=(NG,),
    in_specs=[
        pl.BlockSpec((BN, D_IN), lambda i: (i, 0)),
        pl.BlockSpec((D_IN, HID), lambda i: (0, 0)),
        pl.BlockSpec((NC, BN, 128), lambda i: (0, i, 0)),
    ],
    out_specs=pl.BlockSpec((NC, BN, 128), lambda i: (0, i, 0)),
    out_shape=jax.ShapeDtypeStruct((NC, N, 128), jnp.float32),
)


def _mid_body(S_ref, m_ref, degp_ref, b_ref, w_ref, out_ref):
    dinv = _dinv_from_degp(degp_ref[...])
    b = b_ref[...]
    lo = (S_ref[0] + m_ref[0]) * dinv + b[:, :128]
    hi = (S_ref[1] + m_ref[1]) * dinv + b[:, 128:]
    h1 = jax.nn.relu(jnp.concatenate([lo, hi], axis=1))
    m2 = jnp.dot(h1, w_ref[...], preferred_element_type=jnp.float32) * dinv
    out_ref[0] = m2[:, :128]
    out_ref[1] = m2[:, 128:]


_mid_call = pl.pallas_call(
    _mid_body,
    grid=(NG,),
    in_specs=[
        pl.BlockSpec((NC, BN, 128), lambda i: (0, i, 0)),
        pl.BlockSpec((NC, BN, 128), lambda i: (0, i, 0)),
        pl.BlockSpec((NC, BN, 128), lambda i: (0, i, 0)),
        pl.BlockSpec((1, HID), lambda i: (0, 0)),
        pl.BlockSpec((HID, HID), lambda i: (0, 0)),
    ],
    out_specs=pl.BlockSpec((NC, BN, 128), lambda i: (0, i, 0)),
    out_shape=jax.ShapeDtypeStruct((NC, N, 128), jnp.float32),
)


def _fin_body(S_ref, m_ref, degp_ref, b_ref, batch_ref, pool_ref, cnt_ref):
    i = pl.program_id(0)
    dinv = _dinv_from_degp(degp_ref[...])
    b = b_ref[...]
    lo = (S_ref[0] + m_ref[0]) * dinv + b[:, :128]
    hi = (S_ref[1] + m_ref[1]) * dinv + b[:, 128:]
    h2 = jax.nn.relu(jnp.concatenate([lo, hi], axis=1))
    bt = batch_ref[...]
    gids = lax.broadcasted_iota(jnp.int32, (1, G), 1)
    P = (bt == gids).astype(jnp.float32)
    dn = (((0,), (0,)), ((), ()))
    psum = lax.dot_general(P, h2, dn, preferred_element_type=jnp.float32)
    ones_col = jnp.ones((BN, 1), jnp.float32)
    pcnt = lax.dot_general(P, ones_col, dn, preferred_element_type=jnp.float32)

    @pl.when(i == 0)
    def _():
        pool_ref[...] = psum
        cnt_ref[...] = pcnt

    @pl.when(i > 0)
    def _():
        pool_ref[...] += psum
        cnt_ref[...] += pcnt

    @pl.when(i == NG - 1)
    def _():
        pool_ref[...] = pool_ref[...] / jnp.maximum(cnt_ref[...], 1.0)


_fin_call = pl.pallas_call(
    _fin_body,
    grid=(NG,),
    in_specs=[
        pl.BlockSpec((NC, BN, 128), lambda i: (0, i, 0)),
        pl.BlockSpec((NC, BN, 128), lambda i: (0, i, 0)),
        pl.BlockSpec((NC, BN, 128), lambda i: (0, i, 0)),
        pl.BlockSpec((1, HID), lambda i: (0, 0)),
        pl.BlockSpec((BN, 1), lambda i: (i, 0)),
    ],
    out_specs=[
        pl.BlockSpec((G, HID), lambda i: (0, 0)),
        pl.BlockSpec((G, 1), lambda i: (0, 0)),
    ],
    out_shape=[
        jax.ShapeDtypeStruct((G, HID), jnp.float32),
        jax.ShapeDtypeStruct((G, 1), jnp.float32),
    ],
)


def kernel(x, edge_index, batch, W1, b1, W2, b2):
    pad = E_PAD - E
    pidx = jnp.arange(pad, dtype=jnp.int32)
    srcp = jnp.concatenate([edge_index[0], pidx % N])
    dstp = jnp.concatenate([edge_index[1], N + pidx % (ROWS_PAD - N)])
    src2 = jnp.concatenate([srcp, srcp + N]).reshape(NC * _EROWS, CHUNK)
    dst2 = dstp.reshape(_EROWS, CHUNK)
    ones128 = jnp.ones((CHUNK, 128), jnp.float32)
    z128 = jnp.zeros((ROWS_PAD, 128), jnp.float32)

    deg_k, scat_k = _sc_kernels()
    degp = deg_k(dst2, ones128, z128).reshape(NC, ROWS_PAD, 128)

    m1 = _l1_call(x, W1, degp)
    S1 = scat_k(m1.reshape(NC * N, 128), src2, dst2, z128)
    S1 = S1.reshape(NC, ROWS_PAD, 128)

    m2 = _mid_call(S1, m1, degp, b1.reshape(1, HID), W2)
    S2 = scat_k(m2.reshape(NC * N, 128), src2, dst2, z128)
    S2 = S2.reshape(NC, ROWS_PAD, 128)

    pool, _ = _fin_call(
        S2, m2, degp, b2.reshape(1, HID), batch.reshape(N, 1).astype(jnp.int32)
    )
    return pool

# --- scband reference (transcript-rebuilt; emitter-appended) ---
"""Pipeline reference for scband-tdrumor-gcn-65687229825044 (READ-ONLY COPY).

The authoritative reference and input builder live on the scoring server;
editing this copy changes nothing except your own understanding.
"""

import jax, jax.numpy as jnp
import numpy as np

N = 10000
E = 320000
D_IN = 128
HID = 256
G = 128


def _gcn_conv(x, edge_index, W, b):
    # GCNConv: h = D^{-1/2} (A + I) D^{-1/2} X W + b
    h = x @ W
    src = edge_index[0]
    dst = edge_index[1]
    loop = jnp.arange(N, dtype=src.dtype)
    src2 = jnp.concatenate([src, loop])
    dst2 = jnp.concatenate([dst, loop])
    deg = jnp.zeros((N,), x.dtype).at[dst2].add(1.0)
    dinv = 1.0 / jnp.sqrt(jnp.maximum(deg, 1.0))
    norm = dinv[src2] * dinv[dst2]
    msg = h[src2] * norm[:, None]
    out = jnp.zeros((N, h.shape[1]), x.dtype).at[dst2].add(msg)
    return out + b


def setup_inputs(seed: int = 0) -> dict:
    key = jax.random.key(seed)
    ks = jax.random.split(key, 8)
    x = jax.random.normal(ks[0], (N, D_IN), dtype=jnp.float32)
    edge_index = jax.random.randint(ks[1], (2, E), 0, N, dtype=jnp.int32)
    batch = jnp.sort(jax.random.randint(ks[2], (N,), 0, G, dtype=jnp.int32))
    W1 = jax.random.normal(ks[3], (D_IN, HID), dtype=jnp.float32) * (1.0 / np.sqrt(D_IN))
    b1 = jnp.zeros((HID,), dtype=jnp.float32)
    W2 = jax.random.normal(ks[4], (HID, HID), dtype=jnp.float32) * (1.0 / np.sqrt(HID))
    b2 = jnp.zeros((HID,), dtype=jnp.float32)
    return {"x": x, "edge_index": edge_index, "batch": batch, "W1": W1, "b1": b1, "W2": W2, "b2": b2}


def reference(x, edge_index, batch, W1, b1, W2, b2):
    # GNNBranch: two stacked GCN layers with ReLU (dropout is identity in eval)
    h = jax.nn.relu(_gcn_conv(x, edge_index, W1, b1))
    h = jax.nn.relu(_gcn_conv(h, edge_index, W2, b2))
    # global_mean_pool over graph assignment vector `batch`
    sums = jax.ops.segment_sum(h, batch, num_segments=G)
    cnt = jax.ops.segment_sum(jnp.ones((N, 1), h.dtype), batch, num_segments=G)
    pool = sums / jnp.maximum(cnt, 1.0)
    return pool

if __name__ == "__main__":
    import jax
    _d = setup_inputs()
    print(jax.jit(kernel)(*tuple(_d.values())))

</pallas_src>

<mosaic_0001>
#map = affine_map<(d0, d1) -> (0, 0)>
module attributes {stable_mosaic.version = 14 : i64} {
  func.func @_deg_body(%arg0: i32, %arg1: i32, %arg2: memref<2560x128xi32, #tpu.memory_space<hbm>>, %arg3: memref<128x128xf32, #tpu.memory_space<hbm>>, %arg4: memref<10112x128xf32, #tpu.memory_space<hbm>>, %arg5: memref<20224x128xf32, #tpu.memory_space<hbm>>, %arg6: memref<2x128xi32, #tpu.memory_space<vmem>>, %arg7: memref<128x128xf32, #tpu.memory_space<vmem>>, %arg8: memref<10112x128xf32, #tpu.memory_space<vmem_shared>>, %arg9: memref<!tpu.dma_semaphore, #tpu.memory_space<semaphore_mem>>, %arg10: memref<!tpu.dma_semaphore, #tpu.memory_space<semaphore_mem>>) attributes {dimension_semantics = [#tpu.dimension_semantics<core_parallel>, #tpu.dimension_semantics<subcore_parallel>], iteration_bounds = array<i64: 2, 16>, scalar_prefetch = 0 : i64, scratch_operands = 5 : i64, tpu.core_type = #tpu.core_type<sc_vector_subcore>, window_params = [{transform_indices = #map}, {transform_indices = #map}, {transform_indices = #map}, {transform_indices = #map}]} {
    "tpu.region"() ({
      %run_scoped3A_34 = tpu.sem_alloc : memref<!tpu.dma_semaphore, #tpu.memory_space<semaphore_mem>>
      tpu.enqueue_dma source(%arg3 : memref<128x128xf32, #tpu.memory_space<hbm>>) target(%arg7 : memref<128x128xf32, #tpu.memory_space<vmem>>) target_semaphore(%run_scoped3A_34 : memref<!tpu.dma_semaphore, #tpu.memory_space<semaphore_mem>>)
      tpu.wait_dma2 semaphore(%run_scoped3A_34 : memref<!tpu.dma_semaphore, #tpu.memory_space<semaphore_mem>>) src(%arg3 : memref<128x128xf32, #tpu.memory_space<hbm>>) dst(%arg7 : memref<128x128xf32, #tpu.memory_space<vmem>>)
      tpu.yield
    }) : () -> ()
    %mul3A = arith.constant 632 : i32
    %mul3A_0 = arith.muli %arg1, %mul3A : i32
    %mul3A_1 = arith.constant 632 : i32
    %mul3A_2 = arith.muli %arg1, %mul3A_1 : i32
    "tpu.region"() ({
      %run_scoped3A_34 = tpu.sem_alloc : memref<!tpu.dma_semaphore, #tpu.memory_space<semaphore_mem>>
      %dma_start3A_35 = arith.constant 0 : i32
      %dma_start3A_36 = tpu.memref_slice %arg8[%mul3A_2, %dma_start3A_35] : memref<10112x128xf32, #tpu.memory_space<vmem_shared>> -> memref<632x128xf32, #tpu.memory_space<vmem_shared>>
      %dma_start3A_37 = arith.constant 0 : i32
      %dma_start3A_38 = tpu.memref_slice %arg4[%mul3A_0, %dma_start3A_37] : memref<10112x128xf32, #tpu.memory_space<hbm>> -> memref<632x128xf32, #tpu.memory_space<hbm>>
      tpu.enqueue_dma source(%dma_start3A_38 : memref<632x128xf32, #tpu.memory_space<hbm>>) target(%dma_start3A_36 : memref<632x128xf32, #tpu.memory_space<vmem_shared>>) target_semaphore(%run_scoped3A_34 : memref<!tpu.dma_semaphore, #tpu.memory_space<semaphore_mem>>)
      %dma_wait3A = arith.constant 0 : i32
      %dma_wait3A_39 = tpu.memref_slice %arg8[%mul3A_2, %dma_wait3A] : memref<10112x128xf32, #tpu.memory_space<vmem_shared>> -> memref<632x128xf32, #tpu.memory_space<vmem_shared>>
      %dma_wait3A_40 = arith.constant 0 : i32
      %dma_wait3A_41 = tpu.memref_slice %arg4[%mul3A_0, %dma_wait3A_40] : memref<10112x128xf32, #tpu.memory_space<hbm>> -> memref<632x128xf32, #tpu.memory_space<hbm>>
      tpu.wait_dma2 semaphore(%run_scoped3A_34 : memref<!tpu.dma_semaphore, #tpu.memory_space<semaphore_mem>>) src(%dma_wait3A_41 : memref<632x128xf32, #tpu.memory_space<hbm>>) dst(%dma_wait3A_39 : memref<632x128xf32, #tpu.memory_space<vmem_shared>>)
      tpu.yield
    }) : () -> ()
    %barrier3A = arith.constant 0 : index
    tpu.barrier barrier_id(%barrier3A)
    %mul3A_3 = arith.constant 16 : i32
    %mul3A_4 = arith.muli %arg0, %mul3A_3 : i32
    %add3A = arith.addi %mul3A_4, %arg1 : i32
    %mul3A_5 = arith.constant 80 : i32
    %mul3A_6 = arith.muli %add3A, %mul3A_5 : i32
    %run_scoped3A = arith.constant 0 : i32
    "tpu.region"() ({
      %run_scoped3A_34 = tpu.sem_alloc : memref<!tpu.dma_semaphore, #tpu.memory_space<semaphore_mem>>
      %dma_start3A_35 = arith.constant 0 : i32
      %dma_start3A_36 = tpu.memref_slice %arg6[%run_scoped3A, %dma_start3A_35] : memref<2x128xi32, #tpu.memory_space<vmem>> -> memref<1x128xi32, #tpu.memory_space<vmem>>
      %dma_start3A_37 = tpu.memref_squeeze %dma_start3A_36 : memref<1x128xi32, #tpu.memory_space<vmem>> -> memref<128xi32, #tpu.memory_space<vmem>>
      %dma_start3A_38 = arith.constant 0 : i32
      %dma_start3A_39 = tpu.memref_slice %arg2[%mul3A_6, %dma_start3A_38] : memref<2560x128xi32, #tpu.memory_space<hbm>> -> memref<1x128xi32, #tpu.memory_space<hbm>>
      %dma_start3A_40 = tpu.memref_squeeze %dma_start3A_39 : memref<1x128xi32, #tpu.memory_space<hbm>> -> memref<128xi32, #tpu.memory_space<hbm>>
      %dma_start3A_41 = arith.constant 0 : i32
      %dma_start3A_42 = tpu.memref_slice %arg6[%run_scoped3A, %dma_start3A_41] : memref<2x128xi32, #tpu.memory_space<vmem>> -> memref<1x128xi32, #tpu.memory_space<vmem>>
      %dma_start3A_43 = tpu.memref_squeeze %dma_start3A_42 : memref<1x128xi32, #tpu.memory_space<vmem>> -> memref<128xi32, #tpu.memory_space<vmem>>
      %dma_start3A_44 = arith.constant 0 : i32
      %dma_start3A_45 = tpu.memref_slice %arg2[%mul3A_6, %dma_start3A_44] : memref<2560x128xi32, #tpu.memory_space<hbm>> -> memref<1x128xi32, #tpu.memory_space<hbm>>
      %dma_start3A_46 = tpu.memref_squeeze %dma_start3A_45 : memref<1x128xi32, #tpu.memory_space<hbm>> -> memref<128xi32, #tpu.memory_space<hbm>>
      tpu.enqueue_dma source(%dma_start3A_46 : memref<128xi32, #tpu.memory_space<hbm>>) target(%dma_start3A_43 : memref<128xi32, #tpu.memory_space<vmem>>) target_semaphore(%run_scoped3A_34 : memref<!tpu.dma_semaphore, #tpu.memory_space<semaphore_mem>>)
      %dma_wait3A = arith.constant 0 : i32
      %dma_wait3A_47 = tpu.memref_slice %arg6[%run_scoped3A, %dma_wait3A] : memref<2x128xi32, #tpu.memory_space<vmem>> -> memref<1x128xi32, #tpu.memory_space<vmem>>
      %dma_wait3A_48 = tpu.memref_squeeze %dma_wait3A_47 : memref<1x128xi32, #tpu.memory_space<vmem>> -> memref<128xi32, #tpu.memory_space<vmem>>
      %dma_wait3A_49 = arith.constant 0 : i32
      %dma_wait3A_50 = tpu.memref_slice %arg2[%mul3A_6, %dma_wait3A_49] : memref<2560x128xi32, #tpu.memory_space<hbm>> -> memref<1x128xi32, #tpu.memory_space<hbm>>
      %dma_wait3A_51 = tpu.memref_squeeze %dma_wait3A_50 : memref<1x128xi32, #tpu.memory_space<hbm>> -> memref<128xi32, #tpu.memory_space<hbm>>
      %dma_wait3A_52 = arith.constant 0 : i32
      %dma_wait3A_53 = tpu.memref_slice %arg6[%run_scoped3A, %dma_wait3A_52] : memref<2x128xi32, #tpu.memory_space<vmem>> -> memref<1x128xi32, #tpu.memory_space<vmem>>
      %dma_wait3A_54 = tpu.memref_squeeze %dma_wait3A_53 : memref<1x128xi32, #tpu.memory_space<vmem>> -> memref<128xi32, #tpu.memory_space<vmem>>
      %dma_wait3A_55 = arith.constant 0 : i32
      %dma_wait3A_56 = tpu.memref_slice %arg2[%mul3A_6, %dma_wait3A_55] : memref<2560x128xi32, #tpu.memory_space<hbm>> -> memref<1x128xi32, #tpu.memory_space<hbm>>
      %dma_wait3A_57 = tpu.memref_squeeze %dma_wait3A_56 : memref<1x128xi32, #tpu.memory_space<hbm>> -> memref<128xi32, #tpu.memory_space<hbm>>
      tpu.wait_dma2 semaphore(%run_scoped3A_34 : memref<!tpu.dma_semaphore, #tpu.memory_space<semaphore_mem>>) src(%dma_wait3A_57 : memref<128xi32, #tpu.memory_space<hbm>>) dst(%dma_wait3A_54 : memref<128xi32, #tpu.memory_space<vmem>>)
      tpu.yield
    }) : () -> ()
    %add3A_7 = arith.constant 1 : i32
    %add3A_8 = arith.addi %mul3A_6, %add3A_7 : i32
    %dma_start3A = arith.constant 1 : i32
    %dma_start3A_9 = arith.constant 0 : i32
    %dma_start3A_10 = tpu.memref_slice %arg6[%dma_start3A, %dma_start3A_9] : memref<2x128xi32, #tpu.memory_space<vmem>> -> memref<1x128xi32, #tpu.memory_space<vmem>>
    %dma_start3A_11 = tpu.memref_squeeze %dma_start3A_10 : memref<1x128xi32, #tpu.memory_space<vmem>> -> memref<128xi32, #tpu.memory_space<vmem>>
    %dma_start3A_12 = arith.constant 0 : i32
    %dma_start3A_13 = tpu.memref_slice %arg2[%add3A_8, %dma_start3A_12] : memref<2560x128xi32, #tpu.memory_space<hbm>> -> memref<1x128xi32, #tpu.memory_space<hbm>>
    %dma_start3A_14 = tpu.memref_squeeze %dma_start3A_13 : memref<1x128xi32, #tpu.memory_space<hbm>> -> memref<128xi32, #tpu.memory_space<hbm>>
    %dma_start3A_15 = arith.constant 0 : i32
    %dma_start3A_16 = tpu.memref_slice %arg6[%dma_start3A, %dma_start3A_15] : memref<2x128xi32, #tpu.memory_space<vmem>> -> memref<1x128xi32, #tpu.memory_space<vmem>>
    %dma_start3A_17 = tpu.memref_squeeze %dma_start3A_16 : memref<1x128xi32, #tpu.memory_space<vmem>> -> memref<128xi32, #tpu.memory_space<vmem>>
    %dma_start3A_18 = arith.constant 0 : i32
    %dma_start3A_19 = tpu.memref_slice %arg2[%add3A_8, %dma_start3A_18] : memref<2560x128xi32, #tpu.memory_space<hbm>> -> memref<1x128xi32, #tpu.memory_space<hbm>>
    %dma_start3A_20 = tpu.memref_squeeze %dma_start3A_19 : memref<1x128xi32, #tpu.memory_space<hbm>> -> memref<128xi32, #tpu.memory_space<hbm>>
    tpu.enqueue_dma source(%dma_start3A_20 : memref<128xi32, #tpu.memory_space<hbm>>) target(%dma_start3A_17 : memref<128xi32, #tpu.memory_space<vmem>>) target_semaphore(%arg10 : memref<!tpu.dma_semaphore, #tpu.memory_space<semaphore_mem>>)
    %scan3A = arith.constant 0 : i32
    %scan3A_21 = arith.constant 0 : i32
    %scan3A_22 = arith.constant 40 : i32
    %scan3A_23 = arith.addi %scan3A_21, %scan3A_22 : i32
    %scan3A_24 = arith.constant 1 : i32
    scf.for %scan3A_34 = %scan3A_21 to %scan3A_23 step %scan3A_24  : i32 {
      %mul3A_35 = arith.constant 2 : i32
      %mul3A_36 = arith.muli %mul3A_35, %scan3A_34 : i32
      %add3A_37 = arith.constant 0 : i32
      %add3A_38 = arith.addi %mul3A_36, %add3A_37 : i32
      %add3A_39 = arith.addi %mul3A_6, %add3A_38 : i32
      %add3A_40 = arith.constant 1 : i32
      %add3A_41 = arith.addi %add3A_39, %add3A_40 : i32
      %dma_wait3A = arith.constant 1 : i32
      %dma_wait3A_42 = arith.constant 0 : i32
      %dma_wait3A_43 = tpu.memref_slice %arg6[%dma_wait3A, %dma_wait3A_42] : memref<2x128xi32, #tpu.memory_space<vmem>> -> memref<1x128xi32, #tpu.memory_space<vmem>>
      %dma_wait3A_44 = tpu.memref_squeeze %dma_wait3A_43 : memref<1x128xi32, #tpu.memory_space<vmem>> -> memref<128xi32, #tpu.memory_space<vmem>>
      %dma_wait3A_45 = arith.constant 0 : i32
      %dma_wait3A_46 = tpu.memref_slice %arg2[%add3A_41, %dma_wait3A_45] : memref<2560x128xi32, #tpu.memory_space<hbm>> -> memref<1x128xi32, #tpu.memory_space<hbm>>
      %dma_wait3A_47 = tpu.memref_squeeze %dma_wait3A_46 : memref<1x128xi32, #tpu.memory_space<hbm>> -> memref<128xi32, #tpu.memory_space<hbm>>
      %dma_wait3A_48 = arith.constant 0 : i32
      %dma_wait3A_49 = tpu.memref_slice %arg6[%dma_wait3A, %dma_wait3A_48] : memref<2x128xi32, #tpu.memory_space<vmem>> -> memref<1x128xi32, #tpu.memory_space<vmem>>
      %dma_wait3A_50 = tpu.memref_squeeze %dma_wait3A_49 : memref<1x128xi32, #tpu.memory_space<vmem>> -> memref<128xi32, #tpu.memory_space<vmem>>
      %dma_wait3A_51 = arith.constant 0 : i32
      %dma_wait3A_52 = tpu.memref_slice %arg2[%add3A_41, %dma_wait3A_51] : memref<2560x128xi32, #tpu.memory_space<hbm>> -> memref<1x128xi32, #tpu.memory_space<hbm>>
      %dma_wait3A_53 = tpu.memref_squeeze %dma_wait3A_52 : memref<1x128xi32, #tpu.memory_space<hbm>> -> memref<128xi32, #tpu.memory_space<hbm>>
      tpu.wait_dma2 semaphore(%arg10 : memref<!tpu.dma_semaphore, #tpu.memory_space<semaphore_mem>>) src(%dma_wait3A_53 : memref<128xi32, #tpu.memory_space<hbm>>) dst(%dma_wait3A_50 : memref<128xi32, #tpu.memory_space<vmem>>)
      %run_scoped3A_54 = arith.constant 0 : i32
      "tpu.region"() ({
        %run_scoped3A_72 = tpu.sem_alloc : memref<!tpu.dma_semaphore, #tpu.memory_space<semaphore_mem>>
        %dma_start3A_73 = arith.constant 0 : i32
        %dma_start3A_74 = tpu.memref_slice %arg6[%run_scoped3A_54, %dma_start3A_73] : memref<2x128xi32, #tpu.memory_space<vmem>> -> memref<1x128xi32, #tpu.memory_space<vmem>>
        %dma_start3A_75 = tpu.memref_squeeze %dma_start3A_74 : memref<1x128xi32, #tpu.memory_space<vmem>> -> memref<128xi32, #tpu.memory_space<vmem>>
        %dma_start3A_76 = arith.constant 0 : i32
        %dma_start3A_77 = arith.constant 0 : i32
        %dma_start3A_78 = tpu.memref_slice %arg8[%dma_start3A_76, %dma_start3A_77] : memref<10112x128xf32, #tpu.memory_space<vmem_shared>> -> memref<10112x128xf32, #tpu.memory_space<vmem_shared>>
        tpu.enqueue_indirect_dma source(%arg7 : memref<128x128xf32, #tpu.memory_space<vmem>>) target(%dma_start3A_78 : memref<10112x128xf32, #tpu.memory_space<vmem_shared>>) offsets(%dma_start3A_75 : memref<128xi32, #tpu.memory_space<vmem>>) semaphore(%run_scoped3A_72 : memref<!tpu.dma_semaphore, #tpu.memory_space<semaphore_mem>>) {add = true}
        %dma_wait3A_79 = arith.constant 0 : i32
        %dma_wait3A_80 = tpu.memref_slice %arg6[%run_scoped3A_54, %dma_wait3A_79] : memref<2x128xi32, #tpu.memory_space<vmem>> -> memref<1x128xi32, #tpu.memory_space<vmem>>
        %dma_wait3A_81 = tpu.memref_squeeze %dma_wait3A_80 : memref<1x128xi32, #tpu.memory_space<vmem>> -> memref<128xi32, #tpu.memory_space<vmem>>
        %dma_wait3A_82 = arith.constant 0 : i32
        %dma_wait3A_83 = arith.constant 0 : i32
        %dma_wait3A_84 = tpu.memref_slice %arg8[%dma_wait3A_82, %dma_wait3A_83] : memref<10112x128xf32, #tpu.memory_space<vmem_shared>> -> memref<10112x128xf32, #tpu.memory_space<vmem_shared>>
        tpu.wait_indirect_dma semaphore(%run_scoped3A_72 : memref<!tpu.dma_semaphore, #tpu.memory_space<semaphore_mem>>) src(%arg7 : memref<128x128xf32, #tpu.memory_space<vmem>>) dst(%dma_wait3A_84 : memref<10112x128xf32, #tpu.memory_space<vmem_shared>>)
        tpu.yield
      }) : () -> ()
      %lt3A = arith.constant 39 : i32
      %lt3A_55 = arith.cmpi slt, %scan3A_34, %lt3A : i32
      %convert_element_type3A = arith.extui %lt3A_55 : i1 to i32
      %cond3A = arith.constant 0 : i32
      %cond3A_56 = arith.cmpi ne, %convert_element_type3A, %cond3A : i32
      scf.if %cond3A_56 {
        %add3A_72 = arith.addi %mul3A_6, %add3A_38 : i32
        %add3A_73 = arith.constant 2 : i32
        %add3A_74 = arith.addi %add3A_72, %add3A_73 : i32
        %dma_start3A_75 = arith.constant 0 : i32
        %dma_start3A_76 = arith.constant 0 : i32
        %dma_start3A_77 = tpu.memref_slice %arg6[%dma_start3A_75, %dma_start3A_76] : memref<2x128xi32, #tpu.memory_space<vmem>> -> memref<1x128xi32, #tpu.memory_space<vmem>>
        %dma_start3A_78 = tpu.memref_squeeze %dma_start3A_77 : memref<1x128xi32, #tpu.memory_space<vmem>> -> memref<128xi32, #tpu.memory_space<vmem>>
        %dma_start3A_79 = arith.constant 0 : i32
        %dma_start3A_80 = tpu.memref_slice %arg2[%add3A_74, %dma_start3A_79] : memref<2560x128xi32, #tpu.memory_space<hbm>> -> memref<1x128xi32, #tpu.memory_space<hbm>>
        %dma_start3A_81 = tpu.memref_squeeze %dma_start3A_80 : memref<1x128xi32, #tpu.memory_space<hbm>> -> memref<128xi32, #tpu.memory_space<hbm>>
        %dma_start3A_82 = arith.constant 0 : i32
        %dma_start3A_83 = tpu.memref_slice %arg6[%dma_start3A_75, %dma_start3A_82] : memref<2x128xi32, #tpu.memory_space<vmem>> -> memref<1x128xi32, #tpu.memory_space<vmem>>
        %dma_start3A_84 = tpu.memref_squeeze %dma_start3A_83 : memref<1x128xi32, #tpu.memory_space<vmem>> -> memref<128xi32, #tpu.memory_space<vmem>>
        %dma_start3A_85 = arith.constant 0 : i32
        %dma_start3A_86 = tpu.memref_slice %arg2[%add3A_74, %dma_start3A_85] : memref<2560x128xi32, #tpu.memory_space<hbm>> -> memref<1x128xi32, #tpu.memory_space<hbm>>
        %dma_start3A_87 = tpu.memref_squeeze %dma_start3A_86 : memref<1x128xi32, #tpu.memory_space<hbm>> -> memref<128xi32, #tpu.memory_space<hbm>>
        tpu.enqueue_dma source(%dma_start3A_87 : memref<128xi32, #tpu.memory_space<hbm>>) target(%dma_start3A_84 : memref<128xi32, #tpu.memory_space<vmem>>) target_semaphore(%arg9 : memref<!tpu.dma_semaphore, #tpu.memory_space<semaphore_mem>>)
      } else {
      }
      %mul3A_57 = arith.constant 2 : i32
      %mul3A_58 = arith.muli %mul3A_57, %scan3A_34 : i32
      %add3A_59 = arith.constant 1 : i32
      %add3A_60 = arith.addi %mul3A_58, %add3A_59 : i32
      %lt3A_61 = arith.constant 39 : i32
      %lt3A_62 = arith.cmpi slt, %scan3A_34, %lt3A_61 : i32
      %convert_element_type3A_63 = arith.extui %lt3A_62 : i1 to i32
      %cond3A_64 = arith.constant 0 : i32
      %cond3A_65 = arith.cmpi ne, %convert_element_type3A_63, %cond3A_64 : i32
      scf.if %cond3A_65 {
        %add3A_72 = arith.addi %mul3A_6, %add3A_60 : i32
        %add3A_73 = arith.constant 1 : i32
        %add3A_74 = arith.addi %add3A_72, %add3A_73 : i32
        %dma_wait3A_75 = arith.constant 0 : i32
        %dma_wait3A_76 = arith.constant 0 : i32
        %dma_wait3A_77 = tpu.memref_slice %arg6[%dma_wait3A_75, %dma_wait3A_76] : memref<2x128xi32, #tpu.memory_space<vmem>> -> memref<1x128xi32, #tpu.memory_space<vmem>>
        %dma_wait3A_78 = tpu.memref_squeeze %dma_wait3A_77 : memref<1x128xi32, #tpu.memory_space<vmem>> -> memref<128xi32, #tpu.memory_space<vmem>>
        %dma_wait3A_79 = arith.constant 0 : i32
        %dma_wait3A_80 = tpu.memref_slice %arg2[%add3A_74, %dma_wait3A_79] : memref<2560x128xi32, #tpu.memory_space<hbm>> -> memref<1x128xi32, #tpu.memory_space<hbm>>
        %dma_wait3A_81 = tpu.memref_squeeze %dma_wait3A_80 : memref<1x128xi32, #tpu.memory_space<hbm>> -> memref<128xi32, #tpu.memory_space<hbm>>
        %dma_wait3A_82 = arith.constant 0 : i32
        %dma_wait3A_83 = tpu.memref_slice %arg6[%dma_wait3A_75, %dma_wait3A_82] : memref<2x128xi32, #tpu.memory_space<vmem>> -> memref<1x128xi32, #tpu.memory_space<vmem>>
        %dma_wait3A_84 = tpu.memref_squeeze %dma_wait3A_83 : memref<1x128xi32, #tpu.memory_space<vmem>> -> memref<128xi32, #tpu.memory_space<vmem>>
        %dma_wait3A_85 = arith.constant 0 : i32
        %dma_wait3A_86 = tpu.memref_slice %arg2[%add3A_74, %dma_wait3A_85] : memref<2560x128xi32, #tpu.memory_space<hbm>> -> memref<1x128xi32, #tpu.memory_space<hbm>>
        %dma_wait3A_87 = tpu.memref_squeeze %dma_wait3A_86 : memref<1x128xi32, #tpu.memory_space<hbm>> -> memref<128xi32, #tpu.memory_space<hbm>>
        tpu.wait_dma2 semaphore(%arg9 : memref<!tpu.dma_semaphore, #tpu.memory_space<semaphore_mem>>) src(%dma_wait3A_87 : memref<128xi32, #tpu.memory_space<hbm>>) dst(%dma_wait3A_84 : memref<128xi32, #tpu.memory_space<vmem>>)
      } else {
      }
      %run_scoped3A_66 = arith.constant 1 : i32
      "tpu.region"() ({
        %run_scoped3A_72 = tpu.sem_alloc : memref<!tpu.dma_semaphore, #tpu.memory_space<semaphore_mem>>
        %dma_start3A_73 = arith.constant 0 : i32
        %dma_start3A_74 = tpu.memref_slice %arg6[%run_scoped3A_66, %dma_start3A_73] : memref<2x128xi32, #tpu.memory_space<vmem>> -> memref<1x128xi32, #tpu.memory_space<vmem>>
        %dma_start3A_75 = tpu.memref_squeeze %dma_start3A_74 : memref<1x128xi32, #tpu.memory_space<vmem>> -> memref<128xi32, #tpu.memory_space<vmem>>
        %dma_start3A_76 = arith.constant 0 : i32
        %dma_start3A_77 = arith.constant 0 : i32
        %dma_start3A_78 = tpu.memref_slice %arg8[%dma_start3A_76, %dma_start3A_77] : memref<10112x128xf32, #tpu.memory_space<vmem_shared>> -> memref<10112x128xf32, #tpu.memory_space<vmem_shared>>
        tpu.enqueue_indirect_dma source(%arg7 : memref<128x128xf32, #tpu.memory_space<vmem>>) target(%dma_start3A_78 : memref<10112x128xf32, #tpu.memory_space<vmem_shared>>) offsets(%dma_start3A_75 : memref<128xi32, #tpu.memory_space<vmem>>) semaphore(%run_scoped3A_72 : memref<!tpu.dma_semaphore, #tpu.memory_space<semaphore_mem>>) {add = true}
        %dma_wait3A_79 = arith.constant 0 : i32
        %dma_wait3A_80 = tpu.memref_slice %arg6[%run_scoped3A_66, %dma_wait3A_79] : memref<2x128xi32, #tpu.memory_space<vmem>> -> memref<1x128xi32, #tpu.memory_space<vmem>>
        %dma_wait3A_81 = tpu.memref_squeeze %dma_wait3A_80 : memref<1x128xi32, #tpu.memory_space<vmem>> -> memref<128xi32, #tpu.memory_space<vmem>>
        %dma_wait3A_82 = arith.constant 0 : i32
        %dma_wait3A_83 = arith.constant 0 : i32
        %dma_wait3A_84 = tpu.memref_slice %arg8[%dma_wait3A_82, %dma_wait3A_83] : memref<10112x128xf32, #tpu.memory_space<vmem_shared>> -> memref<10112x128xf32, #tpu.memory_space<vmem_shared>>
        tpu.wait_indirect_dma semaphore(%run_scoped3A_72 : memref<!tpu.dma_semaphore, #tpu.memory_space<semaphore_mem>>) src(%arg7 : memref<128x128xf32, #tpu.memory_space<vmem>>) dst(%dma_wait3A_84 : memref<10112x128xf32, #tpu.memory_space<vmem_shared>>)
        tpu.yield
      }) : () -> ()
      %lt3A_67 = arith.constant 39 : i32
      %lt3A_68 = arith.cmpi slt, %scan3A_34, %lt3A_67 : i32
      %convert_element_type3A_69 = arith.extui %lt3A_68 : i1 to i32
      %cond3A_70 = arith.constant 0 : i32
      %cond3A_71 = arith.cmpi ne, %convert_element_type3A_69, %cond3A_70 : i32
      scf.if %cond3A_71 {
        %add3A_72 = arith.addi %mul3A_6, %add3A_60 : i32
        %add3A_73 = arith.constant 2 : i32
        %add3A_74 = arith.addi %add3A_72, %add3A_73 : i32
        %dma_start3A_75 = arith.constant 1 : i32
        %dma_start3A_76 = arith.constant 0 : i32
        %dma_start3A_77 = tpu.memref_slice %arg6[%dma_start3A_75, %dma_start3A_76] : memref<2x128xi32, #tpu.memory_space<vmem>> -> memref<1x128xi32, #tpu.memory_space<vmem>>
        %dma_start3A_78 = tpu.memref_squeeze %dma_start3A_77 : memref<1x128xi32, #tpu.memory_space<vmem>> -> memref<128xi32, #tpu.memory_space<vmem>>
        %dma_start3A_79 = arith.constant 0 : i32
        %dma_start3A_80 = tpu.memref_slice %arg2[%add3A_74, %dma_start3A_79] : memref<2560x128xi32, #tpu.memory_space<hbm>> -> memref<1x128xi32, #tpu.memory_space<hbm>>
        %dma_start3A_81 = tpu.memref_squeeze %dma_start3A_80 : memref<1x128xi32, #tpu.memory_space<hbm>> -> memref<128xi32, #tpu.memory_space<hbm>>
        %dma_start3A_82 = arith.constant 0 : i32
        %dma_start3A_83 = tpu.memref_slice %arg6[%dma_start3A_75, %dma_start3A_82] : memref<2x128xi32, #tpu.memory_space<vmem>> -> memref<1x128xi32, #tpu.memory_space<vmem>>
        %dma_start3A_84 = tpu.memref_squeeze %dma_start3A_83 : memref<1x128xi32, #tpu.memory_space<vmem>> -> memref<128xi32, #tpu.memory_space<vmem>>
        %dma_start3A_85 = arith.constant 0 : i32
        %dma_start3A_86 = tpu.memref_slice %arg2[%add3A_74, %dma_start3A_85] : memref<2560x128xi32, #tpu.memory_space<hbm>> -> memref<1x128xi32, #tpu.memory_space<hbm>>
        %dma_start3A_87 = tpu.memref_squeeze %dma_start3A_86 : memref<1x128xi32, #tpu.memory_space<hbm>> -> memref<128xi32, #tpu.memory_space<hbm>>
        tpu.enqueue_dma source(%dma_start3A_87 : memref<128xi32, #tpu.memory_space<hbm>>) target(%dma_start3A_84 : memref<128xi32, #tpu.memory_space<vmem>>) target_semaphore(%arg10 : memref<!tpu.dma_semaphore, #tpu.memory_space<semaphore_mem>>)
      } else {
      }
    }
    %scan3A_25 = arith.constant 40 : i32
    %barrier3A_26 = arith.constant 0 : index
    tpu.barrier barrier_id(%barrier3A_26)
    %mul3A_27 = arith.constant 632 : i32
    %mul3A_28 = arith.muli %arg1, %mul3A_27 : i32
    %mul3A_29 = arith.constant 10112 : i32
    %mul3A_30 = arith.muli %arg0, %mul3A_29 : i32
    %mul3A_31 = arith.constant 632 : i32
    %mul3A_32 = arith.muli %arg1, %mul3A_31 : i32
    %add3A_33 = arith.addi %mul3A_30, %mul3A_32 : i32
    "tpu.region"() ({
      %run_scoped3A_34 = tpu.sem_alloc : memref<!tpu.dma_semaphore, #tpu.memory_space<semaphore_mem>>
      %dma_start3A_35 = arith.constant 0 : i32
      %dma_start3A_36 = tpu.memref_slice %arg5[%add3A_33, %dma_start3A_35] : memref<20224x128xf32, #tpu.memory_space<hbm>> -> memref<632x128xf32, #tpu.memory_space<hbm>>
      %dma_start3A_37 = arith.constant 0 : i32
      %dma_start3A_38 = tpu.memref_slice %arg8[%mul3A_28, %dma_start3A_37] : memref<10112x128xf32, #tpu.memory_space<vmem_shared>> -> memref<632x128xf32, #tpu.memory_space<vmem_shared>>
      tpu.enqueue_dma source(%dma_start3A_38 : memref<632x128xf32, #tpu.memory_space<vmem_shared>>) target(%dma_start3A_36 : memref<632x128xf32, #tpu.memory_space<hbm>>) target_semaphore(%run_scoped3A_34 : memref<!tpu.dma_semaphore, #tpu.memory_space<semaphore_mem>>)
      %dma_wait3A = arith.constant 0 : i32
      %dma_wait3A_39 = tpu.memref_slice %arg5[%add3A_33, %dma_wait3A] : memref<20224x128xf32, #tpu.memory_space<hbm>> -> memref<632x128xf32, #tpu.memory_space<hbm>>
      %dma_wait3A_40 = arith.constant 0 : i32
      %dma_wait3A_41 = tpu.memref_slice %arg8[%mul3A_28, %dma_wait3A_40] : memref<10112x128xf32, #tpu.memory_space<vmem_shared>> -> memref<632x128xf32, #tpu.memory_space<vmem_shared>>
      tpu.wait_dma2 semaphore(%run_scoped3A_34 : memref<!tpu.dma_semaphore, #tpu.memory_space<semaphore_mem>>) src(%dma_wait3A_41 : memref<632x128xf32, #tpu.memory_space<vmem_shared>>) dst(%dma_wait3A_39 : memref<632x128xf32, #tpu.memory_space<hbm>>)
      tpu.yield
    }) : () -> ()
    return
  }
}

#map = affine_map<(d0, d1) -> (0, 0)>
module attributes {stable_mosaic.version = 14 : i64} {
  func.func @_scatter_body(%arg0: i32, %arg1: i32, %arg2: memref<20000x128xf32, #tpu.memory_space<hbm>>, %arg3: memref<5120x128xi32, #tpu.memory_space<hbm>>, %arg4: memref<2560x128xi32, #tpu.memory_space<hbm>>, %arg5: memref<10112x128xf32, #tpu.memory_space<hbm>>, %arg6: memref<20224x128xf32, #tpu.memory_space<hbm>>, %arg7: memref<2x128xi32, #tpu.memory_space<vmem>>, %arg8: memref<2x128xi32, #tpu.memory_space<vmem>>, %arg9: memref<2x128x128xf32, #tpu.memory_space<vmem>>, %arg10: memref<10112x128xf32, #tpu.memory_space<vmem_shared>>, %arg11: memref<!tpu.dma_semaphore, #tpu.memory_space<semaphore_mem>>, %arg12: memref<!tpu.dma_semaphore, #tpu.memory_space<semaphore_mem>>, %arg13: memref<!tpu.dma_semaphore, #tpu.memory_space<semaphore_mem>>, %arg14: memref<!tpu.dma_semaphore, #tpu.memory_space<semaphore_mem>>, %arg15: memref<!tpu.dma_semaphore, #tpu.memory_space<semaphore_mem>>, %arg16: memref<!tpu.dma_semaphore, #tpu.memory_space<semaphore_mem>>) attributes {dimension_semantics = [#tpu.dimension_semantics<core_parallel>, #tpu.dimension_semantics<subcore_parallel>], iteration_bounds = array<i64: 2, 16>, scalar_prefetch = 0 : i64, scratch_operands = 10 : i64, tpu.core_type = #tpu.core_type<sc_vector_subcore>, window_params = [{transform_indices = #map}, {transform_indices = #map}, {transform_indices = #map}, {transform_indices = #map}, {transform_indices = #map}]} {
    %mul3A = arith.constant 632 : i32
    %mul3A_0 = arith.muli %arg1, %mul3A : i32
    %mul3A_1 = arith.constant 632 : i32
    %mul3A_2 = arith.muli %arg1, %mul3A_1 : i32
    "tpu.region"() ({
      %run_scoped3A_62 = tpu.sem_alloc : memref<!tpu.dma_semaphore, #tpu.memory_space<semaphore_mem>>
      %dma_start3A_63 = arith.constant 0 : i32
      %dma_start3A_64 = tpu.memref_slice %arg10[%mul3A_2, %dma_start3A_63] : memref<10112x128xf32, #tpu.memory_space<vmem_shared>> -> memref<632x128xf32, #tpu.memory_space<vmem_shared>>
      %dma_start3A_65 = arith.constant 0 : i32
      %dma_start3A_66 = tpu.memref_slice %arg5[%mul3A_0, %dma_start3A_65] : memref<10112x128xf32, #tpu.memory_space<hbm>> -> memref<632x128xf32, #tpu.memory_space<hbm>>
      tpu.enqueue_dma source(%dma_start3A_66 : memref<632x128xf32, #tpu.memory_space<hbm>>) target(%dma_start3A_64 : memref<632x128xf32, #tpu.memory_space<vmem_shared>>) target_semaphore(%run_scoped3A_62 : memref<!tpu.dma_semaphore, #tpu.memory_space<semaphore_mem>>)
      %dma_wait3A = arith.constant 0 : i32
      %dma_wait3A_67 = tpu.memref_slice %arg10[%mul3A_2, %dma_wait3A] : memref<10112x128xf32, #tpu.memory_space<vmem_shared>> -> memref<632x128xf32, #tpu.memory_space<vmem_shared>>
      %dma_wait3A_68 = arith.constant 0 : i32
      %dma_wait3A_69 = tpu.memref_slice %arg5[%mul3A_0, %dma_wait3A_68] : memref<10112x128xf32, #tpu.memory_space<hbm>> -> memref<632x128xf32, #tpu.memory_space<hbm>>
      tpu.wait_dma2 semaphore(%run_scoped3A_62 : memref<!tpu.dma_semaphore, #tpu.memory_space<semaphore_mem>>) src(%dma_wait3A_69 : memref<632x128xf32, #tpu.memory_space<hbm>>) dst(%dma_wait3A_67 : memref<632x128xf32, #tpu.memory_space<vmem_shared>>)
      tpu.yield
    }) : () -> ()
    %barrier3A = arith.constant 0 : index
    tpu.barrier barrier_id(%barrier3A)
    %mul3A_3 = arith.constant 160 : i32
    %mul3A_4 = arith.muli %arg1, %mul3A_3 : i32
    %mul3A_5 = arith.constant 2560 : i32
    %mul3A_6 = arith.muli %arg0, %mul3A_5 : i32
    %add3A = arith.addi %mul3A_6, %mul3A_4 : i32
    %run_scoped3A = arith.constant 0 : i32
    "tpu.region"() ({
      %run_scoped3A_62 = tpu.sem_alloc : memref<!tpu.dma_semaphore, #tpu.memory_space<semaphore_mem>>
      %dma_start3A_63 = arith.constant 0 : i32
      %dma_start3A_64 = tpu.memref_slice %arg7[%run_scoped3A, %dma_start3A_63] : memref<2x128xi32, #tpu.memory_space<vmem>> -> memref<1x128xi32, #tpu.memory_space<vmem>>
      %dma_start3A_65 = tpu.memref_squeeze %dma_start3A_64 : memref<1x128xi32, #tpu.memory_space<vmem>> -> memref<128xi32, #tpu.memory_space<vmem>>
      %dma_start3A_66 = arith.constant 0 : i32
      %dma_start3A_67 = tpu.memref_slice %arg3[%add3A, %dma_start3A_66] : memref<5120x128xi32, #tpu.memory_space<hbm>> -> memref<1x128xi32, #tpu.memory_space<hbm>>
      %dma_start3A_68 = tpu.memref_squeeze %dma_start3A_67 : memref<1x128xi32, #tpu.memory_space<hbm>> -> memref<128xi32, #tpu.memory_space<hbm>>
      %dma_start3A_69 = arith.constant 0 : i32
      %dma_start3A_70 = tpu.memref_slice %arg7[%run_scoped3A, %dma_start3A_69] : memref<2x128xi32, #tpu.memory_space<vmem>> -> memref<1x128xi32, #tpu.memory_space<vmem>>
      %dma_start3A_71 = tpu.memref_squeeze %dma_start3A_70 : memref<1x128xi32, #tpu.memory_space<vmem>> -> memref<128xi32, #tpu.memory_space<vmem>>
      %dma_start3A_72 = arith.constant 0 : i32
      %dma_start3A_73 = tpu.memref_slice %arg3[%add3A, %dma_start3A_72] : memref<5120x128xi32, #tpu.memory_space<hbm>> -> memref<1x128xi32, #tpu.memory_space<hbm>>
      %dma_start3A_74 = tpu.memref_squeeze %dma_start3A_73 : memref<1x128xi32, #tpu.memory_space<hbm>> -> memref<128xi32, #tpu.memory_space<hbm>>
      tpu.enqueue_dma source(%dma_start3A_74 : memref<128xi32, #tpu.memory_space<hbm>>) target(%dma_start3A_71 : memref<128xi32, #tpu.memory_space<vmem>>) target_semaphore(%run_scoped3A_62 : memref<!tpu.dma_semaphore, #tpu.memory_space<semaphore_mem>>)
      %dma_wait3A = arith.constant 0 : i32
      %dma_wait3A_75 = tpu.memref_slice %arg7[%run_scoped3A, %dma_wait3A] : memref<2x128xi32, #tpu.memory_space<vmem>> -> memref<1x128xi32, #tpu.memory_space<vmem>>
      %dma_wait3A_76 = tpu.memref_squeeze %dma_wait3A_75 : memref<1x128xi32, #tpu.memory_space<vmem>> -> memref<128xi32, #tpu.memory_space<vmem>>
      %dma_wait3A_77 = arith.constant 0 : i32
      %dma_wait3A_78 = tpu.memref_slice %arg3[%add3A, %dma_wait3A_77] : memref<5120x128xi32, #tpu.memory_space<hbm>> -> memref<1x128xi32, #tpu.memory_space<hbm>>
      %dma_wait3A_79 = tpu.memref_squeeze %dma_wait3A_78 : memref<1x128xi32, #tpu.memory_space<hbm>> -> memref<128xi32, #tpu.memory_space<hbm>>
      %dma_wait3A_80 = arith.constant 0 : i32
      %dma_wait3A_81 = tpu.memref_slice %arg7[%run_scoped3A, %dma_wait3A_80] : memref<2x128xi32, #tpu.memory_space<vmem>> -> memref<1x128xi32, #tpu.memory_space<vmem>>
      %dma_wait3A_82 = tpu.memref_squeeze %dma_wait3A_81 : memref<1x128xi32, #tpu.memory_space<vmem>> -> memref<128xi32, #tpu.memory_space<vmem>>
      %dma_wait3A_83 = arith.constant 0 : i32
      %dma_wait3A_84 = tpu.memref_slice %arg3[%add3A, %dma_wait3A_83] : memref<5120x128xi32, #tpu.memory_space<hbm>> -> memref<1x128xi32, #tpu.memory_space<hbm>>
      %dma_wait3A_85 = tpu.memref_squeeze %dma_wait3A_84 : memref<1x128xi32, #tpu.memory_space<hbm>> -> memref<128xi32, #tpu.memory_space<hbm>>
      tpu.wait_dma2 semaphore(%run_scoped3A_62 : memref<!tpu.dma_semaphore, #tpu.memory_space<semaphore_mem>>) src(%dma_wait3A_85 : memref<128xi32, #tpu.memory_space<hbm>>) dst(%dma_wait3A_82 : memref<128xi32, #tpu.memory_space<vmem>>)
      tpu.yield
    }) : () -> ()
    %run_scoped3A_7 = arith.constant 0 : i32
    "tpu.region"() ({
      %run_scoped3A_62 = tpu.sem_alloc : memref<!tpu.dma_semaphore, #tpu.memory_space<semaphore_mem>>
      %dma_start3A_63 = arith.constant 0 : i32
      %dma_start3A_64 = tpu.memref_slice %arg8[%run_scoped3A_7, %dma_start3A_63] : memref<2x128xi32, #tpu.memory_space<vmem>> -> memref<1x128xi32, #tpu.memory_space<vmem>>
      %dma_start3A_65 = tpu.memref_squeeze %dma_start3A_64 : memref<1x128xi32, #tpu.memory_space<vmem>> -> memref<128xi32, #tpu.memory_space<vmem>>
      %dma_start3A_66 = arith.constant 0 : i32
      %dma_start3A_67 = tpu.memref_slice %arg4[%mul3A_4, %dma_start3A_66] : memref<2560x128xi32, #tpu.memory_space<hbm>> -> memref<1x128xi32, #tpu.memory_space<hbm>>
      %dma_start3A_68 = tpu.memref_squeeze %dma_start3A_67 : memref<1x128xi32, #tpu.memory_space<hbm>> -> memref<128xi32, #tpu.memory_space<hbm>>
      %dma_start3A_69 = arith.constant 0 : i32
      %dma_start3A_70 = tpu.memref_slice %arg8[%run_scoped3A_7, %dma_start3A_69] : memref<2x128xi32, #tpu.memory_space<vmem>> -> memref<1x128xi32, #tpu.memory_space<vmem>>
      %dma_start3A_71 = tpu.memref_squeeze %dma_start3A_70 : memref<1x128xi32, #tpu.memory_space<vmem>> -> memref<128xi32, #tpu.memory_space<vmem>>
      %dma_start3A_72 = arith.constant 0 : i32
      %dma_start3A_73 = tpu.memref_slice %arg4[%mul3A_4, %dma_start3A_72] : memref<2560x128xi32, #tpu.memory_space<hbm>> -> memref<1x128xi32, #tpu.memory_space<hbm>>
      %dma_start3A_74 = tpu.memref_squeeze %dma_start3A_73 : memref<1x128xi32, #tpu.memory_space<hbm>> -> memref<128xi32, #tpu.memory_space<hbm>>
      tpu.enqueue_dma source(%dma_start3A_74 : memref<128xi32, #tpu.memory_space<hbm>>) target(%dma_start3A_71 : memref<128xi32, #tpu.memory_space<vmem>>) target_semaphore(%run_scoped3A_62 : memref<!tpu.dma_semaphore, #tpu.memory_space<semaphore_mem>>)
      %dma_wait3A = arith.constant 0 : i32
      %dma_wait3A_75 = tpu.memref_slice %arg8[%run_scoped3A_7, %dma_wait3A] : memref<2x128xi32, #tpu.memory_space<vmem>> -> memref<1x128xi32, #tpu.memory_space<vmem>>
      %dma_wait3A_76 = tpu.memref_squeeze %dma_wait3A_75 : memref<1x128xi32, #tpu.memory_space<vmem>> -> memref<128xi32, #tpu.memory_space<vmem>>
      %dma_wait3A_77 = arith.constant 0 : i32
      %dma_wait3A_78 = tpu.memref_slice %arg4[%mul3A_4, %dma_wait3A_77] : memref<2560x128xi32, #tpu.memory_space<hbm>> -> memref<1x128xi32, #tpu.memory_space<hbm>>
      %dma_wait3A_79 = tpu.memref_squeeze %dma_wait3A_78 : memref<1x128xi32, #tpu.memory_space<hbm>> -> memref<128xi32, #tpu.memory_space<hbm>>
      %dma_wait3A_80 = arith.constant 0 : i32
      %dma_wait3A_81 = tpu.memref_slice %arg8[%run_scoped3A_7, %dma_wait3A_80] : memref<2x128xi32, #tpu.memory_space<vmem>> -> memref<1x128xi32, #tpu.memory_space<vmem>>
      %dma_wait3A_82 = tpu.memref_squeeze %dma_wait3A_81 : memref<1x128xi32, #tpu.memory_space<vmem>> -> memref<128xi32, #tpu.memory_space<vmem>>
      %dma_wait3A_83 = arith.constant 0 : i32
      %dma_wait3A_84 = tpu.memref_slice %arg4[%mul3A_4, %dma_wait3A_83] : memref<2560x128xi32, #tpu.memory_space<hbm>> -> memref<1x128xi32, #tpu.memory_space<hbm>>
      %dma_wait3A_85 = tpu.memref_squeeze %dma_wait3A_84 : memref<1x128xi32, #tpu.memory_space<hbm>> -> memref<128xi32, #tpu.memory_space<hbm>>
      tpu.wait_dma2 semaphore(%run_scoped3A_62 : memref<!tpu.dma_semaphore, #tpu.memory_space<semaphore_mem>>) src(%dma_wait3A_85 : memref<128xi32, #tpu.memory_space<hbm>>) dst(%dma_wait3A_82 : memref<128xi32, #tpu.memory_space<vmem>>)
      tpu.yield
    }) : () -> ()
    %dma_start3A = arith.constant 0 : i32
    %dma_start3A_8 = arith.constant 0 : i32
    %dma_start3A_9 = arith.constant 0 : i32
    %dma_start3A_10 = arith.constant 0 : i32
    %dma_start3A_11 = tpu.memref_slice %arg9[%dma_start3A_8, %dma_start3A_9, %dma_start3A_10] : memref<2x128x128xf32, #tpu.memory_space<vmem>> -> memref<1x128x128xf32, #tpu.memory_space<vmem>>
    %dma_start3A_12 = tpu.memref_squeeze %dma_start3A_11 : memref<1x128x128xf32, #tpu.memory_space<vmem>> -> memref<128x128xf32, #tpu.memory_space<vmem>>
    %dma_start3A_13 = arith.constant 0 : i32
    %dma_start3A_14 = tpu.memref_slice %arg7[%dma_start3A, %dma_start3A_13] : memref<2x128xi32, #tpu.memory_space<vmem>> -> memref<1x128xi32, #tpu.memory_space<vmem>>
    %dma_start3A_15 = tpu.memref_squeeze %dma_start3A_14 : memref<1x128xi32, #tpu.memory_space<vmem>> -> memref<128xi32, #tpu.memory_space<vmem>>
    %dma_start3A_16 = arith.constant 0 : i32
    %dma_start3A_17 = arith.constant 0 : i32
    %dma_start3A_18 = tpu.memref_slice %arg2[%dma_start3A_16, %dma_start3A_17] : memref<20000x128xf32, #tpu.memory_space<hbm>> -> memref<20000x128xf32, #tpu.memory_space<hbm>>
    tpu.enqueue_indirect_dma source(%dma_start3A_18 : memref<20000x128xf32, #tpu.memory_space<hbm>>) target(%dma_start3A_12 : memref<128x128xf32, #tpu.memory_space<vmem>>) offsets(%dma_start3A_15 : memref<128xi32, #tpu.memory_space<vmem>>) semaphore(%arg15 : memref<!tpu.dma_semaphore, #tpu.memory_space<semaphore_mem>>)
    %add3A_19 = arith.constant 1 : i32
    %add3A_20 = arith.addi %add3A, %add3A_19 : i32
    %dma_start3A_21 = arith.constant 1 : i32
    %dma_start3A_22 = arith.constant 0 : i32
    %dma_start3A_23 = tpu.memref_slice %arg7[%dma_start3A_21, %dma_start3A_22] : memref<2x128xi32, #tpu.memory_space<vmem>> -> memref<1x128xi32, #tpu.memory_space<vmem>>
    %dma_start3A_24 = tpu.memref_squeeze %dma_start3A_23 : memref<1x128xi32, #tpu.memory_space<vmem>> -> memref<128xi32, #tpu.memory_space<vmem>>
    %dma_start3A_25 = arith.constant 0 : i32
    %dma_start3A_26 = tpu.memref_slice %arg3[%add3A_20, %dma_start3A_25] : memref<5120x128xi32, #tpu.memory_space<hbm>> -> memref<1x128xi32, #tpu.memory_space<hbm>>
    %dma_start3A_27 = tpu.memref_squeeze %dma_start3A_26 : memref<1x128xi32, #tpu.memory_space<hbm>> -> memref<128xi32, #tpu.memory_space<hbm>>
    %dma_start3A_28 = arith.constant 0 : i32
    %dma_start3A_29 = tpu.memref_slice %arg7[%dma_start3A_21, %dma_start3A_28] : memref<2x128xi32, #tpu.memory_space<vmem>> -> memref<1x128xi32, #tpu.memory_space<vmem>>
    %dma_start3A_30 = tpu.memref_squeeze %dma_start3A_29 : memref<1x128xi32, #tpu.memory_space<vmem>> -> memref<128xi32, #tpu.memory_space<vmem>>
    %dma_start3A_31 = arith.constant 0 : i32
    %dma_start3A_32 = tpu.memref_slice %arg3[%add3A_20, %dma_start3A_31] : memref<5120x128xi32, #tpu.memory_space<hbm>> -> memref<1x128xi32, #tpu.memory_space<hbm>>
    %dma_start3A_33 = tpu.memref_squeeze %dma_start3A_32 : memref<1x128xi32, #tpu.memory_space<hbm>> -> memref<128xi32, #tpu.memory_space<hbm>>
    tpu.enqueue_dma source(%dma_start3A_33 : memref<128xi32, #tpu.memory_space<hbm>>) target(%dma_start3A_30 : memref<128xi32, #tpu.memory_space<vmem>>) target_semaphore(%arg13 : memref<!tpu.dma_semaphore, #tpu.memory_space<semaphore_mem>>)
    %add3A_34 = arith.constant 1 : i32
    %add3A_35 = arith.addi %mul3A_4, %add3A_34 : i32
    %dma_start3A_36 = arith.constant 1 : i32
    %dma_start3A_37 = arith.constant 0 : i32
    %dma_start3A_38 = tpu.memref_slice %arg8[%dma_start3A_36, %dma_start3A_37] : memref<2x128xi32, #tpu.memory_space<vmem>> -> memref<1x128xi32, #tpu.memory_space<vmem>>
    %dma_start3A_39 = tpu.memref_squeeze %dma_start3A_38 : memref<1x128xi32, #tpu.memory_space<vmem>> -> memref<128xi32, #tpu.memory_space<vmem>>
    %dma_start3A_40 = arith.constant 0 : i32
    %dma_start3A_41 = tpu.memref_slice %arg4[%add3A_35, %dma_start3A_40] : memref<2560x128xi32, #tpu.memory_space<hbm>> -> memref<1x128xi32, #tpu.memory_space<hbm>>
    %dma_start3A_42 = tpu.memref_squeeze %dma_start3A_41 : memref<1x128xi32, #tpu.memory_space<hbm>> -> memref<128xi32, #tpu.memory_space<hbm>>
    %dma_start3A_43 = arith.constant 0 : i32
    %dma_start3A_44 = tpu.memref_slice %arg8[%dma_start3A_36, %dma_start3A_43] : memref<2x128xi32, #tpu.memory_space<vmem>> -> memref<1x128xi32, #tpu.memory_space<vmem>>
    %dma_start3A_45 = tpu.memref_squeeze %dma_start3A_44 : memref<1x128xi32, #tpu.memory_space<vmem>> -> memref<128xi32, #tpu.memory_space<vmem>>
    %dma_start3A_46 = arith.constant 0 : i32
    %dma_start3A_47 = tpu.memref_slice %arg4[%add3A_35, %dma_start3A_46] : memref<2560x128xi32, #tpu.memory_space<hbm>> -> memref<1x128xi32, #tpu.memory_space<hbm>>
    %dma_start3A_48 = tpu.memref_squeeze %dma_start3A_47 : memref<1x128xi32, #tpu.memory_space<hbm>> -> memref<128xi32, #tpu.memory_space<hbm>>
    tpu.enqueue_dma source(%dma_start3A_48 : memref<128xi32, #tpu.memory_space<hbm>>) target(%dma_start3A_45 : memref<128xi32, #tpu.memory_space<vmem>>) target_semaphore(%arg14 : memref<!tpu.dma_semaphore, #tpu.memory_space<semaphore_mem>>)
    %scan3A = arith.constant 0 : i32
    %scan3A_49 = arith.constant 0 : i32
    %scan3A_50 = arith.constant 80 : i32
    %scan3A_51 = arith.addi %scan3A_49, %scan3A_50 : i32
    %scan3A_52 = arith.constant 1 : i32
    scf.for %scan3A_62 = %scan3A_49 to %scan3A_51 step %scan3A_52  : i32 {
      %mul3A_63 = arith.constant 2 : i32
      %mul3A_64 = arith.muli %mul3A_63, %scan3A_62 : i32
      %add3A_65 = arith.constant 0 : i32
      %add3A_66 = arith.addi %mul3A_64, %add3A_65 : i32
      %add3A_67 = arith.addi %add3A, %add3A_66 : i32
      %add3A_68 = arith.constant 1 : i32
      %add3A_69 = arith.addi %add3A_67, %add3A_68 : i32
      %dma_wait3A = arith.constant 1 : i32
      %dma_wait3A_70 = arith.constant 0 : i32
      %dma_wait3A_71 = tpu.memref_slice %arg7[%dma_wait3A, %dma_wait3A_70] : memref<2x128xi32, #tpu.memory_space<vmem>> -> memref<1x128xi32, #tpu.memory_space<vmem>>
      %dma_wait3A_72 = tpu.memref_squeeze %dma_wait3A_71 : memref<1x128xi32, #tpu.memory_space<vmem>> -> memref<128xi32, #tpu.memory_space<vmem>>
      %dma_wait3A_73 = arith.constant 0 : i32
      %dma_wait3A_74 = tpu.memref_slice %arg3[%add3A_69, %dma_wait3A_73] : memref<5120x128xi32, #tpu.memory_space<hbm>> -> memref<1x128xi32, #tpu.memory_space<hbm>>
      %dma_wait3A_75 = tpu.memref_squeeze %dma_wait3A_74 : memref<1x128xi32, #tpu.memory_space<hbm>> -> memref<128xi32, #tpu.memory_space<hbm>>
      %dma_wait3A_76 = arith.constant 0 : i32
      %dma_wait3A_77 = tpu.memref_slice %arg7[%dma_wait3A, %dma_wait3A_76] : memref<2x128xi32, #tpu.memory_space<vmem>> -> memref<1x128xi32, #tpu.memory_space<vmem>>
      %dma_wait3A_78 = tpu.memref_squeeze %dma_wait3A_77 : memref<1x128xi32, #tpu.memory_space<vmem>> -> memref<128xi32, #tpu.memory_space<vmem>>
      %dma_wait3A_79 = arith.constant 0 : i32
      %dma_wait3A_80 = tpu.memref_slice %arg3[%add3A_69, %dma_wait3A_79] : memref<5120x128xi32, #tpu.memory_space<hbm>> -> memref<1x128xi32, #tpu.memory_space<hbm>>
      %dma_wait3A_81 = tpu.memref_squeeze %dma_wait3A_80 : memref<1x128xi32, #tpu.memory_space<hbm>> -> memref<128xi32, #tpu.memory_space<hbm>>
      tpu.wait_dma2 semaphore(%arg13 : memref<!tpu.dma_semaphore, #tpu.memory_space<semaphore_mem>>) src(%dma_wait3A_81 : memref<128xi32, #tpu.memory_space<hbm>>) dst(%dma_wait3A_78 : memref<128xi32, #tpu.memory_space<vmem>>)
      %add3A_82 = arith.addi %mul3A_4, %add3A_66 : i32
      %add3A_83 = arith.constant 1 : i32
      %add3A_84 = arith.addi %add3A_82, %add3A_83 : i32
      %dma_wait3A_85 = arith.constant 1 : i32
      %dma_wait3A_86 = arith.constant 0 : i32
      %dma_wait3A_87 = tpu.memref_slice %arg8[%dma_wait3A_85, %dma_wait3A_86] : memref<2x128xi32, #tpu.memory_space<vmem>> -> memref<1x128xi32, #tpu.memory_space<vmem>>
      %dma_wait3A_88 = tpu.memref_squeeze %dma_wait3A_87 : memref<1x128xi32, #tpu.memory_space<vmem>> -> memref<128xi32, #tpu.memory_space<vmem>>
      %dma_wait3A_89 = arith.constant 0 : i32
      %dma_wait3A_90 = tpu.memref_slice %arg4[%add3A_84, %dma_wait3A_89] : memref<2560x128xi32, #tpu.memory_space<hbm>> -> memref<1x128xi32, #tpu.memory_space<hbm>>
      %dma_wait3A_91 = tpu.memref_squeeze %dma_wait3A_90 : memref<1x128xi32, #tpu.memory_space<hbm>> -> memref<128xi32, #tpu.memory_space<hbm>>
      %dma_wait3A_92 = arith.constant 0 : i32
      %dma_wait3A_93 = tpu.memref_slice %arg8[%dma_wait3A_85, %dma_wait3A_92] : memref<2x128xi32, #tpu.memory_space<vmem>> -> memref<1x128xi32, #tpu.memory_space<vmem>>
      %dma_wait3A_94 = tpu.memref_squeeze %dma_wait3A_93 : memref<1x128xi32, #tpu.memory_space<vmem>> -> memref<128xi32, #tpu.memory_space<vmem>>
      %dma_wait3A_95 = arith.constant 0 : i32
      %dma_wait3A_96 = tpu.memref_slice %arg4[%add3A_84, %dma_wait3A_95] : memref<2560x128xi32, #tpu.memory_space<hbm>> -> memref<1x128xi32, #tpu.memory_space<hbm>>
      %dma_wait3A_97 = tpu.memref_squeeze %dma_wait3A_96 : memref<1x128xi32, #tpu.memory_space<hbm>> -> memref<128xi32, #tpu.memory_space<hbm>>
      tpu.wait_dma2 semaphore(%arg14 : memref<!tpu.dma_semaphore, #tpu.memory_space<semaphore_mem>>) src(%dma_wait3A_97 : memref<128xi32, #tpu.memory_space<hbm>>) dst(%dma_wait3A_94 : memref<128xi32, #tpu.memory_space<vmem>>)
      %dma_start3A_98 = arith.constant 1 : i32
      %dma_start3A_99 = arith.constant 1 : i32
      %dma_start3A_100 = arith.constant 0 : i32
      %dma_start3A_101 = arith.constant 0 : i32
      %dma_start3A_102 = tpu.memref_slice %arg9[%dma_start3A_99, %dma_start3A_100, %dma_start3A_101] : memref<2x128x128xf32, #tpu.memory_space<vmem>> -> memref<1x128x128xf32, #tpu.memory_space<vmem>>
      %dma_start3A_103 = tpu.memref_squeeze %dma_start3A_102 : memref<1x128x128xf32, #tpu.memory_space<vmem>> -> memref<128x128xf32, #tpu.memory_space<vmem>>
      %dma_start3A_104 = arith.constant 0 : i32
      %dma_start3A_105 = tpu.memref_slice %arg7[%dma_start3A_98, %dma_start3A_104] : memref<2x128xi32, #tpu.memory_space<vmem>> -> memref<1x128xi32, #tpu.memory_space<vmem>>
      %dma_start3A_106 = tpu.memref_squeeze %dma_start3A_105 : memref<1x128xi32, #tpu.memory_space<vmem>> -> memref<128xi32, #tpu.memory_space<vmem>>
      %dma_start3A_107 = arith.constant 0 : i32
      %dma_start3A_108 = arith.constant 0 : i32
      %dma_start3A_109 = tpu.memref_slice %arg2[%dma_start3A_107, %dma_start3A_108] : memref<20000x128xf32, #tpu.memory_space<hbm>> -> memref<20000x128xf32, #tpu.memory_space<hbm>>
      tpu.enqueue_indirect_dma source(%dma_start3A_109 : memref<20000x128xf32, #tpu.memory_space<hbm>>) target(%dma_start3A_103 : memref<128x128xf32, #tpu.memory_space<vmem>>) offsets(%dma_start3A_106 : memref<128xi32, #tpu.memory_space<vmem>>) semaphore(%arg16 : memref<!tpu.dma_semaphore, #tpu.memory_space<semaphore_mem>>)
      %dma_wait3A_110 = arith.constant 0 : i32
      %dma_wait3A_111 = arith.constant 0 : i32
      %dma_wait3A_112 = arith.constant 0 : i32
      %dma_wait3A_113 = arith.constant 0 : i32
      %dma_wait3A_114 = tpu.memref_slice %arg9[%dma_wait3A_111, %dma_wait3A_112, %dma_wait3A_113] : memref<2x128x128xf32, #tpu.memory_space<vmem>> -> memref<1x128x128xf32, #tpu.memory_space<vmem>>
      %dma_wait3A_115 = tpu.memref_squeeze %dma_wait3A_114 : memref<1x128x128xf32, #tpu.memory_space<vmem>> -> memref<128x128xf32, #tpu.memory_space<vmem>>
      %dma_wait3A_116 = arith.constant 0 : i32
      %dma_wait3A_117 = tpu.memref_slice %arg7[%dma_wait3A_110, %dma_wait3A_116] : memref<2x128xi32, #tpu.memory_space<vmem>> -> memref<1x128xi32, #tpu.memory_space<vmem>>
      %dma_wait3A_118 = tpu.memref_squeeze %dma_wait3A_117 : memref<1x128xi32, #tpu.memory_space<vmem>> -> memref<128xi32, #tpu.memory_space<vmem>>
      %dma_wait3A_119 = arith.constant 0 : i32
      %dma_wait3A_120 = arith.constant 0 : i32
      %dma_wait3A_121 = tpu.memref_slice %arg2[%dma_wait3A_119, %dma_wait3A_120] : memref<20000x128xf32, #tpu.memory_space<hbm>> -> memref<20000x128xf32, #tpu.memory_space<hbm>>
      tpu.wait_indirect_dma semaphore(%arg15 : memref<!tpu.dma_semaphore, #tpu.memory_space<semaphore_mem>>) src(%dma_wait3A_121 : memref<20000x128xf32, #tpu.memory_space<hbm>>) dst(%dma_wait3A_115 : memref<128x128xf32, #tpu.memory_space<vmem>>)
      %run_scoped3A_122 = arith.constant 0 : i32
      %run_scoped3A_123 = arith.constant 0 : i32
      "tpu.region"() ({
        %run_scoped3A_154 = tpu.sem_alloc : memref<!tpu.dma_semaphore, #tpu.memory_space<semaphore_mem>>
        %dma_start3A_155 = arith.constant 0 : i32
        %dma_start3A_156 = arith.constant 0 : i32
        %dma_start3A_157 = tpu.memref_slice %arg9[%run_scoped3A_122, %dma_start3A_155, %dma_start3A_156] : memref<2x128x128xf32, #tpu.memory_space<vmem>> -> memref<1x128x128xf32, #tpu.memory_space<vmem>>
        %dma_start3A_158 = tpu.memref_squeeze %dma_start3A_157 : memref<1x128x128xf32, #tpu.memory_space<vmem>> -> memref<128x128xf32, #tpu.memory_space<vmem>>
        %dma_start3A_159 = arith.constant 0 : i32
        %dma_start3A_160 = tpu.memref_slice %arg8[%run_scoped3A_123, %dma_start3A_159] : memref<2x128xi32, #tpu.memory_space<vmem>> -> memref<1x128xi32, #tpu.memory_space<vmem>>
        %dma_start3A_161 = tpu.memref_squeeze %dma_start3A_160 : memref<1x128xi32, #tpu.memory_space<vmem>> -> memref<128xi32, #tpu.memory_space<vmem>>
        %dma_start3A_162 = arith.constant 0 : i32
        %dma_start3A_163 = arith.constant 0 : i32
        %dma_start3A_164 = tpu.memref_slice %arg10[%dma_start3A_162, %dma_start3A_163] : memref<10112x128xf32, #tpu.memory_space<vmem_shared>> -> memref<10112x128xf32, #tpu.memory_space<vmem_shared>>
        tpu.enqueue_indirect_dma source(%dma_start3A_158 : memref<128x128xf32, #tpu.memory_space<vmem>>) target(%dma_start3A_164 : memref<10112x128xf32, #tpu.memory_space<vmem_shared>>) offsets(%dma_start3A_161 : memref<128xi32, #tpu.memory_space<vmem>>) semaphore(%run_scoped3A_154 : memref<!tpu.dma_semaphore, #tpu.memory_space<semaphore_mem>>) {add = true}
        %dma_wait3A_165 = arith.constant 0 : i32
        %dma_wait3A_166 = arith.constant 0 : i32
        %dma_wait3A_167 = tpu.memref_slice %arg9[%run_scoped3A_122, %dma_wait3A_165, %dma_wait3A_166] : memref<2x128x128xf32, #tpu.memory_space<vmem>> -> memref<1x128x128xf32, #tpu.memory_space<vmem>>
        %dma_wait3A_168 = tpu.memref_squeeze %dma_wait3A_167 : memref<1x128x128xf32, #tpu.memory_space<vmem>> -> memref<128x128xf32, #tpu.memory_space<vmem>>
        %dma_wait3A_169 = arith.constant 0 : i32
        %dma_wait3A_170 = tpu.memref_slice %arg8[%run_scoped3A_123, %dma_wait3A_169] : memref<2x128xi32, #tpu.memory_space<vmem>> -> memref<1x128xi32, #tpu.memory_space<vmem>>
        %dma_wait3A_171 = tpu.memref_squeeze %dma_wait3A_170 : memref<1x128xi32, #tpu.memory_space<vmem>> -> memref<128xi32, #tpu.memory_space<vmem>>
        %dma_wait3A_172 = arith.constant 0 : i32
        %dma_wait3A_173 = arith.constant 0 : i32
        %dma_wait3A_174 = tpu.memref_slice %arg10[%dma_wait3A_172, %dma_wait3A_173] : memref<10112x128xf32, #tpu.memory_space<vmem_shared>> -> memref<10112x128xf32, #tpu.memory_space<vmem_shared>>
        tpu.wait_indirect_dma semaphore(%run_scoped3A_154 : memref<!tpu.dma_semaphore, #tpu.memory_space<semaphore_mem>>) src(%dma_wait3A_168 : memref<128x128xf32, #tpu.memory_space<vmem>>) dst(%dma_wait3A_174 : memref<10112x128xf32, #tpu.memory_space<vmem_shared>>)
        tpu.yield
      }) : () -> ()
      %lt3A = arith.constant 79 : i32
      %lt3A_124 = arith.cmpi slt, %scan3A_62, %lt3A : i32
      %convert_element_type3A = arith.extui %lt3A_124 : i1 to i32
      %cond3A = arith.constant 0 : i32
      %cond3A_125 = arith.cmpi ne, %convert_element_type3A, %cond3A : i32
      scf.if %cond3A_125 {
        %add3A_154 = arith.addi %add3A, %add3A_66 : i32
        %add3A_155 = arith.constant 2 : i32
        %add3A_156 = arith.addi %add3A_154, %add3A_155 : i32
        %dma_start3A_157 = arith.constant 0 : i32
        %dma_start3A_158 = arith.constant 0 : i32
        %dma_start3A_159 = tpu.memref_slice %arg7[%dma_start3A_157, %dma_start3A_158] : memref<2x128xi32, #tpu.memory_space<vmem>> -> memref<1x128xi32, #tpu.memory_space<vmem>>
        %dma_start3A_160 = tpu.memref_squeeze %dma_start3A_159 : memref<1x128xi32, #tpu.memory_space<vmem>> -> memref<128xi32, #tpu.memory_space<vmem>>
        %dma_start3A_161 = arith.constant 0 : i32
        %dma_start3A_162 = tpu.memref_slice %arg3[%add3A_156, %dma_start3A_161] : memref<5120x128xi32, #tpu.memory_space<hbm>> -> memref<1x128xi32, #tpu.memory_space<hbm>>
        %dma_start3A_163 = tpu.memref_squeeze %dma_start3A_162 : memref<1x128xi32, #tpu.memory_space<hbm>> -> memref<128xi32, #tpu.memory_space<hbm>>
        %dma_start3A_164 = arith.constant 0 : i32
        %dma_start3A_165 = tpu.memref_slice %arg7[%dma_start3A_157, %dma_start3A_164] : memref<2x128xi32, #tpu.memory_space<vmem>> -> memref<1x128xi32, #tpu.memory_space<vmem>>
        %dma_start3A_166 = tpu.memref_squeeze %dma_start3A_165 : memref<1x128xi32, #tpu.memory_space<vmem>> -> memref<128xi32, #tpu.memory_space<vmem>>
        %dma_start3A_167 = arith.constant 0 : i32
        %dma_start3A_168 = tpu.memref_slice %arg3[%add3A_156, %dma_start3A_167] : memref<5120x128xi32, #tpu.memory_space<hbm>> -> memref<1x128xi32, #tpu.memory_space<hbm>>
        %dma_start3A_169 = tpu.memref_squeeze %dma_start3A_168 : memref<1x128xi32, #tpu.memory_space<hbm>> -> memref<128xi32, #tpu.memory_space<hbm>>
        tpu.enqueue_dma source(%dma_start3A_169 : memref<128xi32, #tpu.memory_space<hbm>>) target(%dma_start3A_166 : memref<128xi32, #tpu.memory_space<vmem>>) target_semaphore(%arg11 : memref<!tpu.dma_semaphore, #tpu.memory_space<semaphore_mem>>)
        %add3A_170 = arith.addi %mul3A_4, %add3A_66 : i32
        %add3A_171 = arith.constant 2 : i32
        %add3A_172 = arith.addi %add3A_170, %add3A_171 : i32
        %dma_start3A_173 = arith.constant 0 : i32
        %dma_start3A_174 = arith.constant 0 : i32
        %dma_start3A_175 = tpu.memref_slice %arg8[%dma_start3A_173, %dma_start3A_174] : memref<2x128xi32, #tpu.memory_space<vmem>> -> memref<1x128xi32, #tpu.memory_space<vmem>>
        %dma_start3A_176 = tpu.memref_squeeze %dma_start3A_175 : memref<1x128xi32, #tpu.memory_space<vmem>> -> memref<128xi32, #tpu.memory_space<vmem>>
        %dma_start3A_177 = arith.constant 0 : i32
        %dma_start3A_178 = tpu.memref_slice %arg4[%add3A_172, %dma_start3A_177] : memref<2560x128xi32, #tpu.memory_space<hbm>> -> memref<1x128xi32, #tpu.memory_space<hbm>>
        %dma_start3A_179 = tpu.memref_squeeze %dma_start3A_178 : memref<1x128xi32, #tpu.memory_space<hbm>> -> memref<128xi32, #tpu.memory_space<hbm>>
        %dma_start3A_180 = arith.constant 0 : i32
        %dma_start3A_181 = tpu.memref_slice %arg8[%dma_start3A_173, %dma_start3A_180] : memref<2x128xi32, #tpu.memory_space<vmem>> -> memref<1x128xi32, #tpu.memory_space<vmem>>
        %dma_start3A_182 = tpu.memref_squeeze %dma_start3A_181 : memref<1x128xi32, #tpu.memory_space<vmem>> -> memref<128xi32, #tpu.memory_space<vmem>>
        %dma_start3A_183 = arith.constant 0 : i32
        %dma_start3A_184 = tpu.memref_slice %arg4[%add3A_172, %dma_start3A_183] : memref<2560x128xi32, #tpu.memory_space<hbm>> -> memref<1x128xi32, #tpu.memory_space<hbm>>
        %dma_start3A_185 = tpu.memref_squeeze %dma_start3A_184 : memref<1x128xi32, #tpu.memory_space<hbm>> -> memref<128xi32, #tpu.memory_space<hbm>>
        tpu.enqueue_dma source(%dma_start3A_185 : memref<128xi32, #tpu.memory_space<hbm>>) target(%dma_start3A_182 : memref<128xi32, #tpu.memory_space<vmem>>) target_semaphore(%arg12 : memref<!tpu.dma_semaphore, #tpu.memory_space<semaphore_mem>>)
      } else {
      }
      %mul3A_126 = arith.constant 2 : i32
      %mul3A_127 = arith.muli %mul3A_126, %scan3A_62 : i32
      %add3A_128 = arith.constant 1 : i32
      %add3A_129 = arith.addi %mul3A_127, %add3A_128 : i32
      %lt3A_130 = arith.constant 79 : i32
      %lt3A_131 = arith.cmpi slt, %scan3A_62, %lt3A_130 : i32
      %convert_element_type3A_132 = arith.extui %lt3A_131 : i1 to i32
      %cond3A_133 = arith.constant 0 : i32
      %cond3A_134 = arith.cmpi ne, %convert_element_type3A_132, %cond3A_133 : i32
      scf.if %cond3A_134 {
        %add3A_154 = arith.addi %add3A, %add3A_129 : i32
        %add3A_155 = arith.constant 1 : i32
        %add3A_156 = arith.addi %add3A_154, %add3A_155 : i32
        %dma_wait3A_157 = arith.constant 0 : i32
        %dma_wait3A_158 = arith.constant 0 : i32
        %dma_wait3A_159 = tpu.memref_slice %arg7[%dma_wait3A_157, %dma_wait3A_158] : memref<2x128xi32, #tpu.memory_space<vmem>> -> memref<1x128xi32, #tpu.memory_space<vmem>>
        %dma_wait3A_160 = tpu.memref_squeeze %dma_wait3A_159 : memref<1x128xi32, #tpu.memory_space<vmem>> -> memref<128xi32, #tpu.memory_space<vmem>>
        %dma_wait3A_161 = arith.constant 0 : i32
        %dma_wait3A_162 = tpu.memref_slice %arg3[%add3A_156, %dma_wait3A_161] : memref<5120x128xi32, #tpu.memory_space<hbm>> -> memref<1x128xi32, #tpu.memory_space<hbm>>
        %dma_wait3A_163 = tpu.memref_squeeze %dma_wait3A_162 : memref<1x128xi32, #tpu.memory_space<hbm>> -> memref<128xi32, #tpu.memory_space<hbm>>
        %dma_wait3A_164 = arith.constant 0 : i32
        %dma_wait3A_165 = tpu.memref_slice %arg7[%dma_wait3A_157, %dma_wait3A_164] : memref<2x128xi32, #tpu.memory_space<vmem>> -> memref<1x128xi32, #tpu.memory_space<vmem>>
        %dma_wait3A_166 = tpu.memref_squeeze %dma_wait3A_165 : memref<1x128xi32, #tpu.memory_space<vmem>> -> memref<128xi32, #tpu.memory_space<vmem>>
        %dma_wait3A_167 = arith.constant 0 : i32
        %dma_wait3A_168 = tpu.memref_slice %arg3[%add3A_156, %dma_wait3A_167] : memref<5120x128xi32, #tpu.memory_space<hbm>> -> memref<1x128xi32, #tpu.memory_space<hbm>>
        %dma_wait3A_169 = tpu.memref_squeeze %dma_wait3A_168 : memref<1x128xi32, #tpu.memory_space<hbm>> -> memref<128xi32, #tpu.memory_space<hbm>>
        tpu.wait_dma2 semaphore(%arg11 : memref<!tpu.dma_semaphore, #tpu.memory_space<semaphore_mem>>) src(%dma_wait3A_169 : memref<128xi32, #tpu.memory_space<hbm>>) dst(%dma_wait3A_166 : memref<128xi32, #tpu.memory_space<vmem>>)
        %add3A_170 = arith.addi %mul3A_4, %add3A_129 : i32
        %add3A_171 = arith.constant 1 : i32
        %add3A_172 = arith.addi %add3A_170, %add3A_171 : i32
        %dma_wait3A_173 = arith.constant 0 : i32
        %dma_wait3A_174 = arith.constant 0 : i32
        %dma_wait3A_175 = tpu.memref_slice %arg8[%dma_wait3A_173, %dma_wait3A_174] : memref<2x128xi32, #tpu.memory_space<vmem>> -> memref<1x128xi32, #tpu.memory_space<vmem>>
        %dma_wait3A_176 = tpu.memref_squeeze %dma_wait3A_175 : memref<1x128xi32, #tpu.memory_space<vmem>> -> memref<128xi32, #tpu.memory_space<vmem>>
        %dma_wait3A_177 = arith.constant 0 : i32
        %dma_wait3A_178 = tpu.memref_slice %arg4[%add3A_172, %dma_wait3A_177] : memref<2560x128xi32, #tpu.memory_space<hbm>> -> memref<1x128xi32, #tpu.memory_space<hbm>>
        %dma_wait3A_179 = tpu.memref_squeeze %dma_wait3A_178 : memref<1x128xi32, #tpu.memory_space<hbm>> -> memref<128xi32, #tpu.memory_space<hbm>>
        %dma_wait3A_180 = arith.constant 0 : i32
        %dma_wait3A_181 = tpu.memref_slice %arg8[%dma_wait3A_173, %dma_wait3A_180] : memref<2x128xi32, #tpu.memory_space<vmem>> -> memref<1x128xi32, #tpu.memory_space<vmem>>
        %dma_wait3A_182 = tpu.memref_squeeze %dma_wait3A_181 : memref<1x128xi32, #tpu.memory_space<vmem>> -> memref<128xi32, #tpu.memory_space<vmem>>
        %dma_wait3A_183 = arith.constant 0 : i32
        %dma_wait3A_184 = tpu.memref_slice %arg4[%add3A_172, %dma_wait3A_183] : memref<2560x128xi32, #tpu.memory_space<hbm>> -> memref<1x128xi32, #tpu.memory_space<hbm>>
        %dma_wait3A_185 = tpu.memref_squeeze %dma_wait3A_184 : memref<1x128xi32, #tpu.memory_space<hbm>> -> memref<128xi32, #tpu.memory_space<hbm>>
        tpu.wait_dma2 semaphore(%arg12 : memref<!tpu.dma_semaphore, #tpu.memory_space<semaphore_mem>>) src(%dma_wait3A_185 : memref<128xi32, #tpu.memory_space<hbm>>) dst(%dma_wait3A_182 : memref<128xi32, #tpu.memory_space<vmem>>)
        %dma_start3A_186 = arith.constant 0 : i32
        %dma_start3A_187 = arith.constant 0 : i32
        %dma_start3A_188 = arith.constant 0 : i32
        %dma_start3A_189 = arith.constant 0 : i32
        %dma_start3A_190 = tpu.memref_slice %arg9[%dma_start3A_187, %dma_start3A_188, %dma_start3A_189] : memref<2x128x128xf32, #tpu.memory_space<vmem>> -> memref<1x128x128xf32, #tpu.memory_space<vmem>>
        %dma_start3A_191 = tpu.memref_squeeze %dma_start3A_190 : memref<1x128x128xf32, #tpu.memory_space<vmem>> -> memref<128x128xf32, #tpu.memory_space<vmem>>
        %dma_start3A_192 = arith.constant 0 : i32
        %dma_start3A_193 = tpu.memref_slice %arg7[%dma_start3A_186, %dma_start3A_192] : memref<2x128xi32, #tpu.memory_space<vmem>> -> memref<1x128xi32, #tpu.memory_space<vmem>>
        %dma_start3A_194 = tpu.memref_squeeze %dma_start3A_193 : memref<1x128xi32, #tpu.memory_space<vmem>> -> memref<128xi32, #tpu.memory_space<vmem>>
        %dma_start3A_195 = arith.constant 0 : i32
        %dma_start3A_196 = arith.constant 0 : i32
        %dma_start3A_197 = tpu.memref_slice %arg2[%dma_start3A_195, %dma_start3A_196] : memref<20000x128xf32, #tpu.memory_space<hbm>> -> memref<20000x128xf32, #tpu.memory_space<hbm>>
        tpu.enqueue_indirect_dma source(%dma_start3A_197 : memref<20000x128xf32, #tpu.memory_space<hbm>>) target(%dma_start3A_191 : memref<128x128xf32, #tpu.memory_space<vmem>>) offsets(%dma_start3A_194 : memref<128xi32, #tpu.memory_space<vmem>>) semaphore(%arg15 : memref<!tpu.dma_semaphore, #tpu.memory_space<semaphore_mem>>)
      } else {
      }
      %dma_wait3A_135 = arith.constant 1 : i32
      %dma_wait3A_136 = arith.constant 1 : i32
      %dma_wait3A_137 = arith.constant 0 : i32
      %dma_wait3A_138 = arith.constant 0 : i32
      %dma_wait3A_139 = tpu.memref_slice %arg9[%dma_wait3A_136, %dma_wait3A_137, %dma_wait3A_138] : memref<2x128x128xf32, #tpu.memory_space<vmem>> -> memref<1x128x128xf32, #tpu.memory_space<vmem>>
      %dma_wait3A_140 = tpu.memref_squeeze %dma_wait3A_139 : memref<1x128x128xf32, #tpu.memory_space<vmem>> -> memref<128x128xf32, #tpu.memory_space<vmem>>
      %dma_wait3A_141 = arith.constant 0 : i32
      %dma_wait3A_142 = tpu.memref_slice %arg7[%dma_wait3A_135, %dma_wait3A_141] : memref<2x128xi32, #tpu.memory_space<vmem>> -> memref<1x128xi32, #tpu.memory_space<vmem>>
      %dma_wait3A_143 = tpu.memref_squeeze %dma_wait3A_142 : memref<1x128xi32, #tpu.memory_space<vmem>> -> memref<128xi32, #tpu.memory_space<vmem>>
      %dma_wait3A_144 = arith.constant 0 : i32
      %dma_wait3A_145 = arith.constant 0 : i32
      %dma_wait3A_146 = tpu.memref_slice %arg2[%dma_wait3A_144, %dma_wait3A_145] : memref<20000x128xf32, #tpu.memory_space<hbm>> -> memref<20000x128xf32, #tpu.memory_space<hbm>>
      tpu.wait_indirect_dma semaphore(%arg16 : memref<!tpu.dma_semaphore, #tpu.memory_space<semaphore_mem>>) src(%dma_wait3A_146 : memref<20000x128xf32, #tpu.memory_space<hbm>>) dst(%dma_wait3A_140 : memref<128x128xf32, #tpu.memory_space<vmem>>)
      %run_scoped3A_147 = arith.constant 1 : i32
      %run_scoped3A_148 = arith.constant 1 : i32
      "tpu.region"() ({
        %run_scoped3A_154 = tpu.sem_alloc : memref<!tpu.dma_semaphore, #tpu.memory_space<semaphore_mem>>
        %dma_start3A_155 = arith.constant 0 : i32
        %dma_start3A_156 = arith.constant 0 : i32
        %dma_start3A_157 = tpu.memref_slice %arg9[%run_scoped3A_147, %dma_start3A_155, %dma_start3A_156] : memref<2x128x128xf32, #tpu.memory_space<vmem>> -> memref<1x128x128xf32, #tpu.memory_space<vmem>>
        %dma_start3A_158 = tpu.memref_squeeze %dma_start3A_157 : memref<1x128x128xf32, #tpu.memory_space<vmem>> -> memref<128x128xf32, #tpu.memory_space<vmem>>
        %dma_start3A_159 = arith.constant 0 : i32
        %dma_start3A_160 = tpu.memref_slice %arg8[%run_scoped3A_148, %dma_start3A_159] : memref<2x128xi32, #tpu.memory_space<vmem>> -> memref<1x128xi32, #tpu.memory_space<vmem>>
        %dma_start3A_161 = tpu.memref_squeeze %dma_start3A_160 : memref<1x128xi32, #tpu.memory_space<vmem>> -> memref<128xi32, #tpu.memory_space<vmem>>
        %dma_start3A_162 = arith.constant 0 : i32
        %dma_start3A_163 = arith.constant 0 : i32
        %dma_start3A_164 = tpu.memref_slice %arg10[%dma_start3A_162, %dma_start3A_163] : memref<10112x128xf32, #tpu.memory_space<vmem_shared>> -> memref<10112x128xf32, #tpu.memory_space<vmem_shared>>
        tpu.enqueue_indirect_dma source(%dma_start3A_158 : memref<128x128xf32, #tpu.memory_space<vmem>>) target(%dma_start3A_164 : memref<10112x128xf32, #tpu.memory_space<vmem_shared>>) offsets(%dma_start3A_161 : memref<128xi32, #tpu.memory_space<vmem>>) semaphore(%run_scoped3A_154 : memref<!tpu.dma_semaphore, #tpu.memory_space<semaphore_mem>>) {add = true}
        %dma_wait3A_165 = arith.constant 0 : i32
        %dma_wait3A_166 = arith.constant 0 : i32
        %dma_wait3A_167 = tpu.memref_slice %arg9[%run_scoped3A_147, %dma_wait3A_165, %dma_wait3A_166] : memref<2x128x128xf32, #tpu.memory_space<vmem>> -> memref<1x128x128xf32, #tpu.memory_space<vmem>>
        %dma_wait3A_168 = tpu.memref_squeeze %dma_wait3A_167 : memref<1x128x128xf32, #tpu.memory_space<vmem>> -> memref<128x128xf32, #tpu.memory_space<vmem>>
        %dma_wait3A_169 = arith.constant 0 : i32
        %dma_wait3A_170 = tpu.memref_slice %arg8[%run_scoped3A_148, %dma_wait3A_169] : memref<2x128xi32, #tpu.memory_space<vmem>> -> memref<1x128xi32, #tpu.memory_space<vmem>>
        %dma_wait3A_171 = tpu.memref_squeeze %dma_wait3A_170 : memref<1x128xi32, #tpu.memory_space<vmem>> -> memref<128xi32, #tpu.memory_space<vmem>>
        %dma_wait3A_172 = arith.constant 0 : i32
        %dma_wait3A_173 = arith.constant 0 : i32
        %dma_wait3A_174 = tpu.memref_slice %arg10[%dma_wait3A_172, %dma_wait3A_173] : memref<10112x128xf32, #tpu.memory_space<vmem_shared>> -> memref<10112x128xf32, #tpu.memory_space<vmem_shared>>
        tpu.wait_indirect_dma semaphore(%run_scoped3A_154 : memref<!tpu.dma_semaphore, #tpu.memory_space<semaphore_mem>>) src(%dma_wait3A_168 : memref<128x128xf32, #tpu.memory_space<vmem>>) dst(%dma_wait3A_174 : memref<10112x128xf32, #tpu.memory_space<vmem_shared>>)
        tpu.yield
      }) : () -> ()
      %lt3A_149 = arith.constant 79 : i32
      %lt3A_150 = arith.cmpi slt, %scan3A_62, %lt3A_149 : i32
      %convert_element_type3A_151 = arith.extui %lt3A_150 : i1 to i32
      %cond3A_152 = arith.constant 0 : i32
      %cond3A_153 = arith.cmpi ne, %convert_element_type3A_151, %cond3A_152 : i32
      scf.if %cond3A_153 {
        %add3A_154 = arith.addi %add3A, %add3A_129 : i32
        %add3A_155 = arith.constant 2 : i32
        %add3A_156 = arith.addi %add3A_154, %add3A_155 : i32
        %dma_start3A_157 = arith.constant 1 : i32
        %dma_start3A_158 = arith.constant 0 : i32
        %dma_start3A_159 = tpu.memref_slice %arg7[%dma_start3A_157, %dma_start3A_158] : memref<2x128xi32, #tpu.memory_space<vmem>> -> memref<1x128xi32, #tpu.memory_space<vmem>>
        %dma_start3A_160 = tpu.memref_squeeze %dma_start3A_159 : memref<1x128xi32, #tpu.memory_space<vmem>> -> memref<128xi32, #tpu.memory_space<vmem>>
        %dma_start3A_161 = arith.constant 0 : i32
        %dma_start3A_162 = tpu.memref_slice %arg3[%add3A_156, %dma_start3A_161] : memref<5120x128xi32, #tpu.memory_space<hbm>> -> memref<1x128xi32, #tpu.memory_space<hbm>>
        %dma_start3A_163 = tpu.memref_squeeze %dma_start3A_162 : memref<1x128xi32, #tpu.memory_space<hbm>> -> memref<128xi32, #tpu.memory_space<hbm>>
        %dma_start3A_164 = arith.constant 0 : i32
        %dma_start3A_165 = tpu.memref_slice %arg7[%dma_start3A_157, %dma_start3A_164] : memref<2x128xi32, #tpu.memory_space<vmem>> -> memref<1x128xi32, #tpu.memory_space<vmem>>
        %dma_start3A_166 = tpu.memref_squeeze %dma_start3A_165 : memref<1x128xi32, #tpu.memory_space<vmem>> -> memref<128xi32, #tpu.memory_space<vmem>>
        %dma_start3A_167 = arith.constant 0 : i32
        %dma_start3A_168 = tpu.memref_slice %arg3[%add3A_156, %dma_start3A_167] : memref<5120x128xi32, #tpu.memory_space<hbm>> -> memref<1x128xi32, #tpu.memory_space<hbm>>
        %dma_start3A_169 = tpu.memref_squeeze %dma_start3A_168 : memref<1x128xi32, #tpu.memory_space<hbm>> -> memref<128xi32, #tpu.memory_space<hbm>>
        tpu.enqueue_dma source(%dma_start3A_169 : memref<128xi32, #tpu.memory_space<hbm>>) target(%dma_start3A_166 : memref<128xi32, #tpu.memory_space<vmem>>) target_semaphore(%arg13 : memref<!tpu.dma_semaphore, #tpu.memory_space<semaphore_mem>>)
        %add3A_170 = arith.addi %mul3A_4, %add3A_129 : i32
        %add3A_171 = arith.constant 2 : i32
        %add3A_172 = arith.addi %add3A_170, %add3A_171 : i32
        %dma_start3A_173 = arith.constant 1 : i32
        %dma_start3A_174 = arith.constant 0 : i32
        %dma_start3A_175 = tpu.memref_slice %arg8[%dma_start3A_173, %dma_start3A_174] : memref<2x128xi32, #tpu.memory_space<vmem>> -> memref<1x128xi32, #tpu.memory_space<vmem>>
        %dma_start3A_176 = tpu.memref_squeeze %dma_start3A_175 : memref<1x128xi32, #tpu.memory_space<vmem>> -> memref<128xi32, #tpu.memory_space<vmem>>
        %dma_start3A_177 = arith.constant 0 : i32
        %dma_start3A_178 = tpu.memref_slice %arg4[%add3A_172, %dma_start3A_177] : memref<2560x128xi32, #tpu.memory_space<hbm>> -> memref<1x128xi32, #tpu.memory_space<hbm>>
        %dma_start3A_179 = tpu.memref_squeeze %dma_start3A_178 : memref<1x128xi32, #tpu.memory_space<hbm>> -> memref<128xi32, #tpu.memory_space<hbm>>
        %dma_start3A_180 = arith.constant 0 : i32
        %dma_start3A_181 = tpu.memref_slice %arg8[%dma_start3A_173, %dma_start3A_180] : memref<2x128xi32, #tpu.memory_space<vmem>> -> memref<1x128xi32, #tpu.memory_space<vmem>>
        %dma_start3A_182 = tpu.memref_squeeze %dma_start3A_181 : memref<1x128xi32, #tpu.memory_space<vmem>> -> memref<128xi32, #tpu.memory_space<vmem>>
        %dma_start3A_183 = arith.constant 0 : i32
        %dma_start3A_184 = tpu.memref_slice %arg4[%add3A_172, %dma_start3A_183] : memref<2560x128xi32, #tpu.memory_space<hbm>> -> memref<1x128xi32, #tpu.memory_space<hbm>>
        %dma_start3A_185 = tpu.memref_squeeze %dma_start3A_184 : memref<1x128xi32, #tpu.memory_space<hbm>> -> memref<128xi32, #tpu.memory_space<hbm>>
        tpu.enqueue_dma source(%dma_start3A_185 : memref<128xi32, #tpu.memory_space<hbm>>) target(%dma_start3A_182 : memref<128xi32, #tpu.memory_space<vmem>>) target_semaphore(%arg14 : memref<!tpu.dma_semaphore, #tpu.memory_space<semaphore_mem>>)
      } else {
      }
    }
    %scan3A_53 = arith.constant 80 : i32
    %barrier3A_54 = arith.constant 0 : index
    tpu.barrier barrier_id(%barrier3A_54)
    %mul3A_55 = arith.constant 632 : i32
    %mul3A_56 = arith.muli %arg1, %mul3A_55 : i32
    %mul3A_57 = arith.constant 10112 : i32
    %mul3A_58 = arith.muli %arg0, %mul3A_57 : i32
    %mul3A_59 = arith.constant 632 : i32
    %mul3A_60 = arith.muli %arg1, %mul3A_59 : i32
    %add3A_61 = arith.addi %mul3A_58, %mul3A_60 : i32
    "tpu.region"() ({
      %run_scoped3A_62 = tpu.sem_alloc : memref<!tpu.dma_semaphore, #tpu.memory_space<semaphore_mem>>
      %dma_start3A_63 = arith.constant 0 : i32
      %dma_start3A_64 = tpu.memref_slice %arg6[%add3A_61, %dma_start3A_63] : memref<20224x128xf32, #tpu.memory_space<hbm>> -> memref<632x128xf32, #tpu.memory_space<hbm>>
      %dma_start3A_65 = arith.constant 0 : i32
      %dma_start3A_66 = tpu.memref_slice %arg10[%mul3A_56, %dma_start3A_65] : memref<10112x128xf32, #tpu.memory_space<vmem_shared>> -> memref<632x128xf32, #tpu.memory_space<vmem_shared>>
      tpu.enqueue_dma source(%dma_start3A_66 : memref<632x128xf32, #tpu.memory_space<vmem_shared>>) target(%dma_start3A_64 : memref<632x128xf32, #tpu.memory_space<hbm>>) target_semaphore(%run_scoped3A_62 : memref<!tpu.dma_semaphore, #tpu.memory_space<semaphore_mem>>)
      %dma_wait3A = arith.constant 0 : i32
      %dma_wait3A_67 = tpu.memref_slice %arg6[%add3A_61, %dma_wait3A] : memref<20224x128xf32, #tpu.memory_space<hbm>> -> memref<632x128xf32, #tpu.memory_space<hbm>>
      %dma_wait3A_68 = arith.constant 0 : i32
      %dma_wait3A_69 = tpu.memref_slice %arg10[%mul3A_56, %dma_wait3A_68] : memref<10112x128xf32, #tpu.memory_space<vmem_shared>> -> memref<632x128xf32, #tpu.memory_space<vmem_shared>>
      tpu.wait_dma2 semaphore(%run_scoped3A_62 : memref<!tpu.dma_semaphore, #tpu.memory_space<semaphore_mem>>) src(%dma_wait3A_69 : memref<632x128xf32, #tpu.memory_space<vmem_shared>>) dst(%dma_wait3A_67 : memref<632x128xf32, #tpu.memory_space<hbm>>)
      tpu.yield
    }) : () -> ()
    return
  }
}

#map = affine_map<(d0, d1) -> (0, 0)>
module attributes {stable_mosaic.version = 14 : i64} {
  func.func @_scatter_body(%arg0: i32, %arg1: i32, %arg2: memref<20000x128xf32, #tpu.memory_space<hbm>>, %arg3: memref<5120x128xi32, #tpu.memory_space<hbm>>, %arg4: memref<2560x128xi32, #tpu.memory_space<hbm>>, %arg5: memref<10112x128xf32, #tpu.memory_space<hbm>>, %arg6: memref<20224x128xf32, #tpu.memory_space<hbm>>, %arg7: memref<2x128xi32, #tpu.memory_space<vmem>>, %arg8: memref<2x128xi32, #tpu.memory_space<vmem>>, %arg9: memref<2x128x128xf32, #tpu.memory_space<vmem>>, %arg10: memref<10112x128xf32, #tpu.memory_space<vmem_shared>>, %arg11: memref<!tpu.dma_semaphore, #tpu.memory_space<semaphore_mem>>, %arg12: memref<!tpu.dma_semaphore, #tpu.memory_space<semaphore_mem>>, %arg13: memref<!tpu.dma_semaphore, #tpu.memory_space<semaphore_mem>>, %arg14: memref<!tpu.dma_semaphore, #tpu.memory_space<semaphore_mem>>, %arg15: memref<!tpu.dma_semaphore, #tpu.memory_space<semaphore_mem>>, %arg16: memref<!tpu.dma_semaphore, #tpu.memory_space<semaphore_mem>>) attributes {dimension_semantics = [#tpu.dimension_semantics<core_parallel>, #tpu.dimension_semantics<subcore_parallel>], iteration_bounds = array<i64: 2, 16>, scalar_prefetch = 0 : i64, scratch_operands = 10 : i64, tpu.core_type = #tpu.core_type<sc_vector_subcore>, window_params = [{transform_indices = #map}, {transform_indices = #map}, {transform_indices = #map}, {transform_indices = #map}, {transform_indices = #map}]} {
    %mul3A = arith.constant 632 : i32
    %mul3A_0 = arith.muli %arg1, %mul3A : i32
    %mul3A_1 = arith.constant 632 : i32
    %mul3A_2 = arith.muli %arg1, %mul3A_1 : i32
    "tpu.region"() ({
      %run_scoped3A_62 = tpu.sem_alloc : memref<!tpu.dma_semaphore, #tpu.memory_space<semaphore_mem>>
      %dma_start3A_63 = arith.constant 0 : i32
      %dma_start3A_64 = tpu.memref_slice %arg10[%mul3A_2, %dma_start3A_63] : memref<10112x128xf32, #tpu.memory_space<vmem_shared>> -> memref<632x128xf32, #tpu.memory_space<vmem_shared>>
      %dma_start3A_65 = arith.constant 0 : i32
      %dma_start3A_66 = tpu.memref_slice %arg5[%mul3A_0, %dma_start3A_65] : memref<10112x128xf32, #tpu.memory_space<hbm>> -> memref<632x128xf32, #tpu.memory_space<hbm>>
      tpu.enqueue_dma source(%dma_start3A_66 : memref<632x128xf32, #tpu.memory_space<hbm>>) target(%dma_start3A_64 : memref<632x128xf32, #tpu.memory_space<vmem_shared>>) target_semaphore(%run_scoped3A_62 : memref<!tpu.dma_semaphore, #tpu.memory_space<semaphore_mem>>)
      %dma_wait3A = arith.constant 0 : i32
      %dma_wait3A_67 = tpu.memref_slice %arg10[%mul3A_2, %dma_wait3A] : memref<10112x128xf32, #tpu.memory_space<vmem_shared>> -> memref<632x128xf32, #tpu.memory_space<vmem_shared>>
      %dma_wait3A_68 = arith.constant 0 : i32
      %dma_wait3A_69 = tpu.memref_slice %arg5[%mul3A_0, %dma_wait3A_68] : memref<10112x128xf32, #tpu.memory_space<hbm>> -> memref<632x128xf32, #tpu.memory_space<hbm>>
      tpu.wait_dma2 semaphore(%run_scoped3A_62 : memref<!tpu.dma_semaphore, #tpu.memory_space<semaphore_mem>>) src(%dma_wait3A_69 : memref<632x128xf32, #tpu.memory_space<hbm>>) dst(%dma_wait3A_67 : memref<632x128xf32, #tpu.memory_space<vmem_shared>>)
      tpu.yield
    }) : () -> ()
    %barrier3A = arith.constant 0 : index
    tpu.barrier barrier_id(%barrier3A)
    %mul3A_3 = arith.constant 160 : i32
    %mul3A_4 = arith.muli %arg1, %mul3A_3 : i32
    %mul3A_5 = arith.constant 2560 : i32
    %mul3A_6 = arith.muli %arg0, %mul3A_5 : i32
    %add3A = arith.addi %mul3A_6, %mul3A_4 : i32
    %run_scoped3A = arith.constant 0 : i32
    "tpu.region"() ({
      %run_scoped3A_62 = tpu.sem_alloc : memref<!tpu.dma_semaphore, #tpu.memory_space<semaphore_mem>>
      %dma_start3A_63 = arith.constant 0 : i32
      %dma_start3A_64 = tpu.memref_slice %arg7[%run_scoped3A, %dma_start3A_63] : memref<2x128xi32, #tpu.memory_space<vmem>> -> memref<1x128xi32, #tpu.memory_space<vmem>>
      %dma_start3A_65 = tpu.memref_squeeze %dma_start3A_64 : memref<1x128xi32, #tpu.memory_space<vmem>> -> memref<128xi32, #tpu.memory_space<vmem>>
      %dma_start3A_66 = arith.constant 0 : i32
      %dma_start3A_67 = tpu.memref_slice %arg3[%add3A, %dma_start3A_66] : memref<5120x128xi32, #tpu.memory_space<hbm>> -> memref<1x128xi32, #tpu.memory_space<hbm>>
      %dma_start3A_68 = tpu.memref_squeeze %dma_start3A_67 : memref<1x128xi32, #tpu.memory_space<hbm>> -> memref<128xi32, #tpu.memory_space<hbm>>
      %dma_start3A_69 = arith.constant 0 : i32
      %dma_start3A_70 = tpu.memref_slice %arg7[%run_scoped3A, %dma_start3A_69] : memref<2x128xi32, #tpu.memory_space<vmem>> -> memref<1x128xi32, #tpu.memory_space<vmem>>
      %dma_start3A_71 = tpu.memref_squeeze %dma_start3A_70 : memref<1x128xi32, #tpu.memory_space<vmem>> -> memref<128xi32, #tpu.memory_space<vmem>>
      %dma_start3A_72 = arith.constant 0 : i32
      %dma_start3A_73 = tpu.memref_slice %arg3[%add3A, %dma_start3A_72] : memref<5120x128xi32, #tpu.memory_space<hbm>> -> memref<1x128xi32, #tpu.memory_space<hbm>>
      %dma_start3A_74 = tpu.memref_squeeze %dma_start3A_73 : memref<1x128xi32, #tpu.memory_space<hbm>> -> memref<128xi32, #tpu.memory_space<hbm>>
      tpu.enqueue_dma source(%dma_start3A_74 : memref<128xi32, #tpu.memory_space<hbm>>) target(%dma_start3A_71 : memref<128xi32, #tpu.memory_space<vmem>>) target_semaphore(%run_scoped3A_62 : memref<!tpu.dma_semaphore, #tpu.memory_space<semaphore_mem>>)
      %dma_wait3A = arith.constant 0 : i32
      %dma_wait3A_75 = tpu.memref_slice %arg7[%run_scoped3A, %dma_wait3A] : memref<2x128xi32, #tpu.memory_space<vmem>> -> memref<1x128xi32, #tpu.memory_space<vmem>>
      %dma_wait3A_76 = tpu.memref_squeeze %dma_wait3A_75 : memref<1x128xi32, #tpu.memory_space<vmem>> -> memref<128xi32, #tpu.memory_space<vmem>>
      %dma_wait3A_77 = arith.constant 0 : i32
      %dma_wait3A_78 = tpu.memref_slice %arg3[%add3A, %dma_wait3A_77] : memref<5120x128xi32, #tpu.memory_space<hbm>> -> memref<1x128xi32, #tpu.memory_space<hbm>>
      %dma_wait3A_79 = tpu.memref_squeeze %dma_wait3A_78 : memref<1x128xi32, #tpu.memory_space<hbm>> -> memref<128xi32, #tpu.memory_space<hbm>>
      %dma_wait3A_80 = arith.constant 0 : i32
      %dma_wait3A_81 = tpu.memref_slice %arg7[%run_scoped3A, %dma_wait3A_80] : memref<2x128xi32, #tpu.memory_space<vmem>> -> memref<1x128xi32, #tpu.memory_space<vmem>>
      %dma_wait3A_82 = tpu.memref_squeeze %dma_wait3A_81 : memref<1x128xi32, #tpu.memory_space<vmem>> -> memref<128xi32, #tpu.memory_space<vmem>>
      %dma_wait3A_83 = arith.constant 0 : i32
      %dma_wait3A_84 = tpu.memref_slice %arg3[%add3A, %dma_wait3A_83] : memref<5120x128xi32, #tpu.memory_space<hbm>> -> memref<1x128xi32, #tpu.memory_space<hbm>>
      %dma_wait3A_85 = tpu.memref_squeeze %dma_wait3A_84 : memref<1x128xi32, #tpu.memory_space<hbm>> -> memref<128xi32, #tpu.memory_space<hbm>>
      tpu.wait_dma2 semaphore(%run_scoped3A_62 : memref<!tpu.dma_semaphore, #tpu.memory_space<semaphore_mem>>) src(%dma_wait3A_85 : memref<128xi32, #tpu.memory_space<hbm>>) dst(%dma_wait3A_82 : memref<128xi32, #tpu.memory_space<vmem>>)
      tpu.yield
    }) : () -> ()
    %run_scoped3A_7 = arith.constant 0 : i32
    "tpu.region"() ({
      %run_scoped3A_62 = tpu.sem_alloc : memref<!tpu.dma_semaphore, #tpu.memory_space<semaphore_mem>>
      %dma_start3A_63 = arith.constant 0 : i32
      %dma_start3A_64 = tpu.memref_slice %arg8[%run_scoped3A_7, %dma_start3A_63] : memref<2x128xi32, #tpu.memory_space<vmem>> -> memref<1x128xi32, #tpu.memory_space<vmem>>
      %dma_start3A_65 = tpu.memref_squeeze %dma_start3A_64 : memref<1x128xi32, #tpu.memory_space<vmem>> -> memref<128xi32, #tpu.memory_space<vmem>>
      %dma_start3A_66 = arith.constant 0 : i32
      %dma_start3A_67 = tpu.memref_slice %arg4[%mul3A_4, %dma_start3A_66] : memref<2560x128xi32, #tpu.memory_space<hbm>> -> memref<1x128xi32, #tpu.memory_space<hbm>>
      %dma_start3A_68 = tpu.memref_squeeze %dma_start3A_67 : memref<1x128xi32, #tpu.memory_space<hbm>> -> memref<128xi32, #tpu.memory_space<hbm>>
      %dma_start3A_69 = arith.constant 0 : i32
      %dma_start3A_70 = tpu.memref_slice %arg8[%run_scoped3A_7, %dma_start3A_69] : memref<2x128xi32, #tpu.memory_space<vmem>> -> memref<1x128xi32, #tpu.memory_space<vmem>>
      %dma_start3A_71 = tpu.memref_squeeze %dma_start3A_70 : memref<1x128xi32, #tpu.memory_space<vmem>> -> memref<128xi32, #tpu.memory_space<vmem>>
      %dma_start3A_72 = arith.constant 0 : i32
      %dma_start3A_73 = tpu.memref_slice %arg4[%mul3A_4, %dma_start3A_72] : memref<2560x128xi32, #tpu.memory_space<hbm>> -> memref<1x128xi32, #tpu.memory_space<hbm>>
      %dma_start3A_74 = tpu.memref_squeeze %dma_start3A_73 : memref<1x128xi32, #tpu.memory_space<hbm>> -> memref<128xi32, #tpu.memory_space<hbm>>
      tpu.enqueue_dma source(%dma_start3A_74 : memref<128xi32, #tpu.memory_space<hbm>>) target(%dma_start3A_71 : memref<128xi32, #tpu.memory_space<vmem>>) target_semaphore(%run_scoped3A_62 : memref<!tpu.dma_semaphore, #tpu.memory_space<semaphore_mem>>)
      %dma_wait3A = arith.constant 0 : i32
      %dma_wait3A_75 = tpu.memref_slice %arg8[%run_scoped3A_7, %dma_wait3A] : memref<2x128xi32, #tpu.memory_space<vmem>> -> memref<1x128xi32, #tpu.memory_space<vmem>>
      %dma_wait3A_76 = tpu.memref_squeeze %dma_wait3A_75 : memref<1x128xi32, #tpu.memory_space<vmem>> -> memref<128xi32, #tpu.memory_space<vmem>>
      %dma_wait3A_77 = arith.constant 0 : i32
      %dma_wait3A_78 = tpu.memref_slice %arg4[%mul3A_4, %dma_wait3A_77] : memref<2560x128xi32, #tpu.memory_space<hbm>> -> memref<1x128xi32, #tpu.memory_space<hbm>>
      %dma_wait3A_79 = tpu.memref_squeeze %dma_wait3A_78 : memref<1x128xi32, #tpu.memory_space<hbm>> -> memref<128xi32, #tpu.memory_space<hbm>>
      %dma_wait3A_80 = arith.constant 0 : i32
      %dma_wait3A_81 = tpu.memref_slice %arg8[%run_scoped3A_7, %dma_wait3A_80] : memref<2x128xi32, #tpu.memory_space<vmem>> -> memref<1x128xi32, #tpu.memory_space<vmem>>
      %dma_wait3A_82 = tpu.memref_squeeze %dma_wait3A_81 : memref<1x128xi32, #tpu.memory_space<vmem>> -> memref<128xi32, #tpu.memory_space<vmem>>
      %dma_wait3A_83 = arith.constant 0 : i32
      %dma_wait3A_84 = tpu.memref_slice %arg4[%mul3A_4, %dma_wait3A_83] : memref<2560x128xi32, #tpu.memory_space<hbm>> -> memref<1x128xi32, #tpu.memory_space<hbm>>
      %dma_wait3A_85 = tpu.memref_squeeze %dma_wait3A_84 : memref<1x128xi32, #tpu.memory_space<hbm>> -> memref<128xi32, #tpu.memory_space<hbm>>
      tpu.wait_dma2 semaphore(%run_scoped3A_62 : memref<!tpu.dma_semaphore, #tpu.memory_space<semaphore_mem>>) src(%dma_wait3A_85 : memref<128xi32, #tpu.memory_space<hbm>>) dst(%dma_wait3A_82 : memref<128xi32, #tpu.memory_space<vmem>>)
      tpu.yield
    }) : () -> ()
    %dma_start3A = arith.constant 0 : i32
    %dma_start3A_8 = arith.constant 0 : i32
    %dma_start3A_9 = arith.constant 0 : i32
    %dma_start3A_10 = arith.constant 0 : i32
    %dma_start3A_11 = tpu.memref_slice %arg9[%dma_start3A_8, %dma_start3A_9, %dma_start3A_10] : memref<2x128x128xf32, #tpu.memory_space<vmem>> -> memref<1x128x128xf32, #tpu.memory_space<vmem>>
    %dma_start3A_12 = tpu.memref_squeeze %dma_start3A_11 : memref<1x128x128xf32, #tpu.memory_space<vmem>> -> memref<128x128xf32, #tpu.memory_space<vmem>>
    %dma_start3A_13 = arith.constant 0 : i32
    %dma_start3A_14 = tpu.memref_slice %arg7[%dma_start3A, %dma_start3A_13] : memref<2x128xi32, #tpu.memory_space<vmem>> -> memref<1x128xi32, #tpu.memory_space<vmem>>
    %dma_start3A_15 = tpu.memref_squeeze %dma_start3A_14 : memref<1x128xi32, #tpu.memory_space<vmem>> -> memref<128xi32, #tpu.memory_space<vmem>>
    %dma_start3A_16 = arith.constant 0 : i32
    %dma_start3A_17 = arith.constant 0 : i32
    %dma_start3A_18 = tpu.memref_slice %arg2[%dma_start3A_16, %dma_start3A_17] : memref<20000x128xf32, #tpu.memory_space<hbm>> -> memref<20000x128xf32, #tpu.memory_space<hbm>>
    tpu.enqueue_indirect_dma source(%dma_start3A_18 : memref<20000x128xf32, #tpu.memory_space<hbm>>) target(%dma_start3A_12 : memref<128x128xf32, #tpu.memory_space<vmem>>) offsets(%dma_start3A_15 : memref<128xi32, #tpu.memory_space<vmem>>) semaphore(%arg15 : memref<!tpu.dma_semaphore, #tpu.memory_space<semaphore_mem>>)
    %add3A_19 = arith.constant 1 : i32
    %add3A_20 = arith.addi %add3A, %add3A_19 : i32
    %dma_start3A_21 = arith.constant 1 : i32
    %dma_start3A_22 = arith.constant 0 : i32
    %dma_start3A_23 = tpu.memref_slice %arg7[%dma_start3A_21, %dma_start3A_22] : memref<2x128xi32, #tpu.memory_space<vmem>> -> memref<1x128xi32, #tpu.memory_space<vmem>>
    %dma_start3A_24 = tpu.memref_squeeze %dma_start3A_23 : memref<1x128xi32, #tpu.memory_space<vmem>> -> memref<128xi32, #tpu.memory_space<vmem>>
    %dma_start3A_25 = arith.constant 0 : i32
    %dma_start3A_26 = tpu.memref_slice %arg3[%add3A_20, %dma_start3A_25] : memref<5120x128xi32, #tpu.memory_space<hbm>> -> memref<1x128xi32, #tpu.memory_space<hbm>>
    %dma_start3A_27 = tpu.memref_squeeze %dma_start3A_26 : memref<1x128xi32, #tpu.memory_space<hbm>> -> memref<128xi32, #tpu.memory_space<hbm>>
    %dma_start3A_28 = arith.constant 0 : i32
    %dma_start3A_29 = tpu.memref_slice %arg7[%dma_start3A_21, %dma_start3A_28] : memref<2x128xi32, #tpu.memory_space<vmem>> -> memref<1x128xi32, #tpu.memory_space<vmem>>
    %dma_start3A_30 = tpu.memref_squeeze %dma_start3A_29 : memref<1x128xi32, #tpu.memory_space<vmem>> -> memref<128xi32, #tpu.memory_space<vmem>>
    %dma_start3A_31 = arith.constant 0 : i32
    %dma_start3A_32 = tpu.memref_slice %arg3[%add3A_20, %dma_start3A_31] : memref<5120x128xi32, #tpu.memory_space<hbm>> -> memref<1x128xi32, #tpu.memory_space<hbm>>
    %dma_start3A_33 = tpu.memref_squeeze %dma_start3A_32 : memref<1x128xi32, #tpu.memory_space<hbm>> -> memref<128xi32, #tpu.memory_space<hbm>>
    tpu.enqueue_dma source(%dma_start3A_33 : memref<128xi32, #tpu.memory_space<hbm>>) target(%dma_start3A_30 : memref<128xi32, #tpu.memory_space<vmem>>) target_semaphore(%arg13 : memref<!tpu.dma_semaphore, #tpu.memory_space<semaphore_mem>>)
    %add3A_34 = arith.constant 1 : i32
    %add3A_35 = arith.addi %mul3A_4, %add3A_34 : i32
    %dma_start3A_36 = arith.constant 1 : i32
    %dma_start3A_37 = arith.constant 0 : i32
    %dma_start3A_38 = tpu.memref_slice %arg8[%dma_start3A_36, %dma_start3A_37] : memref<2x128xi32, #tpu.memory_space<vmem>> -> memref<1x128xi32, #tpu.memory_space<vmem>>
    %dma_start3A_39 = tpu.memref_squeeze %dma_start3A_38 : memref<1x128xi32, #tpu.memory_space<vmem>> -> memref<128xi32, #tpu.memory_space<vmem>>
    %dma_start3A_40 = arith.constant 0 : i32
    %dma_start3A_41 = tpu.memref_slice %arg4[%add3A_35, %dma_start3A_40] : memref<2560x128xi32, #tpu.memory_space<hbm>> -> memref<1x128xi32, #tpu.memory_space<hbm>>
    %dma_start3A_42 = tpu.memref_squeeze %dma_start3A_41 : memref<1x128xi32, #tpu.memory_space<hbm>> -> memref<128xi32, #tpu.memory_space<hbm>>
    %dma_start3A_43 = arith.constant 0 : i32
    %dma_start3A_44 = tpu.memref_slice %arg8[%dma_start3A_36, %dma_start3A_43] : memref<2x128xi32, #tpu.memory_space<vmem>> -> memref<1x128xi32, #tpu.memory_space<vmem>>
    %dma_start3A_45 = tpu.memref_squeeze %dma_start3A_44 : memref<1x128xi32, #tpu.memory_space<vmem>> -> memref<128xi32, #tpu.memory_space<vmem>>
    %dma_start3A_46 = arith.constant 0 : i32
    %dma_start3A_47 = tpu.memref_slice %arg4[%add3A_35, %dma_start3A_46] : memref<2560x128xi32, #tpu.memory_space<hbm>> -> memref<1x128xi32, #tpu.memory_space<hbm>>
    %dma_start3A_48 = tpu.memref_squeeze %dma_start3A_47 : memref<1x128xi32, #tpu.memory_space<hbm>> -> memref<128xi32, #tpu.memory_space<hbm>>
    tpu.enqueue_dma source(%dma_start3A_48 : memref<128xi32, #tpu.memory_space<hbm>>) target(%dma_start3A_45 : memref<128xi32, #tpu.memory_space<vmem>>) target_semaphore(%arg14 : memref<!tpu.dma_semaphore, #tpu.memory_space<semaphore_mem>>)
    %scan3A = arith.constant 0 : i32
    %scan3A_49 = arith.constant 0 : i32
    %scan3A_50 = arith.constant 80 : i32
    %scan3A_51 = arith.addi %scan3A_49, %scan3A_50 : i32
    %scan3A_52 = arith.constant 1 : i32
    scf.for %scan3A_62 = %scan3A_49 to %scan3A_51 step %scan3A_52  : i32 {
      %mul3A_63 = arith.constant 2 : i32
      %mul3A_64 = arith.muli %mul3A_63, %scan3A_62 : i32
      %add3A_65 = arith.constant 0 : i32
      %add3A_66 = arith.addi %mul3A_64, %add3A_65 : i32
      %add3A_67 = arith.addi %add3A, %add3A_66 : i32
      %add3A_68 = arith.constant 1 : i32
      %add3A_69 = arith.addi %add3A_67, %add3A_68 : i32
      %dma_wait3A = arith.constant 1 : i32
      %dma_wait3A_70 = arith.constant 0 : i32
      %dma_wait3A_71 = tpu.memref_slice %arg7[%dma_wait3A, %dma_wait3A_70] : memref<2x128xi32, #tpu.memory_space<vmem>> -> memref<1x128xi32, #tpu.memory_space<vmem>>
      %dma_wait3A_72 = tpu.memref_squeeze %dma_wait3A_71 : memref<1x128xi32, #tpu.memory_space<vmem>> -> memref<128xi32, #tpu.memory_space<vmem>>
      %dma_wait3A_73 = arith.constant 0 : i32
      %dma_wait3A_74 = tpu.memref_slice %arg3[%add3A_69, %dma_wait3A_73] : memref<5120x128xi32, #tpu.memory_space<hbm>> -> memref<1x128xi32, #tpu.memory_space<hbm>>
      %dma_wait3A_75 = tpu.memref_squeeze %dma_wait3A_74 : memref<1x128xi32, #tpu.memory_space<hbm>> -> memref<128xi32, #tpu.memory_space<hbm>>
      %dma_wait3A_76 = arith.constant 0 : i32
      %dma_wait3A_77 = tpu.memref_slice %arg7[%dma_wait3A, %dma_wait3A_76] : memref<2x128xi32, #tpu.memory_space<vmem>> -> memref<1x128xi32, #tpu.memory_space<vmem>>
      %dma_wait3A_78 = tpu.memref_squeeze %dma_wait3A_77 : memref<1x128xi32, #tpu.memory_space<vmem>> -> memref<128xi32, #tpu.memory_space<vmem>>
      %dma_wait3A_79 = arith.constant 0 : i32
      %dma_wait3A_80 = tpu.memref_slice %arg3[%add3A_69, %dma_wait3A_79] : memref<5120x128xi32, #tpu.memory_space<hbm>> -> memref<1x128xi32, #tpu.memory_space<hbm>>
      %dma_wait3A_81 = tpu.memref_squeeze %dma_wait3A_80 : memref<1x128xi32, #tpu.memory_space<hbm>> -> memref<128xi32, #tpu.memory_space<hbm>>
      tpu.wait_dma2 semaphore(%arg13 : memref<!tpu.dma_semaphore, #tpu.memory_space<semaphore_mem>>) src(%dma_wait3A_81 : memref<128xi32, #tpu.memory_space<hbm>>) dst(%dma_wait3A_78 : memref<128xi32, #tpu.memory_space<vmem>>)
      %add3A_82 = arith.addi %mul3A_4, %add3A_66 : i32
      %add3A_83 = arith.constant 1 : i32
      %add3A_84 = arith.addi %add3A_82, %add3A_83 : i32
      %dma_wait3A_85 = arith.constant 1 : i32
      %dma_wait3A_86 = arith.constant 0 : i32
      %dma_wait3A_87 = tpu.memref_slice %arg8[%dma_wait3A_85, %dma_wait3A_86] : memref<2x128xi32, #tpu.memory_space<vmem>> -> memref<1x128xi32, #tpu.memory_space<vmem>>
      %dma_wait3A_88 = tpu.memref_squeeze %dma_wait3A_87 : memref<1x128xi32, #tpu.memory_space<vmem>> -> memref<128xi32, #tpu.memory_space<vmem>>
      %dma_wait3A_89 = arith.constant 0 : i32
      %dma_wait3A_90 = tpu.memref_slice %arg4[%add3A_84, %dma_wait3A_89] : memref<2560x128xi32, #tpu.memory_space<hbm>> -> memref<1x128xi32, #tpu.memory_space<hbm>>
      %dma_wait3A_91 = tpu.memref_squeeze %dma_wait3A_90 : memref<1x128xi32, #tpu.memory_space<hbm>> -> memref<128xi32, #tpu.memory_space<hbm>>
      %dma_wait3A_92 = arith.constant 0 : i32
      %dma_wait3A_93 = tpu.memref_slice %arg8[%dma_wait3A_85, %dma_wait3A_92] : memref<2x128xi32, #tpu.memory_space<vmem>> -> memref<1x128xi32, #tpu.memory_space<vmem>>
      %dma_wait3A_94 = tpu.memref_squeeze %dma_wait3A_93 : memref<1x128xi32, #tpu.memory_space<vmem>> -> memref<128xi32, #tpu.memory_space<vmem>>
      %dma_wait3A_95 = arith.constant 0 : i32
      %dma_wait3A_96 = tpu.memref_slice %arg4[%add3A_84, %dma_wait3A_95] : memref<2560x128xi32, #tpu.memory_space<hbm>> -> memref<1x128xi32, #tpu.memory_space<hbm>>
      %dma_wait3A_97 = tpu.memref_squeeze %dma_wait3A_96 : memref<1x128xi32, #tpu.memory_space<hbm>> -> memref<128xi32, #tpu.memory_space<hbm>>
      tpu.wait_dma2 semaphore(%arg14 : memref<!tpu.dma_semaphore, #tpu.memory_space<semaphore_mem>>) src(%dma_wait3A_97 : memref<128xi32, #tpu.memory_space<hbm>>) dst(%dma_wait3A_94 : memref<128xi32, #tpu.memory_space<vmem>>)
      %dma_start3A_98 = arith.constant 1 : i32
      %dma_start3A_99 = arith.constant 1 : i32
      %dma_start3A_100 = arith.constant 0 : i32
      %dma_start3A_101 = arith.constant 0 : i32
      %dma_start3A_102 = tpu.memref_slice %arg9[%dma_start3A_99, %dma_start3A_100, %dma_start3A_101] : memref<2x128x128xf32, #tpu.memory_space<vmem>> -> memref<1x128x128xf32, #tpu.memory_space<vmem>>
      %dma_start3A_103 = tpu.memref_squeeze %dma_start3A_102 : memref<1x128x128xf32, #tpu.memory_space<vmem>> -> memref<128x128xf32, #tpu.memory_space<vmem>>
      %dma_start3A_104 = arith.constant 0 : i32
      %dma_start3A_105 = tpu.memref_slice %arg7[%dma_start3A_98, %dma_start3A_104] : memref<2x128xi32, #tpu.memory_space<vmem>> -> memref<1x128xi32, #tpu.memory_space<vmem>>
      %dma_start3A_106 = tpu.memref_squeeze %dma_start3A_105 : memref<1x128xi32, #tpu.memory_space<vmem>> -> memref<128xi32, #tpu.memory_space<vmem>>
      %dma_start3A_107 = arith.constant 0 : i32
      %dma_start3A_108 = arith.constant 0 : i32
      %dma_start3A_109 = tpu.memref_slice %arg2[%dma_start3A_107, %dma_start3A_108] : memref<20000x128xf32, #tpu.memory_space<hbm>> -> memref<20000x128xf32, #tpu.memory_space<hbm>>
      tpu.enqueue_indirect_dma source(%dma_start3A_109 : memref<20000x128xf32, #tpu.memory_space<hbm>>) target(%dma_start3A_103 : memref<128x128xf32, #tpu.memory_space<vmem>>) offsets(%dma_start3A_106 : memref<128xi32, #tpu.memory_space<vmem>>) semaphore(%arg16 : memref<!tpu.dma_semaphore, #tpu.memory_space<semaphore_mem>>)
      %dma_wait3A_110 = arith.constant 0 : i32
      %dma_wait3A_111 = arith.constant 0 : i32
      %dma_wait3A_112 = arith.constant 0 : i32
      %dma_wait3A_113 = arith.constant 0 : i32
      %dma_wait3A_114 = tpu.memref_slice %arg9[%dma_wait3A_111, %dma_wait3A_112, %dma_wait3A_113] : memref<2x128x128xf32, #tpu.memory_space<vmem>> -> memref<1x128x128xf32, #tpu.memory_space<vmem>>
      %dma_wait3A_115 = tpu.memref_squeeze %dma_wait3A_114 : memref<1x128x128xf32, #tpu.memory_space<vmem>> -> memref<128x128xf32, #tpu.memory_space<vmem>>
      %dma_wait3A_116 = arith.constant 0 : i32
      %dma_wait3A_117 = tpu.memref_slice %arg7[%dma_wait3A_110, %dma_wait3A_116] : memref<2x128xi32, #tpu.memory_space<vmem>> -> memref<1x128xi32, #tpu.memory_space<vmem>>
      %dma_wait3A_118 = tpu.memref_squeeze %dma_wait3A_117 : memref<1x128xi32, #tpu.memory_space<vmem>> -> memref<128xi32, #tpu.memory_space<vmem>>
      %dma_wait3A_119 = arith.constant 0 : i32
      %dma_wait3A_120 = arith.constant 0 : i32
      %dma_wait3A_121 = tpu.memref_slice %arg2[%dma_wait3A_119, %dma_wait3A_120] : memref<20000x128xf32, #tpu.memory_space<hbm>> -> memref<20000x128xf32, #tpu.memory_space<hbm>>
      tpu.wait_indirect_dma semaphore(%arg15 : memref<!tpu.dma_semaphore, #tpu.memory_space<semaphore_mem>>) src(%dma_wait3A_121 : memref<20000x128xf32, #tpu.memory_space<hbm>>) dst(%dma_wait3A_115 : memref<128x128xf32, #tpu.memory_space<vmem>>)
      %run_scoped3A_122 = arith.constant 0 : i32
      %run_scoped3A_123 = arith.constant 0 : i32
      "tpu.region"() ({
        %run_scoped3A_154 = tpu.sem_alloc : memref<!tpu.dma_semaphore, #tpu.memory_space<semaphore_mem>>
        %dma_start3A_155 = arith.constant 0 : i32
        %dma_start3A_156 = arith.constant 0 : i32
        %dma_start3A_157 = tpu.memref_slice %arg9[%run_scoped3A_122, %dma_start3A_155, %dma_start3A_156] : memref<2x128x128xf32, #tpu.memory_space<vmem>> -> memref<1x128x128xf32, #tpu.memory_space<vmem>>
        %dma_start3A_158 = tpu.memref_squeeze %dma_start3A_157 : memref<1x128x128xf32, #tpu.memory_space<vmem>> -> memref<128x128xf32, #tpu.memory_space<vmem>>
        %dma_start3A_159 = arith.constant 0 : i32
        %dma_start3A_160 = tpu.memref_slice %arg8[%run_scoped3A_123, %dma_start3A_159] : memref<2x128xi32, #tpu.memory_space<vmem>> -> memref<1x128xi32, #tpu.memory_space<vmem>>
        %dma_start3A_161 = tpu.memref_squeeze %dma_start3A_160 : memref<1x128xi32, #tpu.memory_space<vmem>> -> memref<128xi32, #tpu.memory_space<vmem>>
        %dma_start3A_162 = arith.constant 0 : i32
        %dma_start3A_163 = arith.constant 0 : i32
        %dma_start3A_164 = tpu.memref_slice %arg10[%dma_start3A_162, %dma_start3A_163] : memref<10112x128xf32, #tpu.memory_space<vmem_shared>> -> memref<10112x128xf32, #tpu.memory_space<vmem_shared>>
        tpu.enqueue_indirect_dma source(%dma_start3A_158 : memref<128x128xf32, #tpu.memory_space<vmem>>) target(%dma_start3A_164 : memref<10112x128xf32, #tpu.memory_space<vmem_shared>>) offsets(%dma_start3A_161 : memref<128xi32, #tpu.memory_space<vmem>>) semaphore(%run_scoped3A_154 : memref<!tpu.dma_semaphore, #tpu.memory_space<semaphore_mem>>) {add = true}
        %dma_wait3A_165 = arith.constant 0 : i32
        %dma_wait3A_166 = arith.constant 0 : i32
        %dma_wait3A_167 = tpu.memref_slice %arg9[%run_scoped3A_122, %dma_wait3A_165, %dma_wait3A_166] : memref<2x128x128xf32, #tpu.memory_space<vmem>> -> memref<1x128x128xf32, #tpu.memory_space<vmem>>
        %dma_wait3A_168 = tpu.memref_squeeze %dma_wait3A_167 : memref<1x128x128xf32, #tpu.memory_space<vmem>> -> memref<128x128xf32, #tpu.memory_space<vmem>>
        %dma_wait3A_169 = arith.constant 0 : i32
        %dma_wait3A_170 = tpu.memref_slice %arg8[%run_scoped3A_123, %dma_wait3A_169] : memref<2x128xi32, #tpu.memory_space<vmem>> -> memref<1x128xi32, #tpu.memory_space<vmem>>
        %dma_wait3A_171 = tpu.memref_squeeze %dma_wait3A_170 : memref<1x128xi32, #tpu.memory_space<vmem>> -> memref<128xi32, #tpu.memory_space<vmem>>
        %dma_wait3A_172 = arith.constant 0 : i32
        %dma_wait3A_173 = arith.constant 0 : i32
        %dma_wait3A_174 = tpu.memref_slice %arg10[%dma_wait3A_172, %dma_wait3A_173] : memref<10112x128xf32, #tpu.memory_space<vmem_shared>> -> memref<10112x128xf32, #tpu.memory_space<vmem_shared>>
        tpu.wait_indirect_dma semaphore(%run_scoped3A_154 : memref<!tpu.dma_semaphore, #tpu.memory_space<semaphore_mem>>) src(%dma_wait3A_168 : memref<128x128xf32, #tpu.memory_space<vmem>>) dst(%dma_wait3A_174 : memref<10112x128xf32, #tpu.memory_space<vmem_shared>>)
        tpu.yield
      }) : () -> ()
      %lt3A = arith.constant 79 : i32
      %lt3A_124 = arith.cmpi slt, %scan3A_62, %lt3A : i32
      %convert_element_type3A = arith.extui %lt3A_124 : i1 to i32
      %cond3A = arith.constant 0 : i32
      %cond3A_125 = arith.cmpi ne, %convert_element_type3A, %cond3A : i32
      scf.if %cond3A_125 {
        %add3A_154 = arith.addi %add3A, %add3A_66 : i32
        %add3A_155 = arith.constant 2 : i32
        %add3A_156 = arith.addi %add3A_154, %add3A_155 : i32
        %dma_start3A_157 = arith.constant 0 : i32
        %dma_start3A_158 = arith.constant 0 : i32
        %dma_start3A_159 = tpu.memref_slice %arg7[%dma_start3A_157, %dma_start3A_158] : memref<2x128xi32, #tpu.memory_space<vmem>> -> memref<1x128xi32, #tpu.memory_space<vmem>>
        %dma_start3A_160 = tpu.memref_squeeze %dma_start3A_159 : memref<1x128xi32, #tpu.memory_space<vmem>> -> memref<128xi32, #tpu.memory_space<vmem>>
        %dma_start3A_161 = arith.constant 0 : i32
        %dma_start3A_162 = tpu.memref_slice %arg3[%add3A_156, %dma_start3A_161] : memref<5120x128xi32, #tpu.memory_space<hbm>> -> memref<1x128xi32, #tpu.memory_space<hbm>>
        %dma_start3A_163 = tpu.memref_squeeze %dma_start3A_162 : memref<1x128xi32, #tpu.memory_space<hbm>> -> memref<128xi32, #tpu.memory_space<hbm>>
        %dma_start3A_164 = arith.constant 0 : i32
        %dma_start3A_165 = tpu.memref_slice %arg7[%dma_start3A_157, %dma_start3A_164] : memref<2x128xi32, #tpu.memory_space<vmem>> -> memref<1x128xi32, #tpu.memory_space<vmem>>
        %dma_start3A_166 = tpu.memref_squeeze %dma_start3A_165 : memref<1x128xi32, #tpu.memory_space<vmem>> -> memref<128xi32, #tpu.memory_space<vmem>>
        %dma_start3A_167 = arith.constant 0 : i32
        %dma_start3A_168 = tpu.memref_slice %arg3[%add3A_156, %dma_start3A_167] : memref<5120x128xi32, #tpu.memory_space<hbm>> -> memref<1x128xi32, #tpu.memory_space<hbm>>
        %dma_start3A_169 = tpu.memref_squeeze %dma_start3A_168 : memref<1x128xi32, #tpu.memory_space<hbm>> -> memref<128xi32, #tpu.memory_space<hbm>>
        tpu.enqueue_dma source(%dma_start3A_169 : memref<128xi32, #tpu.memory_space<hbm>>) target(%dma_start3A_166 : memref<128xi32, #tpu.memory_space<vmem>>) target_semaphore(%arg11 : memref<!tpu.dma_semaphore, #tpu.memory_space<semaphore_mem>>)
        %add3A_170 = arith.addi %mul3A_4, %add3A_66 : i32
        %add3A_171 = arith.constant 2 : i32
        %add3A_172 = arith.addi %add3A_170, %add3A_171 : i32
        %dma_start3A_173 = arith.constant 0 : i32
        %dma_start3A_174 = arith.constant 0 : i32
        %dma_start3A_175 = tpu.memref_slice %arg8[%dma_start3A_173, %dma_start3A_174] : memref<2x128xi32, #tpu.memory_space<vmem>> -> memref<1x128xi32, #tpu.memory_space<vmem>>
        %dma_start3A_176 = tpu.memref_squeeze %dma_start3A_175 : memref<1x128xi32, #tpu.memory_space<vmem>> -> memref<128xi32, #tpu.memory_space<vmem>>
        %dma_start3A_177 = arith.constant 0 : i32
        %dma_start3A_178 = tpu.memref_slice %arg4[%add3A_172, %dma_start3A_177] : memref<2560x128xi32, #tpu.memory_space<hbm>> -> memref<1x128xi32, #tpu.memory_space<hbm>>
        %dma_start3A_179 = tpu.memref_squeeze %dma_start3A_178 : memref<1x128xi32, #tpu.memory_space<hbm>> -> memref<128xi32, #tpu.memory_space<hbm>>
        %dma_start3A_180 = arith.constant 0 : i32
        %dma_start3A_181 = tpu.memref_slice %arg8[%dma_start3A_173, %dma_start3A_180] : memref<2x128xi32, #tpu.memory_space<vmem>> -> memref<1x128xi32, #tpu.memory_space<vmem>>
        %dma_start3A_182 = tpu.memref_squeeze %dma_start3A_181 : memref<1x128xi32, #tpu.memory_space<vmem>> -> memref<128xi32, #tpu.memory_space<vmem>>
        %dma_start3A_183 = arith.constant 0 : i32
        %dma_start3A_184 = tpu.memref_slice %arg4[%add3A_172, %dma_start3A_183] : memref<2560x128xi32, #tpu.memory_space<hbm>> -> memref<1x128xi32, #tpu.memory_space<hbm>>
        %dma_start3A_185 = tpu.memref_squeeze %dma_start3A_184 : memref<1x128xi32, #tpu.memory_space<hbm>> -> memref<128xi32, #tpu.memory_space<hbm>>
        tpu.enqueue_dma source(%dma_start3A_185 : memref<128xi32, #tpu.memory_space<hbm>>) target(%dma_start3A_182 : memref<128xi32, #tpu.memory_space<vmem>>) target_semaphore(%arg12 : memref<!tpu.dma_semaphore, #tpu.memory_space<semaphore_mem>>)
      } else {
      }
      %mul3A_126 = arith.constant 2 : i32
      %mul3A_127 = arith.muli %mul3A_126, %scan3A_62 : i32
      %add3A_128 = arith.constant 1 : i32
      %add3A_129 = arith.addi %mul3A_127, %add3A_128 : i32
      %lt3A_130 = arith.constant 79 : i32
      %lt3A_131 = arith.cmpi slt, %scan3A_62, %lt3A_130 : i32
      %convert_element_type3A_132 = arith.extui %lt3A_131 : i1 to i32
      %cond3A_133 = arith.constant 0 : i32
      %cond3A_134 = arith.cmpi ne, %convert_element_type3A_132, %cond3A_133 : i32
      scf.if %cond3A_134 {
        %add3A_154 = arith.addi %add3A, %add3A_129 : i32
        %add3A_155 = arith.constant 1 : i32
        %add3A_156 = arith.addi %add3A_154, %add3A_155 : i32
        %dma_wait3A_157 = arith.constant 0 : i32
        %dma_wait3A_158 = arith.constant 0 : i32
        %dma_wait3A_159 = tpu.memref_slice %arg7[%dma_wait3A_157, %dma_wait3A_158] : memref<2x128xi32, #tpu.memory_space<vmem>> -> memref<1x128xi32, #tpu.memory_space<vmem>>
        %dma_wait3A_160 = tpu.memref_squeeze %dma_wait3A_159 : memref<1x128xi32, #tpu.memory_space<vmem>> -> memref<128xi32, #tpu.memory_space<vmem>>
        %dma_wait3A_161 = arith.constant 0 : i32
        %dma_wait3A_162 = tpu.memref_slice %arg3[%add3A_156, %dma_wait3A_161] : memref<5120x128xi32, #tpu.memory_space<hbm>> -> memref<1x128xi32, #tpu.memory_space<hbm>>
        %dma_wait3A_163 = tpu.memref_squeeze %dma_wait3A_162 : memref<1x128xi32, #tpu.memory_space<hbm>> -> memref<128xi32, #tpu.memory_space<hbm>>
        %dma_wait3A_164 = arith.constant 0 : i32
        %dma_wait3A_165 = tpu.memref_slice %arg7[%dma_wait3A_157, %dma_wait3A_164] : memref<2x128xi32, #tpu.memory_space<vmem>> -> memref<1x128xi32, #tpu.memory_space<vmem>>
        %dma_wait3A_166 = tpu.memref_squeeze %dma_wait3A_165 : memref<1x128xi32, #tpu.memory_space<vmem>> -> memref<128xi32, #tpu.memory_space<vmem>>
        %dma_wait3A_167 = arith.constant 0 : i32
        %dma_wait3A_168 = tpu.memref_slice %arg3[%add3A_156, %dma_wait3A_167] : memref<5120x128xi32, #tpu.memory_space<hbm>> -> memref<1x128xi32, #tpu.memory_space<hbm>>
        %dma_wait3A_169 = tpu.memref_squeeze %dma_wait3A_168 : memref<1x128xi32, #tpu.memory_space<hbm>> -> memref<128xi32, #tpu.memory_space<hbm>>
        tpu.wait_dma2 semaphore(%arg11 : memref<!tpu.dma_semaphore, #tpu.memory_space<semaphore_mem>>) src(%dma_wait3A_169 : memref<128xi32, #tpu.memory_space<hbm>>) dst(%dma_wait3A_166 : memref<128xi32, #tpu.memory_space<vmem>>)
        %add3A_170 = arith.addi %mul3A_4, %add3A_129 : i32
        %add3A_171 = arith.constant 1 : i32
        %add3A_172 = arith.addi %add3A_170, %add3A_171 : i32
        %dma_wait3A_173 = arith.constant 0 : i32
        %dma_wait3A_174 = arith.constant 0 : i32
        %dma_wait3A_175 = tpu.memref_slice %arg8[%dma_wait3A_173, %dma_wait3A_174] : memref<2x128xi32, #tpu.memory_space<vmem>> -> memref<1x128xi32, #tpu.memory_space<vmem>>
        %dma_wait3A_176 = tpu.memref_squeeze %dma_wait3A_175 : memref<1x128xi32, #tpu.memory_space<vmem>> -> memref<128xi32, #tpu.memory_space<vmem>>
        %dma_wait3A_177 = arith.constant 0 : i32
        %dma_wait3A_178 = tpu.memref_slice %arg4[%add3A_172, %dma_wait3A_177] : memref<2560x128xi32, #tpu.memory_space<hbm>> -> memref<1x128xi32, #tpu.memory_space<hbm>>
        %dma_wait3A_179 = tpu.memref_squeeze %dma_wait3A_178 : memref<1x128xi32, #tpu.memory_space<hbm>> -> memref<128xi32, #tpu.memory_space<hbm>>
        %dma_wait3A_180 = arith.constant 0 : i32
        %dma_wait3A_181 = tpu.memref_slice %arg8[%dma_wait3A_173, %dma_wait3A_180] : memref<2x128xi32, #tpu.memory_space<vmem>> -> memref<1x128xi32, #tpu.memory_space<vmem>>
        %dma_wait3A_182 = tpu.memref_squeeze %dma_wait3A_181 : memref<1x128xi32, #tpu.memory_space<vmem>> -> memref<128xi32, #tpu.memory_space<vmem>>
        %dma_wait3A_183 = arith.constant 0 : i32
        %dma_wait3A_184 = tpu.memref_slice %arg4[%add3A_172, %dma_wait3A_183] : memref<2560x128xi32, #tpu.memory_space<hbm>> -> memref<1x128xi32, #tpu.memory_space<hbm>>
        %dma_wait3A_185 = tpu.memref_squeeze %dma_wait3A_184 : memref<1x128xi32, #tpu.memory_space<hbm>> -> memref<128xi32, #tpu.memory_space<hbm>>
        tpu.wait_dma2 semaphore(%arg12 : memref<!tpu.dma_semaphore, #tpu.memory_space<semaphore_mem>>) src(%dma_wait3A_185 : memref<128xi32, #tpu.memory_space<hbm>>) dst(%dma_wait3A_182 : memref<128xi32, #tpu.memory_space<vmem>>)
        %dma_start3A_186 = arith.constant 0 : i32
        %dma_start3A_187 = arith.constant 0 : i32
        %dma_start3A_188 = arith.constant 0 : i32
        %dma_start3A_189 = arith.constant 0 : i32
        %dma_start3A_190 = tpu.memref_slice %arg9[%dma_start3A_187, %dma_start3A_188, %dma_start3A_189] : memref<2x128x128xf32, #tpu.memory_space<vmem>> -> memref<1x128x128xf32, #tpu.memory_space<vmem>>
        %dma_start3A_191 = tpu.memref_squeeze %dma_start3A_190 : memref<1x128x128xf32, #tpu.memory_space<vmem>> -> memref<128x128xf32, #tpu.memory_space<vmem>>
        %dma_start3A_192 = arith.constant 0 : i32
        %dma_start3A_193 = tpu.memref_slice %arg7[%dma_start3A_186, %dma_start3A_192] : memref<2x128xi32, #tpu.memory_space<vmem>> -> memref<1x128xi32, #tpu.memory_space<vmem>>
        %dma_start3A_194 = tpu.memref_squeeze %dma_start3A_193 : memref<1x128xi32, #tpu.memory_space<vmem>> -> memref<128xi32, #tpu.memory_space<vmem>>
        %dma_start3A_195 = arith.constant 0 : i32
        %dma_start3A_196 = arith.constant 0 : i32
        %dma_start3A_197 = tpu.memref_slice %arg2[%dma_start3A_195, %dma_start3A_196] : memref<20000x128xf32, #tpu.memory_space<hbm>> -> memref<20000x128xf32, #tpu.memory_space<hbm>>
        tpu.enqueue_indirect_dma source(%dma_start3A_197 : memref<20000x128xf32, #tpu.memory_space<hbm>>) target(%dma_start3A_191 : memref<128x128xf32, #tpu.memory_space<vmem>>) offsets(%dma_start3A_194 : memref<128xi32, #tpu.memory_space<vmem>>) semaphore(%arg15 : memref<!tpu.dma_semaphore, #tpu.memory_space<semaphore_mem>>)
      } else {
      }
      %dma_wait3A_135 = arith.constant 1 : i32
      %dma_wait3A_136 = arith.constant 1 : i32
      %dma_wait3A_137 = arith.constant 0 : i32
      %dma_wait3A_138 = arith.constant 0 : i32
      %dma_wait3A_139 = tpu.memref_slice %arg9[%dma_wait3A_136, %dma_wait3A_137, %dma_wait3A_138] : memref<2x128x128xf32, #tpu.memory_space<vmem>> -> memref<1x128x128xf32, #tpu.memory_space<vmem>>
      %dma_wait3A_140 = tpu.memref_squeeze %dma_wait3A_139 : memref<1x128x128xf32, #tpu.memory_space<vmem>> -> memref<128x128xf32, #tpu.memory_space<vmem>>
      %dma_wait3A_141 = arith.constant 0 : i32
      %dma_wait3A_142 = tpu.memref_slice %arg7[%dma_wait3A_135, %dma_wait3A_141] : memref<2x128xi32, #tpu.memory_space<vmem>> -> memref<1x128xi32, #tpu.memory_space<vmem>>
      %dma_wait3A_143 = tpu.memref_squeeze %dma_wait3A_142 : memref<1x128xi32, #tpu.memory_space<vmem>> -> memref<128xi32, #tpu.memory_space<vmem>>
      %dma_wait3A_144 = arith.constant 0 : i32
      %dma_wait3A_145 = arith.constant 0 : i32
      %dma_wait3A_146 = tpu.memref_slice %arg2[%dma_wait3A_144, %dma_wait3A_145] : memref<20000x128xf32, #tpu.memory_space<hbm>> -> memref<20000x128xf32, #tpu.memory_space<hbm>>
      tpu.wait_indirect_dma semaphore(%arg16 : memref<!tpu.dma_semaphore, #tpu.memory_space<semaphore_mem>>) src(%dma_wait3A_146 : memref<20000x128xf32, #tpu.memory_space<hbm>>) dst(%dma_wait3A_140 : memref<128x128xf32, #tpu.memory_space<vmem>>)
      %run_scoped3A_147 = arith.constant 1 : i32
      %run_scoped3A_148 = arith.constant 1 : i32
      "tpu.region"() ({
        %run_scoped3A_154 = tpu.sem_alloc : memref<!tpu.dma_semaphore, #tpu.memory_space<semaphore_mem>>
        %dma_start3A_155 = arith.constant 0 : i32
        %dma_start3A_156 = arith.constant 0 : i32
        %dma_start3A_157 = tpu.memref_slice %arg9[%run_scoped3A_147, %dma_start3A_155, %dma_start3A_156] : memref<2x128x128xf32, #tpu.memory_space<vmem>> -> memref<1x128x128xf32, #tpu.memory_space<vmem>>
        %dma_start3A_158 = tpu.memref_squeeze %dma_start3A_157 : memref<1x128x128xf32, #tpu.memory_space<vmem>> -> memref<128x128xf32, #tpu.memory_space<vmem>>
        %dma_start3A_159 = arith.constant 0 : i32
        %dma_start3A_160 = tpu.memref_slice %arg8[%run_scoped3A_148, %dma_start3A_159] : memref<2x128xi32, #tpu.memory_space<vmem>> -> memref<1x128xi32, #tpu.memory_space<vmem>>
        %dma_start3A_161 = tpu.memref_squeeze %dma_start3A_160 : memref<1x128xi32, #tpu.memory_space<vmem>> -> memref<128xi32, #tpu.memory_space<vmem>>
        %dma_start3A_162 = arith.constant 0 : i32
        %dma_start3A_163 = arith.constant 0 : i32
        %dma_start3A_164 = tpu.memref_slice %arg10[%dma_start3A_162, %dma_start3A_163] : memref<10112x128xf32, #tpu.memory_space<vmem_shared>> -> memref<10112x128xf32, #tpu.memory_space<vmem_shared>>
        tpu.enqueue_indirect_dma source(%dma_start3A_158 : memref<128x128xf32, #tpu.memory_space<vmem>>) target(%dma_start3A_164 : memref<10112x128xf32, #tpu.memory_space<vmem_shared>>) offsets(%dma_start3A_161 : memref<128xi32, #tpu.memory_space<vmem>>) semaphore(%run_scoped3A_154 : memref<!tpu.dma_semaphore, #tpu.memory_space<semaphore_mem>>) {add = true}
        %dma_wait3A_165 = arith.constant 0 : i32
        %dma_wait3A_166 = arith.constant 0 : i32
        %dma_wait3A_167 = tpu.memref_slice %arg9[%run_scoped3A_147, %dma_wait3A_165, %dma_wait3A_166] : memref<2x128x128xf32, #tpu.memory_space<vmem>> -> memref<1x128x128xf32, #tpu.memory_space<vmem>>
        %dma_wait3A_168 = tpu.memref_squeeze %dma_wait3A_167 : memref<1x128x128xf32, #tpu.memory_space<vmem>> -> memref<128x128xf32, #tpu.memory_space<vmem>>
        %dma_wait3A_169 = arith.constant 0 : i32
        %dma_wait3A_170 = tpu.memref_slice %arg8[%run_scoped3A_148, %dma_wait3A_169] : memref<2x128xi32, #tpu.memory_space<vmem>> -> memref<1x128xi32, #tpu.memory_space<vmem>>
        %dma_wait3A_171 = tpu.memref_squeeze %dma_wait3A_170 : memref<1x128xi32, #tpu.memory_space<vmem>> -> memref<128xi32, #tpu.memory_space<vmem>>
        %dma_wait3A_172 = arith.constant 0 : i32
        %dma_wait3A_173 = arith.constant 0 : i32
        %dma_wait3A_174 = tpu.memref_slice %arg10[%dma_wait3A_172, %dma_wait3A_173] : memref<10112x128xf32, #tpu.memory_space<vmem_shared>> -> memref<10112x128xf32, #tpu.memory_space<vmem_shared>>
        tpu.wait_indirect_dma semaphore(%run_scoped3A_154 : memref<!tpu.dma_semaphore, #tpu.memory_space<semaphore_mem>>) src(%dma_wait3A_168 : memref<128x128xf32, #tpu.memory_space<vmem>>) dst(%dma_wait3A_174 : memref<10112x128xf32, #tpu.memory_space<vmem_shared>>)
        tpu.yield
      }) : () -> ()
      %lt3A_149 = arith.constant 79 : i32
      %lt3A_150 = arith.cmpi slt, %scan3A_62, %lt3A_149 : i32
      %convert_element_type3A_151 = arith.extui %lt3A_150 : i1 to i32
      %cond3A_152 = arith.constant 0 : i32
      %cond3A_153 = arith.cmpi ne, %convert_element_type3A_151, %cond3A_152 : i32
      scf.if %cond3A_153 {
        %add3A_154 = arith.addi %add3A, %add3A_129 : i32
        %add3A_155 = arith.constant 2 : i32
        %add3A_156 = arith.addi %add3A_154, %add3A_155 : i32
        %dma_start3A_157 = arith.constant 1 : i32
        %dma_start3A_158 = arith.constant 0 : i32
        %dma_start3A_159 = tpu.memref_slice %arg7[%dma_start3A_157, %dma_start3A_158] : memref<2x128xi32, #tpu.memory_space<vmem>> -> memref<1x128xi32, #tpu.memory_space<vmem>>
        %dma_start3A_160 = tpu.memref_squeeze %dma_start3A_159 : memref<1x128xi32, #tpu.memory_space<vmem>> -> memref<128xi32, #tpu.memory_space<vmem>>
        %dma_start3A_161 = arith.constant 0 : i32
        %dma_start3A_162 = tpu.memref_slice %arg3[%add3A_156, %dma_start3A_161] : memref<5120x128xi32, #tpu.memory_space<hbm>> -> memref<1x128xi32, #tpu.memory_space<hbm>>
        %dma_start3A_163 = tpu.memref_squeeze %dma_start3A_162 : memref<1x128xi32, #tpu.memory_space<hbm>> -> memref<128xi32, #tpu.memory_space<hbm>>
        %dma_start3A_164 = arith.constant 0 : i32
        %dma_start3A_165 = tpu.memref_slice %arg7[%dma_start3A_157, %dma_start3A_164] : memref<2x128xi32, #tpu.memory_space<vmem>> -> memref<1x128xi32, #tpu.memory_space<vmem>>
        %dma_start3A_166 = tpu.memref_squeeze %dma_start3A_165 : memref<1x128xi32, #tpu.memory_space<vmem>> -> memref<128xi32, #tpu.memory_space<vmem>>
        %dma_start3A_167 = arith.constant 0 : i32
        %dma_start3A_168 = tpu.memref_slice %arg3[%add3A_156, %dma_start3A_167] : memref<5120x128xi32, #tpu.memory_space<hbm>> -> memref<1x128xi32, #tpu.memory_space<hbm>>
        %dma_start3A_169 = tpu.memref_squeeze %dma_start3A_168 : memref<1x128xi32, #tpu.memory_space<hbm>> -> memref<128xi32, #tpu.memory_space<hbm>>
        tpu.enqueue_dma source(%dma_start3A_169 : memref<128xi32, #tpu.memory_space<hbm>>) target(%dma_start3A_166 : memref<128xi32, #tpu.memory_space<vmem>>) target_semaphore(%arg13 : memref<!tpu.dma_semaphore, #tpu.memory_space<semaphore_mem>>)
        %add3A_170 = arith.addi %mul3A_4, %add3A_129 : i32
        %add3A_171 = arith.constant 2 : i32
        %add3A_172 = arith.addi %add3A_170, %add3A_171 : i32
        %dma_start3A_173 = arith.constant 1 : i32
        %dma_start3A_174 = arith.constant 0 : i32
        %dma_start3A_175 = tpu.memref_slice %arg8[%dma_start3A_173, %dma_start3A_174] : memref<2x128xi32, #tpu.memory_space<vmem>> -> memref<1x128xi32, #tpu.memory_space<vmem>>
        %dma_start3A_176 = tpu.memref_squeeze %dma_start3A_175 : memref<1x128xi32, #tpu.memory_space<vmem>> -> memref<128xi32, #tpu.memory_space<vmem>>
        %dma_start3A_177 = arith.constant 0 : i32
        %dma_start3A_178 = tpu.memref_slice %arg4[%add3A_172, %dma_start3A_177] : memref<2560x128xi32, #tpu.memory_space<hbm>> -> memref<1x128xi32, #tpu.memory_space<hbm>>
        %dma_start3A_179 = tpu.memref_squeeze %dma_start3A_178 : memref<1x128xi32, #tpu.memory_space<hbm>> -> memref<128xi32, #tpu.memory_space<hbm>>
        %dma_start3A_180 = arith.constant 0 : i32
        %dma_start3A_181 = tpu.memref_slice %arg8[%dma_start3A_173, %dma_start3A_180] : memref<2x128xi32, #tpu.memory_space<vmem>> -> memref<1x128xi32, #tpu.memory_space<vmem>>
        %dma_start3A_182 = tpu.memref_squeeze %dma_start3A_181 : memref<1x128xi32, #tpu.memory_space<vmem>> -> memref<128xi32, #tpu.memory_space<vmem>>
        %dma_start3A_183 = arith.constant 0 : i32
        %dma_start3A_184 = tpu.memref_slice %arg4[%add3A_172, %dma_start3A_183] : memref<2560x128xi32, #tpu.memory_space<hbm>> -> memref<1x128xi32, #tpu.memory_space<hbm>>
        %dma_start3A_185 = tpu.memref_squeeze %dma_start3A_184 : memref<1x128xi32, #tpu.memory_space<hbm>> -> memref<128xi32, #tpu.memory_space<hbm>>
        tpu.enqueue_dma source(%dma_start3A_185 : memref<128xi32, #tpu.memory_space<hbm>>) target(%dma_start3A_182 : memref<128xi32, #tpu.memory_space<vmem>>) target_semaphore(%arg14 : memref<!tpu.dma_semaphore, #tpu.memory_space<semaphore_mem>>)
      } else {
      }
    }
    %scan3A_53 = arith.constant 80 : i32
    %barrier3A_54 = arith.constant 0 : index
    tpu.barrier barrier_id(%barrier3A_54)
    %mul3A_55 = arith.constant 632 : i32
    %mul3A_56 = arith.muli %arg1, %mul3A_55 : i32
    %mul3A_57 = arith.constant 10112 : i32
    %mul3A_58 = arith.muli %arg0, %mul3A_57 : i32
    %mul3A_59 = arith.constant 632 : i32
    %mul3A_60 = arith.muli %arg1, %mul3A_59 : i32
    %add3A_61 = arith.addi %mul3A_58, %mul3A_60 : i32
    "tpu.region"() ({
      %run_scoped3A_62 = tpu.sem_alloc : memref<!tpu.dma_semaphore, #tpu.memory_space<semaphore_mem>>
      %dma_start3A_63 = arith.constant 0 : i32
      %dma_start3A_64 = tpu.memref_slice %arg6[%add3A_61, %dma_start3A_63] : memref<20224x128xf32, #tpu.memory_space<hbm>> -> memref<632x128xf32, #tpu.memory_space<hbm>>
      %dma_start3A_65 = arith.constant 0 : i32
      %dma_start3A_66 = tpu.memref_slice %arg10[%mul3A_56, %dma_start3A_65] : memref<10112x128xf32, #tpu.memory_space<vmem_shared>> -> memref<632x128xf32, #tpu.memory_space<vmem_shared>>
      tpu.enqueue_dma source(%dma_start3A_66 : memref<632x128xf32, #tpu.memory_space<vmem_shared>>) target(%dma_start3A_64 : memref<632x128xf32, #tpu.memory_space<hbm>>) target_semaphore(%run_scoped3A_62 : memref<!tpu.dma_semaphore, #tpu.memory_space<semaphore_mem>>)
      %dma_wait3A = arith.constant 0 : i32
      %dma_wait3A_67 = tpu.memref_slice %arg6[%add3A_61, %dma_wait3A] : memref<20224x128xf32, #tpu.memory_space<hbm>> -> memref<632x128xf32, #tpu.memory_space<hbm>>
      %dma_wait3A_68 = arith.constant 0 : i32
      %dma_wait3A_69 = tpu.memref_slice %arg10[%mul3A_56, %dma_wait3A_68] : memref<10112x128xf32, #tpu.memory_space<vmem_shared>> -> memref<632x128xf32, #tpu.memory_space<vmem_shared>>
      tpu.wait_dma2 semaphore(%run_scoped3A_62 : memref<!tpu.dma_semaphore, #tpu.memory_space<semaphore_mem>>) src(%dma_wait3A_69 : memref<632x128xf32, #tpu.memory_space<vmem_shared>>) dst(%dma_wait3A_67 : memref<632x128xf32, #tpu.memory_space<hbm>>)
      tpu.yield
    }) : () -> ()
    return
  }
}

module attributes {stable_mosaic.version = 14 : i64} {
  func.func @_mid_body(%arg0: i32, %arg1: memref<2x2000x128xf32, #tpu.memory_space<vmem>>, %arg2: memref<2x2000x128xf32, #tpu.memory_space<vmem>>, %arg3: memref<2x2000x128xf32, #tpu.memory_space<vmem>>, %arg4: memref<1x256xf32, #tpu.memory_space<vmem>>, %arg5: memref<256x256xf32, #tpu.memory_space<vmem>>, %arg6: memref<2x2000x128xf32, #tpu.memory_space<vmem>>) attributes {dimension_semantics = [#tpu.dimension_semantics<arbitrary>], iteration_bounds = array<i64: 5>, scalar_prefetch = 0 : i64, scratch_operands = 0 : i64, tpu.core_type = #tpu.core_type<tc>, window_params = [{transform_indices = @transform_0, window_bounds = array<i64: 2, 2000, 128>}, {transform_indices = @transform_1, window_bounds = array<i64: 2, 2000, 128>}, {transform_indices = @transform_2, window_bounds = array<i64: 2, 2000, 128>}, {pipeline_mode = #tpu.pipeline_mode<synchronous>, transform_indices = @transform_3, window_bounds = array<i64: 1, 256>}, {pipeline_mode = #tpu.pipeline_mode<synchronous>, transform_indices = @transform_4, window_bounds = array<i64: 256, 256>}, {transform_indices = @transform_5, window_bounds = array<i64: 2, 2000, 128>}]} {
    %get3A = arith.constant 0 : index
    %get3A_0 = arith.constant 0 : index
    %get3A_1 = arith.constant 0 : index
    %get3A_2 = vector.load %arg3[%get3A, %get3A_0, %get3A_1] : memref<2x2000x128xf32, #tpu.memory_space<vmem>>, vector<2x2000x128xf32>
    %slice3A = vector.extract_strided_slice %get3A_2 {offsets = [0, 0, 0], sizes = [1, 2000, 1], strides = [1, 1, 1]} : vector<2x2000x128xf32> to vector<1x2000x1xf32>
    %squeeze3A = vector.shape_cast %slice3A : vector<1x2000x1xf32> to vector<2000x1xf32>
    %slice3A_3 = vector.extract_strided_slice %get3A_2 {offsets = [1, 0, 0], sizes = [1, 2000, 1], strides = [1, 1, 1]} : vector<2x2000x128xf32> to vector<1x2000x1xf32>
    %squeeze3A_4 = vector.shape_cast %slice3A_3 : vector<1x2000x1xf32> to vector<2000x1xf32>
    %add3A = arith.addf %squeeze3A, %squeeze3A_4 : vector<2000x1xf32>
    %add3A_5 = arith.constant 1.000000e+00 : f32
    %add3A_6 = vector.broadcast %add3A_5 : f32 to vector<2000x1xf32>
    %add3A_7 = arith.addf %add3A, %add3A_6 : vector<2000x1xf32>
    %max3A = arith.constant 1.000000e+00 : f32
    %max3A_8 = vector.broadcast %max3A : f32 to vector<2000x1xf32>
    %max3A_9 = arith.maximumf %add3A_7, %max3A_8 : vector<2000x1xf32>
    %rsqrt3A = math.rsqrt %max3A_9 : vector<2000x1xf32>
    %get3A_10 = arith.constant 0 : index
    %get3A_11 = arith.constant 0 : index
    %get3A_12 = vector.load %arg4[%get3A_10, %get3A_11] : memref<1x256xf32, #tpu.memory_space<vmem>>, vector<1x256xf32>
    %get3A_13 = arith.constant 0 : index
    %get3A_14 = arith.constant 0 : index
    %get3A_15 = arith.constant 0 : index
    %get3A_16 = vector.load %arg1[%get3A_13, %get3A_14, %get3A_15] : memref<2x2000x128xf32, #tpu.memory_space<vmem>>, vector<1x2000x128xf32>
    %get3A_17 = vector.shape_cast %get3A_16 : vector<1x2000x128xf32> to vector<2000x128xf32>
    %get3A_18 = arith.constant 0 : index
    %get3A_19 = arith.constant 0 : index
    %get3A_20 = arith.constant 0 : index
    %get3A_21 = vector.load %arg2[%get3A_18, %get3A_19, %get3A_20] : memref<2x2000x128xf32, #tpu.memory_space<vmem>>, vector<1x2000x128xf32>
    %get3A_22 = vector.shape_cast %get3A_21 : vector<1x2000x128xf32> to vector<2000x128xf32>
    %add3A_23 = arith.addf %get3A_17, %get3A_22 : vector<2000x128xf32>
    %mul3A = vector.broadcast %rsqrt3A : vector<2000x1xf32> to vector<2000x128xf32>
    %mul3A_24 = arith.mulf %add3A_23, %mul3A : vector<2000x128xf32>
    %slice3A_25 = vector.extract_strided_slice %get3A_12 {offsets = [0, 0], sizes = [1, 128], strides = [1, 1]} : vector<1x256xf32> to vector<1x128xf32>
    %add3A_26 = vector.broadcast %slice3A_25 : vector<1x128xf32> to vector<2000x128xf32>
    %add3A_27 = arith.addf %mul3A_24, %add3A_26 : vector<2000x128xf32>
    %get3A_28 = arith.constant 1 : index
    %get3A_29 = arith.constant 0 : index
    %get3A_30 = arith.constant 0 : index
    %get3A_31 = vector.load %arg1[%get3A_28, %get3A_29, %get3A_30] : memref<2x2000x128xf32, #tpu.memory_space<vmem>>, vector<1x2000x128xf32>
    %get3A_32 = vector.shape_cast %get3A_31 : vector<1x2000x128xf32> to vector<2000x128xf32>
    %get3A_33 = arith.constant 1 : index
    %get3A_34 = arith.constant 0 : index
    %get3A_35 = arith.constant 0 : index
    %get3A_36 = vector.load %arg2[%get3A_33, %get3A_34, %get3A_35] : memref<2x2000x128xf32, #tpu.memory_space<vmem>>, vector<1x2000x128xf32>
    %get3A_37 = vector.shape_cast %get3A_36 : vector<1x2000x128xf32> to vector<2000x128xf32>
    %add3A_38 = arith.addf %get3A_32, %get3A_37 : vector<2000x128xf32>
    %mul3A_39 = vector.broadcast %rsqrt3A : vector<2000x1xf32> to vector<2000x128xf32>
    %mul3A_40 = arith.mulf %add3A_38, %mul3A_39 : vector<2000x128xf32>
    %slice3A_41 = vector.extract_strided_slice %get3A_12 {offsets = [0, 128], sizes = [1, 128], strides = [1, 1]} : vector<1x256xf32> to vector<1x128xf32>
    %add3A_42 = vector.broadcast %slice3A_41 : vector<1x128xf32> to vector<2000x128xf32>
    %add3A_43 = arith.addf %mul3A_40, %add3A_42 : vector<2000x128xf32>
    %concatenate3A = tpu.concatenate %add3A_27, %add3A_43 in 1 : vector<2000x128xf32>, vector<2000x128xf32> -> vector<2000x256xf32>
    %max3A_44 = arith.constant 0.000000e+00 : f32
    %max3A_45 = vector.broadcast %max3A_44 : f32 to vector<2000x256xf32>
    %max3A_46 = arith.maximumf %concatenate3A, %max3A_45 : vector<2000x256xf32>
    %get3A_47 = arith.constant 0 : index
    %get3A_48 = arith.constant 0 : index
    %get3A_49 = vector.load %arg5[%get3A_47, %get3A_48] : memref<256x256xf32, #tpu.memory_space<vmem>>, vector<256x256xf32>
    %dot_general3A = arith.constant dense<0.000000e+00> : vector<2000x256xf32>
    %dot_general3A_50 = tpu.matmul %max3A_46, %get3A_49, %dot_general3A {dimension_numbers = #tpu.dot_dimension_numbers<[1], [0], [0], [1], [0, 0, 1, 1], [], []>, transpose_lhs_hint = false} : vector<2000x256xf32>, vector<256x256xf32>, vector<2000x256xf32> -> vector<2000x256xf32>
    %mul3A_51 = vector.broadcast %rsqrt3A : vector<2000x1xf32> to vector<2000x256xf32>
    %mul3A_52 = arith.mulf %dot_general3A_50, %mul3A_51 : vector<2000x256xf32>
    %slice3A_53 = vector.extract_strided_slice %mul3A_52 {offsets = [0, 0], sizes = [2000, 128], strides = [1, 1]} : vector<2000x256xf32> to vector<2000x128xf32>
    %swap3A = arith.constant 0 : index
    %swap3A_54 = arith.constant 0 : index
    %swap3A_55 = arith.constant 0 : index
    %swap3A_56 = vector.load %arg6[%swap3A, %swap3A_54, %swap3A_55] : memref<2x2000x128xf32, #tpu.memory_space<vmem>>, vector<1x2000x128xf32>
    %swap3A_57 = vector.shape_cast %swap3A_56 : vector<1x2000x128xf32> to vector<2000x128xf32>
    %swap3A_58 = vector.shape_cast %slice3A_53 : vector<2000x128xf32> to vector<1x2000x128xf32>
    tpu.vector_store %arg6[%swap3A, %swap3A_54, %swap3A_55], %swap3A_58 {strides = array<i32>} : memref<2x2000x128xf32, #tpu.memory_space<vmem>>, vector<1x2000x128xf32>,
    %slice3A_59 = vector.extract_strided_slice %mul3A_52 {offsets = [0, 128], sizes = [2000, 128], strides = [1, 1]} : vector<2000x256xf32> to vector<2000x128xf32>
    %swap3A_60 = arith.constant 1 : index
    %swap3A_61 = arith.constant 0 : index
    %swap3A_62 = arith.constant 0 : index
    %swap3A_63 = vector.load %arg6[%swap3A_60, %swap3A_61, %swap3A_62] : memref<2x2000x128xf32, #tpu.memory_space<vmem>>, vector<1x2000x128xf32>
    %swap3A_64 = vector.shape_cast %swap3A_63 : vector<1x2000x128xf32> to vector<2000x128xf32>
    %swap3A_65 = vector.shape_cast %slice3A_59 : vector<2000x128xf32> to vector<1x2000x128xf32>
    tpu.vector_store %arg6[%swap3A_60, %swap3A_61, %swap3A_62], %swap3A_65 {strides = array<i32>} : memref<2x2000x128xf32, #tpu.memory_space<vmem>>, vector<1x2000x128xf32>,
    return
  }
  func.func @transform_0(%arg0: i32) -> (i32, i32, i32) {
    %c0_i32 = arith.constant 0 : i32
    %c0_i32_0 = arith.constant 0 : i32
    %c0_i32_1 = arith.constant 0 : i32
    return %c0_i32, %arg0, %c0_i32_0 : i32, i32, i32
  }
  func.func @transform_1(%arg0: i32) -> (i32, i32, i32) {
    %c0_i32 = arith.constant 0 : i32
    %c0_i32_0 = arith.constant 0 : i32
    %c0_i32_1 = arith.constant 0 : i32
    return %c0_i32, %arg0, %c0_i32_0 : i32, i32, i32
  }
  func.func @transform_2(%arg0: i32) -> (i32, i32, i32) {
    %c0_i32 = arith.constant 0 : i32
    %c0_i32_0 = arith.constant 0 : i32
    %c0_i32_1 = arith.constant 0 : i32
    return %c0_i32, %arg0, %c0_i32_0 : i32, i32, i32
  }
  func.func @transform_3(%arg0: i32) -> (i32, i32) {
    %c0_i32 = arith.constant 0 : i32
    %c0_i32_0 = arith.constant 0 : i32
    %c0_i32_1 = arith.constant 0 : i32
    return %c0_i32, %c0_i32_0 : i32, i32
  }
  func.func @transform_4(%arg0: i32) -> (i32, i32) {
    %c0_i32 = arith.constant 0 : i32
    %c0_i32_0 = arith.constant 0 : i32
    %c0_i32_1 = arith.constant 0 : i32
    return %c0_i32, %c0_i32_0 : i32, i32
  }
  func.func @transform_5(%arg0: i32) -> (i32, i32, i32) {
    %c0_i32 = arith.constant 0 : i32
    %c0_i32_0 = arith.constant 0 : i32
    %c0_i32_1 = arith.constant 0 : i32
    return %c0_i32, %arg0, %c0_i32_0 : i32, i32, i32
  }
}

module attributes {stable_mosaic.version = 14 : i64} {
  func.func @_l1_body(%arg0: i32, %arg1: memref<2000x128xf32, #tpu.memory_space<vmem>>, %arg2: memref<128x256xf32, #tpu.memory_space<vmem>>, %arg3: memref<2x2000x128xf32, #tpu.memory_space<vmem>>, %arg4: memref<2x2000x128xf32, #tpu.memory_space<vmem>>) attributes {dimension_semantics = [#tpu.dimension_semantics<arbitrary>], iteration_bounds = array<i64: 5>, scalar_prefetch = 0 : i64, scratch_operands = 0 : i64, tpu.core_type = #tpu.core_type<tc>, window_params = [{transform_indices = @transform_0, window_bounds = array<i64: 2000, 128>}, {pipeline_mode = #tpu.pipeline_mode<synchronous>, transform_indices = @transform_1, window_bounds = array<i64: 128, 256>}, {transform_indices = @transform_2, window_bounds = array<i64: 2, 2000, 128>}, {transform_indices = @transform_3, window_bounds = array<i64: 2, 2000, 128>}]} {
    %get3A = arith.constant 0 : index
    %get3A_0 = arith.constant 0 : index
    %get3A_1 = arith.constant 0 : index
    %get3A_2 = vector.load %arg3[%get3A, %get3A_0, %get3A_1] : memref<2x2000x128xf32, #tpu.memory_space<vmem>>, vector<2x2000x128xf32>
    %slice3A = vector.extract_strided_slice %get3A_2 {offsets = [0, 0, 0], sizes = [1, 2000, 1], strides = [1, 1, 1]} : vector<2x2000x128xf32> to vector<1x2000x1xf32>
    %squeeze3A = vector.shape_cast %slice3A : vector<1x2000x1xf32> to vector<2000x1xf32>
    %slice3A_3 = vector.extract_strided_slice %get3A_2 {offsets = [1, 0, 0], sizes = [1, 2000, 1], strides = [1, 1, 1]} : vector<2x2000x128xf32> to vector<1x2000x1xf32>
    %squeeze3A_4 = vector.shape_cast %slice3A_3 : vector<1x2000x1xf32> to vector<2000x1xf32>
    %add3A = arith.addf %squeeze3A, %squeeze3A_4 : vector<2000x1xf32>
    %add3A_5 = arith.constant 1.000000e+00 : f32
    %add3A_6 = vector.broadcast %add3A_5 : f32 to vector<2000x1xf32>
    %add3A_7 = arith.addf %add3A, %add3A_6 : vector<2000x1xf32>
    %max3A = arith.constant 1.000000e+00 : f32
    %max3A_8 = vector.broadcast %max3A : f32 to vector<2000x1xf32>
    %max3A_9 = arith.maximumf %add3A_7, %max3A_8 : vector<2000x1xf32>
    %rsqrt3A = math.rsqrt %max3A_9 : vector<2000x1xf32>
    %get3A_10 = arith.constant 0 : index
    %get3A_11 = arith.constant 0 : index
    %get3A_12 = vector.load %arg1[%get3A_10, %get3A_11] : memref<2000x128xf32, #tpu.memory_space<vmem>>, vector<2000x128xf32>
    %get3A_13 = arith.constant 0 : index
    %get3A_14 = arith.constant 0 : index
    %get3A_15 = vector.load %arg2[%get3A_13, %get3A_14] : memref<128x256xf32, #tpu.memory_space<vmem>>, vector<128x256xf32>
    %dot_general3A = arith.constant dense<0.000000e+00> : vector<2000x256xf32>
    %dot_general3A_16 = tpu.matmul %get3A_12, %get3A_15, %dot_general3A {dimension_numbers = #tpu.dot_dimension_numbers<[1], [0], [0], [1], [0, 0, 1, 1], [], []>, transpose_lhs_hint = false} : vector<2000x128xf32>, vector<128x256xf32>, vector<2000x256xf32> -> vector<2000x256xf32>
    %mul3A = vector.broadcast %rsqrt3A : vector<2000x1xf32> to vector<2000x256xf32>
    %mul3A_17 = arith.mulf %dot_general3A_16, %mul3A : vector<2000x256xf32>
    %slice3A_18 = vector.extract_strided_slice %mul3A_17 {offsets = [0, 0], sizes = [2000, 128], strides = [1, 1]} : vector<2000x256xf32> to vector<2000x128xf32>
    %swap3A = arith.constant 0 : index
    %swap3A_19 = arith.constant 0 : index
    %swap3A_20 = arith.constant 0 : index
    %swap3A_21 = vector.load %arg4[%swap3A, %swap3A_19, %swap3A_20] : memref<2x2000x128xf32, #tpu.memory_space<vmem>>, vector<1x2000x128xf32>
    %swap3A_22 = vector.shape_cast %swap3A_21 : vector<1x2000x128xf32> to vector<2000x128xf32>
    %swap3A_23 = vector.shape_cast %slice3A_18 : vector<2000x128xf32> to vector<1x2000x128xf32>
    tpu.vector_store %arg4[%swap3A, %swap3A_19, %swap3A_20], %swap3A_23 {strides = array<i32>} : memref<2x2000x128xf32, #tpu.memory_space<vmem>>, vector<1x2000x128xf32>,
    %slice3A_24 = vector.extract_strided_slice %mul3A_17 {offsets = [0, 128], sizes = [2000, 128], strides = [1, 1]} : vector<2000x256xf32> to vector<2000x128xf32>
    %swap3A_25 = arith.constant 1 : index
    %swap3A_26 = arith.constant 0 : index
    %swap3A_27 = arith.constant 0 : index
    %swap3A_28 = vector.load %arg4[%swap3A_25, %swap3A_26, %swap3A_27] : memref<2x2000x128xf32, #tpu.memory_space<vmem>>, vector<1x2000x128xf32>
    %swap3A_29 = vector.shape_cast %swap3A_28 : vector<1x2000x128xf32> to vector<2000x128xf32>
    %swap3A_30 = vector.shape_cast %slice3A_24 : vector<2000x128xf32> to vector<1x2000x128xf32>
    tpu.vector_store %arg4[%swap3A_25, %swap3A_26, %swap3A_27], %swap3A_30 {strides = array<i32>} : memref<2x2000x128xf32, #tpu.memory_space<vmem>>, vector<1x2000x128xf32>,
    return
  }
  func.func @transform_0(%arg0: i32) -> (i32, i32) {
    %c0_i32 = arith.constant 0 : i32
    %c0_i32_0 = arith.constant 0 : i32
    return %arg0, %c0_i32 : i32, i32
  }
  func.func @transform_1(%arg0: i32) -> (i32, i32) {
    %c0_i32 = arith.constant 0 : i32
    %c0_i32_0 = arith.constant 0 : i32
    %c0_i32_1 = arith.constant 0 : i32
    return %c0_i32, %c0_i32_0 : i32, i32
  }
  func.func @transform_2(%arg0: i32) -> (i32, i32, i32) {
    %c0_i32 = arith.constant 0 : i32
    %c0_i32_0 = arith.constant 0 : i32
    %c0_i32_1 = arith.constant 0 : i32
    return %c0_i32, %arg0, %c0_i32_0 : i32, i32, i32
  }
  func.func @transform_3(%arg0: i32) -> (i32, i32, i32) {
    %c0_i32 = arith.constant 0 : i32
    %c0_i32_0 = arith.constant 0 : i32
    %c0_i32_1 = arith.constant 0 : i32
    return %c0_i32, %arg0, %c0_i32_0 : i32, i32, i32
  }
}

module attributes {stable_mosaic.version = 14 : i64} {
  func.func @_fin_body(%arg0: i32, %arg1: memref<2x2000x128xf32, #tpu.memory_space<vmem>>, %arg2: memref<2x2000x128xf32, #tpu.memory_space<vmem>>, %arg3: memref<2x2000x128xf32, #tpu.memory_space<vmem>>, %arg4: memref<1x256xf32, #tpu.memory_space<vmem>>, %arg5: memref<2000x1xi32, #tpu.memory_space<vmem>>, %arg6: memref<128x256xf32, #tpu.memory_space<vmem>>, %arg7: memref<128x1xf32, #tpu.memory_space<vmem>>) attributes {dimension_semantics = [#tpu.dimension_semantics<arbitrary>], iteration_bounds = array<i64: 5>, scalar_prefetch = 0 : i64, scratch_operands = 0 : i64, tpu.core_type = #tpu.core_type<tc>, window_params = [{transform_indices = @transform_0, window_bounds = array<i64: 2, 2000, 128>}, {transform_indices = @transform_1, window_bounds = array<i64: 2, 2000, 128>}, {transform_indices = @transform_2, window_bounds = array<i64: 2, 2000, 128>}, {pipeline_mode = #tpu.pipeline_mode<synchronous>, transform_indices = @transform_3, window_bounds = array<i64: 1, 256>}, {transform_indices = @transform_4, window_bounds = array<i64: 2000, 1>}, {pipeline_mode = #tpu.pipeline_mode<synchronous>, transform_indices = @transform_5, window_bounds = array<i64: 128, 256>}, {pipeline_mode = #tpu.pipeline_mode<synchronous>, transform_indices = @transform_6, window_bounds = array<i64: 128, 1>}]} {
    %get3A = arith.constant 0 : index
    %get3A_0 = arith.constant 0 : index
    %get3A_1 = arith.constant 0 : index
    %get3A_2 = vector.load %arg3[%get3A, %get3A_0, %get3A_1] : memref<2x2000x128xf32, #tpu.memory_space<vmem>>, vector<2x2000x128xf32>
    %slice3A = vector.extract_strided_slice %get3A_2 {offsets = [0, 0, 0], sizes = [1, 2000, 1], strides = [1, 1, 1]} : vector<2x2000x128xf32> to vector<1x2000x1xf32>
    %squeeze3A = vector.shape_cast %slice3A : vector<1x2000x1xf32> to vector<2000x1xf32>
    %slice3A_3 = vector.extract_strided_slice %get3A_2 {offsets = [1, 0, 0], sizes = [1, 2000, 1], strides = [1, 1, 1]} : vector<2x2000x128xf32> to vector<1x2000x1xf32>
    %squeeze3A_4 = vector.shape_cast %slice3A_3 : vector<1x2000x1xf32> to vector<2000x1xf32>
    %add3A = arith.addf %squeeze3A, %squeeze3A_4 : vector<2000x1xf32>
    %add3A_5 = arith.constant 1.000000e+00 : f32
    %add3A_6 = vector.broadcast %add3A_5 : f32 to vector<2000x1xf32>
    %add3A_7 = arith.addf %add3A, %add3A_6 : vector<2000x1xf32>
    %max3A = arith.constant 1.000000e+00 : f32
    %max3A_8 = vector.broadcast %max3A : f32 to vector<2000x1xf32>
    %max3A_9 = arith.maximumf %add3A_7, %max3A_8 : vector<2000x1xf32>
    %rsqrt3A = math.rsqrt %max3A_9 : vector<2000x1xf32>
    %get3A_10 = arith.constant 0 : index
    %get3A_11 = arith.constant 0 : index
    %get3A_12 = vector.load %arg4[%get3A_10, %get3A_11] : memref<1x256xf32, #tpu.memory_space<vmem>>, vector<1x256xf32>
    %get3A_13 = arith.constant 0 : index
    %get3A_14 = arith.constant 0 : index
    %get3A_15 = arith.constant 0 : index
    %get3A_16 = vector.load %arg1[%get3A_13, %get3A_14, %get3A_15] : memref<2x2000x128xf32, #tpu.memory_space<vmem>>, vector<1x2000x128xf32>
    %get3A_17 = vector.shape_cast %get3A_16 : vector<1x2000x128xf32> to vector<2000x128xf32>
    %get3A_18 = arith.constant 0 : index
    %get3A_19 = arith.constant 0 : index
    %get3A_20 = arith.constant 0 : index
    %get3A_21 = vector.load %arg2[%get3A_18, %get3A_19, %get3A_20] : memref<2x2000x128xf32, #tpu.memory_space<vmem>>, vector<1x2000x128xf32>
    %get3A_22 = vector.shape_cast %get3A_21 : vector<1x2000x128xf32> to vector<2000x128xf32>
    %add3A_23 = arith.addf %get3A_17, %get3A_22 : vector<2000x128xf32>
    %mul3A = vector.broadcast %rsqrt3A : vector<2000x1xf32> to vector<2000x128xf32>
    %mul3A_24 = arith.mulf %add3A_23, %mul3A : vector<2000x128xf32>
    %slice3A_25 = vector.extract_strided_slice %get3A_12 {offsets = [0, 0], sizes = [1, 128], strides = [1, 1]} : vector<1x256xf32> to vector<1x128xf32>
    %add3A_26 = vector.broadcast %slice3A_25 : vector<1x128xf32> to vector<2000x128xf32>
    %add3A_27 = arith.addf %mul3A_24, %add3A_26 : vector<2000x128xf32>
    %get3A_28 = arith.constant 1 : index
    %get3A_29 = arith.constant 0 : index
    %get3A_30 = arith.constant 0 : index
    %get3A_31 = vector.load %arg1[%get3A_28, %get3A_29, %get3A_30] : memref<2x2000x128xf32, #tpu.memory_space<vmem>>, vector<1x2000x128xf32>
    %get3A_32 = vector.shape_cast %get3A_31 : vector<1x2000x128xf32> to vector<2000x128xf32>
    %get3A_33 = arith.constant 1 : index
    %get3A_34 = arith.constant 0 : index
    %get3A_35 = arith.constant 0 : index
    %get3A_36 = vector.load %arg2[%get3A_33, %get3A_34, %get3A_35] : memref<2x2000x128xf32, #tpu.memory_space<vmem>>, vector<1x2000x128xf32>
    %get3A_37 = vector.shape_cast %get3A_36 : vector<1x2000x128xf32> to vector<2000x128xf32>
    %add3A_38 = arith.addf %get3A_32, %get3A_37 : vector<2000x128xf32>
    %mul3A_39 = vector.broadcast %rsqrt3A : vector<2000x1xf32> to vector<2000x128xf32>
    %mul3A_40 = arith.mulf %add3A_38, %mul3A_39 : vector<2000x128xf32>
    %slice3A_41 = vector.extract_strided_slice %get3A_12 {offsets = [0, 128], sizes = [1, 128], strides = [1, 1]} : vector<1x256xf32> to vector<1x128xf32>
    %add3A_42 = vector.broadcast %slice3A_41 : vector<1x128xf32> to vector<2000x128xf32>
    %add3A_43 = arith.addf %mul3A_40, %add3A_42 : vector<2000x128xf32>
    %concatenate3A = tpu.concatenate %add3A_27, %add3A_43 in 1 : vector<2000x128xf32>, vector<2000x128xf32> -> vector<2000x256xf32>
    %max3A_44 = arith.constant 0.000000e+00 : f32
    %max3A_45 = vector.broadcast %max3A_44 : f32 to vector<2000x256xf32>
    %max3A_46 = arith.maximumf %concatenate3A, %max3A_45 : vector<2000x256xf32>
    %get3A_47 = arith.constant 0 : index
    %get3A_48 = arith.constant 0 : index
    %get3A_49 = vector.load %arg5[%get3A_47, %get3A_48] : memref<2000x1xi32, #tpu.memory_space<vmem>>, vector<2000x1xi32>
    %iota3A = tpu.iota {dimensions = array<i32: 1>} : vector<1x128xi32>
    %eq3A = vector.broadcast %get3A_49 : vector<2000x1xi32> to vector<2000x128xi32>
    %eq3A_50 = vector.broadcast %iota3A : vector<1x128xi32> to vector<2000x128xi32>
    %eq3A_51 = arith.cmpi eq, %eq3A, %eq3A_50 : vector<2000x128xi32>
    %convert_element_type3A = arith.extui %eq3A_51 : vector<2000x128xi1> to vector<2000x128xi32>
    %convert_element_type3A_52 = arith.sitofp %convert_element_type3A : vector<2000x128xi32> to vector<2000x128xf32>
    %dot_general3A = arith.constant dense<0.000000e+00> : vector<128x256xf32>
    %dot_general3A_53 = tpu.matmul %convert_element_type3A_52, %max3A_46, %dot_general3A {dimension_numbers = #tpu.dot_dimension_numbers<[0], [0], [1], [1], [0, 1, 1, 1], [], []>, transpose_lhs_hint = false} : vector<2000x128xf32>, vector<2000x256xf32>, vector<128x256xf32> -> vector<128x256xf32>
    %broadcast_in_dim3A = arith.constant 1.000000e+00 : f32
    %broadcast_in_dim3A_54 = vector.broadcast %broadcast_in_dim3A : f32 to vector<2000x1xf32>
    %dot_general3A_55 = arith.constant dense<0.000000e+00> : vector<128x1xf32>
    %dot_general3A_56 = tpu.matmul %convert_element_type3A_52, %broadcast_in_dim3A_54, %dot_general3A_55 {dimension_numbers = #tpu.dot_dimension_numbers<[0], [0], [1], [1], [0, 1, 1, 1], [], []>, transpose_lhs_hint = false} : vector<2000x128xf32>, vector<2000x1xf32>, vector<128x1xf32> -> vector<128x1xf32>
    %eq3A_57 = arith.constant 0 : i32
    %eq3A_58 = arith.cmpi eq, %arg0, %eq3A_57 : i32
    %convert_element_type3A_59 = arith.extui %eq3A_58 : i1 to i32
    %cond3A = arith.constant 0 : i32
    %cond3A_60 = arith.cmpi ne, %convert_element_type3A_59, %cond3A : i32
    scf.if %cond3A_60 {
      %swap3A = arith.constant 0 : index
      %swap3A_70 = arith.constant 0 : index
      %swap3A_71 = vector.load %arg6[%swap3A, %swap3A_70] : memref<128x256xf32, #tpu.memory_space<vmem>>, vector<128x256xf32>
      tpu.vector_store %arg6[%swap3A, %swap3A_70], %dot_general3A_53 {strides = array<i32>} : memref<128x256xf32, #tpu.memory_space<vmem>>, vector<128x256xf32>,
      %swap3A_72 = arith.constant 0 : index
      %swap3A_73 = arith.constant 0 : index
      %swap3A_74 = vector.load %arg7[%swap3A_72, %swap3A_73] : memref<128x1xf32, #tpu.memory_space<vmem>>, vector<128x1xf32>
      tpu.vector_store %arg7[%swap3A_72, %swap3A_73], %dot_general3A_56 {strides = array<i32>} : memref<128x1xf32, #tpu.memory_space<vmem>>, vector<128x1xf32>,
    } else {
    }
    %gt3A = arith.constant 0 : i32
    %gt3A_61 = arith.cmpi sgt, %arg0, %gt3A : i32
    %convert_element_type3A_62 = arith.extui %gt3A_61 : i1 to i32
    %cond3A_63 = arith.constant 0 : i32
    %cond3A_64 = arith.cmpi ne, %convert_element_type3A_62, %cond3A_63 : i32
    scf.if %cond3A_64 {
      %get3A_70 = arith.constant 0 : index
      %get3A_71 = arith.constant 0 : index
      %get3A_72 = vector.load %arg6[%get3A_70, %get3A_71] : memref<128x256xf32, #tpu.memory_space<vmem>>, vector<128x256xf32>
      %add3A_73 = arith.addf %get3A_72, %dot_general3A_53 : vector<128x256xf32>
      %swap3A = arith.constant 0 : index
      %swap3A_74 = arith.constant 0 : index
      %swap3A_75 = vector.load %arg6[%swap3A, %swap3A_74] : memref<128x256xf32, #tpu.memory_space<vmem>>, vector<128x256xf32>
      tpu.vector_store %arg6[%swap3A, %swap3A_74], %add3A_73 {strides = array<i32>} : memref<128x256xf32, #tpu.memory_space<vmem>>, vector<128x256xf32>,
      %get3A_76 = arith.constant 0 : index
      %get3A_77 = arith.constant 0 : index
      %get3A_78 = vector.load %arg7[%get3A_76, %get3A_77] : memref<128x1xf32, #tpu.memory_space<vmem>>, vector<128x1xf32>
      %add3A_79 = arith.addf %get3A_78, %dot_general3A_56 : vector<128x1xf32>
      %swap3A_80 = arith.constant 0 : index
      %swap3A_81 = arith.constant 0 : index
      %swap3A_82 = vector.load %arg7[%swap3A_80, %swap3A_81] : memref<128x1xf32, #tpu.memory_space<vmem>>, vector<128x1xf32>
      tpu.vector_store %arg7[%swap3A_80, %swap3A_81], %add3A_79 {strides = array<i32>} : memref<128x1xf32, #tpu.memory_space<vmem>>, vector<128x1xf32>,
    } else {
    }
    %eq3A_65 = arith.constant 4 : i32
    %eq3A_66 = arith.cmpi eq, %arg0, %eq3A_65 : i32
    %convert_element_type3A_67 = arith.extui %eq3A_66 : i1 to i32
    %cond3A_68 = arith.constant 0 : i32
    %cond3A_69 = arith.cmpi ne, %convert_element_type3A_67, %cond3A_68 : i32
    scf.if %cond3A_69 {
      %get3A_70 = arith.constant 0 : index
      %get3A_71 = arith.constant 0 : index
      %get3A_72 = vector.load %arg6[%get3A_70, %get3A_71] : memref<128x256xf32, #tpu.memory_space<vmem>>, vector<128x256xf32>
      %get3A_73 = arith.constant 0 : index
      %get3A_74 = arith.constant 0 : index
      %get3A_75 = vector.load %arg7[%get3A_73, %get3A_74] : memref<128x1xf32, #tpu.memory_space<vmem>>, vector<128x1xf32>
      %max3A_76 = arith.constant 1.000000e+00 : f32
      %max3A_77 = vector.broadcast %max3A_76 : f32 to vector<128x1xf32>
      %max3A_78 = arith.maximumf %get3A_75, %max3A_77 : vector<128x1xf32>
      %div3A = vector.broadcast %max3A_78 : vector<128x1xf32> to vector<128x256xf32>
      %div3A_79 = arith.divf %get3A_72, %div3A : vector<128x256xf32>
      %swap3A = arith.constant 0 : index
      %swap3A_80 = arith.constant 0 : index
      %swap3A_81 = vector.load %arg6[%swap3A, %swap3A_80] : memref<128x256xf32, #tpu.memory_space<vmem>>, vector<128x256xf32>
      tpu.vector_store %arg6[%swap3A, %swap3A_80], %div3A_79 {strides = array<i32>} : memref<128x256xf32, #tpu.memory_space<vmem>>, vector<128x256xf32>,
    } else {
    }
    return
  }
  func.func @transform_0(%arg0: i32) -> (i32, i32, i32) {
    %c0_i32 = arith.constant 0 : i32
    %c0_i32_0 = arith.constant 0 : i32
    %c0_i32_1 = arith.constant 0 : i32
    return %c0_i32, %arg0, %c0_i32_0 : i32, i32, i32
  }
  func.func @transform_1(%arg0: i32) -> (i32, i32, i32) {
    %c0_i32 = arith.constant 0 : i32
    %c0_i32_0 = arith.constant 0 : i32
    %c0_i32_1 = arith.constant 0 : i32
    return %c0_i32, %arg0, %c0_i32_0 : i32, i32, i32
  }
  func.func @transform_2(%arg0: i32) -> (i32, i32, i32) {
    %c0_i32 = arith.constant 0 : i32
    %c0_i32_0 = arith.constant 0 : i32
    %c0_i32_1 = arith.constant 0 : i32
    return %c0_i32, %arg0, %c0_i32_0 : i32, i32, i32
  }
  func.func @transform_3(%arg0: i32) -> (i32, i32) {
    %c0_i32 = arith.constant 0 : i32
    %c0_i32_0 = arith.constant 0 : i32
    %c0_i32_1 = arith.constant 0 : i32
    return %c0_i32, %c0_i32_0 : i32, i32
  }
  func.func @transform_4(%arg0: i32) -> (i32, i32) {
    %c0_i32 = arith.constant 0 : i32
    %c0_i32_0 = arith.constant 0 : i32
    return %arg0, %c0_i32 : i32, i32
  }
  func.func @transform_5(%arg0: i32) -> (i32, i32) {
    %c0_i32 = arith.constant 0 : i32
    %c0_i32_0 = arith.constant 0 : i32
    %c0_i32_1 = arith.constant 0 : i32
    return %c0_i32, %c0_i32_0 : i32, i32
  }
  func.func @transform_6(%arg0: i32) -> (i32, i32) {
    %c0_i32 = arith.constant 0 : i32
    %c0_i32_0 = arith.constant 0 : i32
    %c0_i32_1 = arith.constant 0 : i32
    return %c0_i32, %c0_i32_0 : i32, i32
  }
}

</mosaic_0001>

<sc_bundles>
// kernel: kernel.11.cloned.1.call-start
scs
__scs_entry_jumppad:
0x0: {  	(pc) =	sbr.rel $0x88, $3  }
0x1: {  	(tag) =	ssettag $0x0;
	lr =	simm.s32 $0x1  }
0x2: {  	[smem:$0x3F9A] =	sst lr;
	_ =	strace $0xD0000000  }
0x3: {  	_ = 	snop  }
0x4: {  	_ = 	snop  }
0x5: {  	_ = 	snop  }
0x6: {  	_ = 	snop  }
0x7: {  	_ = 	snop  }
__scs_overlays_trampoline_lowered:
0x8: {  	[smem:$0x3FA9] =	sst s0  }
0x9: {  	[smem:$0x3FAA] =	sst s1  }
0xa: {  	[smem:$0x3FAB] =	sst s2  }
0xb: {  	[smem:$0x3FAC] =	sst s3  }
0xc: {  	[smem:$0x3FAD] =	sst s4  }
0xd: {  	[smem:$0x3FAE] =	sst s5  }
0xe: {  	[smem:$0x3FAF] =	sst s6  }
0xf: {  	[smem:$0x3FB0] =	sst s7  }
0x10: {  	[smem:$0x3FB1] =	sst s8  }
0x11: {  	[smem:$0x3FB2] =	sst s9;
	s0 =	simm.s32 @!p0 $0x0  }
0x12: {  	s1 =	sld [smem:$0x3F98];
	s0 =	simm.s32 @p0 $0x1  }
0x13: {  	[smem:$0x3FB3] =	sst s0;
	s0 =	simm.s32 @!p1 $0x0  }
0x14: {  	s2 =	sld [smem:$0x3F97];
	s0 =	simm.s32 @p1 $0x1  }
0x15: {  	[smem:$0x3FB4] =	sst s0;
	s0 =	simm.s32 @!p2 $0x0  }
0x16: {  	s3 =	sld [smem:$0x3FDB];
	s0 =	simm.s32 @p2 $0x1  }
0x17: {  	s4 =	simm.s32 $0x1BF5;
	[smem:$0x3FB6] =	sst s0  }
0x18: {  	s0 =	sld [smem:$0x3F99];
	_ =	swait.ge [sflag:s4], $0x0  }
0x19: {  	s7 =	sld [smem:$0x3F9A]  }
0x1a: {  	s8 =	sadd.s32 $0xFFFFE003, lr  }
0x1b: {  	s9 =	sadd.s32 $0xFFFFFEF7, lr;
	s5 =	simm.s32 $0xFFFFFFFF;
	p2 =	slt.u32 s8, $0xFFFFF086  }
0x1c: {  	p1 =	slt.u32 s9, $0xF7A;
	s5 =	simm.s32 @!p2 $0x0  }
0x1d: {  	s5 =	simm.s32 @p1 $0x1;
	p0 =	seq.s32 s7, s2  }
0x1e: {  	s7 =	smul.u32 @!p0 $0xF7A, s2;
	p2 =	seq.s32 @!p0 s5, $0x0  }
0x1f: {  	s9 =	smul.u32 $0xF7A, s1;
	s8 =	simm.s32 @!p0 $0x1BF5;
	p2 =	por !p2, p0  }
0x20: {  	[sflag:s8] =	ssyncset.s32 @!p0 $0xFFFFF086;
	s6 =	sadd.s32 @!p0 s3, s7;
	s7 =	simm.s32 @!p0 $0x108  }
0x21: {  	s3 =	sadd.s32 s3, s9;
	s6 =	sadd.s32 @!p0 $0x88, s6;
	s7 =	simm.s32 @p2 $0x1082  }
0x22: {  	[simem:s7], [sflag:s8] =	dma.local @!p0 [hbm:s6], $0xF7A  }
0x23: {  	s9 =	sor.u32 $0xD0000000, s2;
	s6 =	simm.s32 $0x108;
	_ =	swait.ge @!p0 [sflag:s8], $0x0  }
0x24: {  	s3 =	sadd.s32 $0x88, s3;
	s6 =	simm.s32 @!p1 $0x1082;
	[sflag:s4] =	ssyncset.s32 $0xFFFFF086  }
0x25: {  	[simem:s6], [sflag:s4] =	dma.local [hbm:s3], $0xF7A  }
0x26: {  	[smem:$0x3F9A] =	sst s1;
	(tag) =	ssettag s2;
	_ =	strace s9  }
0x27: {  	s1 =	sld [smem:$0x3FAA]  }
0x28: {  	s2 =	sld [smem:$0x3FAB]  }
0x29: {  	s4 =	sld [smem:$0x3FAD]  }
0x2a: {  	p0 =	seq.s32 s5, $0x0;
	s5 =	sld [smem:$0x3FAE]  }
0x2b: {  	s6 =	sld [smem:$0x3FAF]  }
0x2c: {  	s7 =	sld [smem:$0x3FB0]  }
0x2d: {  	s3 =	simm.s32 $0x108;
	s8 =	sld [smem:$0x3FB1]  }
0x2e: {  	s3 =	simm.s32 @!p0 $0x1082;
	s9 =	sld [smem:$0x3FB2]  }
0x2f: {  	lr =	sadd.s32 s0, s3;
	s0 =	sld [smem:$0x3FA9]  }
0x30: {  	s3 =	sld [smem:$0x3FAC]  }
0x31: {  	[smem:$0x3FB5] =	sst s10  }
0x32: {  	s10 =	sld [smem:$0x3FB3];
	_ =	sdelay $0x3  }
0x33: {  	p0 =	seq.s32 s10, $0x1;
	s10 =	sld [smem:$0x3FB5];
	_ =	sdelay $0x3  }
0x34: {  	[smem:$0x3FB5] =	sst s10  }
0x35: {  	s10 =	sld [smem:$0x3FB4];
	_ =	sdelay $0x3  }
0x36: {  	p1 =	seq.s32 s10, $0x1;
	s10 =	sld [smem:$0x3FB5];
	_ =	sdelay $0x3  }
0x37: {  	[smem:$0x3FB5] =	sst s10  }
0x38: {  	s10 =	sld [smem:$0x3FB6]  }
0x39: {  	_ = 	snop;
	(pc) =	sbr.ind lr, $3  }
0x3a: {  	_ = 	snop  }
0x3b: {  	_ = 	snop  }
0x3c: {  	p2 =	seq.s32 s10, $0x1;
	s10 =	sld [smem:$0x3FB5]  }
0x3d: {  	_ =	shalt  }
0x3e: {  	_ =	shalt  }
0x3f: {  	_ =	shalt  }
0x40: {  	_ =	shalt  }
0x41: {  	_ =	shalt  }
0x42: {  	_ =	shalt  }
0x43: {  	_ =	shalt  }
0x44: {  	_ =	shalt  }
0x45: {  	_ =	shalt  }
0x46: {  	_ =	shalt  }
0x47: {  	_ =	shalt  }
0x48: {  	_ =	shalt  }
0x49: {  	_ =	shalt  }
0x4a: {  	_ =	shalt  }
0x4b: {  	_ =	shalt  }
0x4c: {  	_ =	shalt  }
0x4d: {  	_ =	shalt  }
0x4e: {  	_ =	shalt  }
0x4f: {  	_ =	shalt  }
0x50: {  	_ =	shalt  }
0x51: {  	_ =	shalt  }
0x52: {  	_ =	shalt  }
0x53: {  	_ =	shalt  }
0x54: {  	_ =	shalt  }
0x55: {  	_ =	shalt  }
0x56: {  	_ =	shalt  }
0x57: {  	_ =	shalt  }
0x58: {  	_ =	shalt  }
0x59: {  	_ =	shalt  }
0x5a: {  	_ =	shalt  }
0x5b: {  	_ =	shalt  }
0x5c: {  	_ =	shalt  }
0x5d: {  	_ =	shalt  }
0x5e: {  	_ =	shalt  }
0x5f: {  	_ =	shalt  }
0x60: {  	_ =	shalt  }
0x61: {  	_ =	shalt  }
0x62: {  	_ =	shalt  }
0x63: {  	_ =	shalt  }
0x64: {  	_ =	shalt  }
0x65: {  	_ =	shalt  }
0x66: {  	_ =	shalt  }
0x67: {  	_ =	shalt  }
0x68: {  	_ =	shalt  }
0x69: {  	_ =	shalt  }
0x6a: {  	_ =	shalt  }
0x6b: {  	_ =	shalt  }
0x6c: {  	_ =	shalt  }
0x6d: {  	_ =	shalt  }
0x6e: {  	_ =	shalt  }
0x6f: {  	_ =	shalt  }
0x70: {  	_ =	shalt  }
0x71: {  	_ =	shalt  }
0x72: {  	_ =	shalt  }
0x73: {  	_ =	shalt  }
0x74: {  	_ =	shalt  }
0x75: {  	_ =	shalt  }
0x76: {  	_ =	shalt  }
0x77: {  	_ =	shalt  }
0x78: {  	_ =	shalt  }
0x79: {  	_ =	shalt  }
0x7a: {  	_ =	shalt  }
0x7b: {  	_ =	shalt  }
0x7c: {  	_ =	shalt  }
0x7d: {  	_ =	shalt  }
0x7e: {  	_ =	shalt  }
0x7f: {  	_ =	shalt  }
0x80: {  	_ =	shalt  }
0x81: {  	_ =	shalt  }
0x82: {  	_ =	shalt  }
0x83: {  	_ =	shalt  }
0x84: {  	_ =	shalt  }
0x85: {  	_ =	shalt  }
0x86: {  	_ =	shalt  }
0x87: {  	_ =	shalt  }
.Lfunc_end0:
.L_simem_size_0:
called_computation.1_lowered:
.L_overlay_start_0:
0x88: {  	s2 =	sld [smem:$0x3FD9]  }
0x89: {  	s3 =	sld [smem:$0x3FFE];
	_ =	sdelay $0x1  }
0x8a: {  	s1 =	srdreg.scid  }
0x8b: {  	s0 =	sand.u32 $0x1, s1  }
0x8c: {  	s16 =	sshll.u32 s0, $0xA;
	s2 =	sadd.s32 s3, s2  }
0x8d: {  	s2 =	sadd.s32 s2, s16  }
0x8e: {  	[smem:$0x3FC1] =	sst s2  }
0x8f: {  	_ = 	snop  }
0x90: {  	(tm) =	ssettm $0x1  }
0x91: {  	s17 =	sld [smem:$0x3FFB];
	_ =	sdelay $0x3  }
0x92: {  	_ =	strace s17  }
0x93: {  	s2 =	sld [smem:$0x3FFC];
	_ =	sdelay $0x3  }
0x94: {  	_ =	strace s2  }
0x95: {  	s2 =	sld [smem:$0x3FFD];
	_ =	sdelay $0x3  }
0x96: {  	_ =	strace s2  }
0x97: {  	_ =	strace $0x8FFFFFFF  }
0x98: {  	s18 =	sld [smem:$0x3FDB];
	_ =	sdelay $0x1  }
0x99: {  	s19 =	simm.s32 $_scs_section_size  }
0x9a: {  	s4 =	simm.s32 $_size__tile_overlayer_lowered;
	s5 =	simm.s32 $_tile_overlayer_lowered  }
0x9b: {  	s22 =	simm.s32 $0x1BFF;
	s21 =	sshll.u32 s5, $0x1;
	s2 =	sadd.s32 s19, s18  }
0x9c: {  	s6 =	simm.s32 $0x0;
	s20 =	sshll.u32 s4, $0x1;
	s4 =	sadd.s32 s21, s2  }
0x9d: {  	[timem:s6], [sflag:s22] =	dma.local [hbm:s4], s20  }
0x9e: {  	_ =	swait.ge [sflag:s22], s20  }
0x9f: {  	s3 =	ssub.s32 $0x0, s20;
	[sflag:s22] =	ssyncset.done $0x0  }
0xa0: {  	[sflag:s22] =	ssyncadd.s32 s3;
	_ =	sdelay $0x1  }
0xa1: {  	s23 =	simm.s32 $0x1B8B  }
0xa2: {  	_ =	swait.ge [sflag:s23], $0x1  }
0xa3: {  	[sflag:s23] =	ssyncset.done $0x0  }
0xa4: {  	s25 =	simm.s32 $0x1B8E;
	s24 =	sld [smem:$0x3FFE];
	[sflag:s23] =	ssyncadd.s32 $0xFFFFFFFF  }
0xa5: {  	s26 =	simm.s32 $execute0_lowered;
	[smem:$0x3FD2] =	sst s25  }
0xa6: {  	s4 =	sshll.u32 s26, $0x1;
	_ =	strace $0x80000049;
	[dreg:$0x1] =	wrdreg $0xFFFFFFFF  }
0xa7: {  	s28 =	simm.s32 $_size_execute0_lowered;
	s2 =	sadd.s32 s2, s4;
	[dreg:$0x0] =	wrdreg $0x0  }
0xa8: {  	s4 =	sshll.u32 s28, $0x1;
	[dreg:$0x2] =	wrdreg s2  }
0xa9: {  	[dreg:$0x3] =	wrdreg s4  }
0xaa: {  	[dreg:$0x4] =	wrdreg $0xC0  }
0xab: {  	_ =	task [dreg:s6], $0x5FFFF  }
0xac: {  	[dreg:$0x1] =	wrdreg $0xFFFFFFFF  }
0xad: {  	[dreg:$0x0] =	wrdreg $0x60  }
0xae: {  	[dreg:$0x2] =	wrdreg s24  }
0xaf: {  	[dreg:$0x3] =	wrdreg $0x82000  }
0xb0: {  	[dreg:$0x4] =	wrdreg $0x9  }
0xb1: {  	_ =	task.clear_ibuf [dreg:s6], $0x5FFFF;
	_ =	strace $0x90000049  }
0xb2: {  	s29 =	simm.s32 $0x9;
	_ =	strace $0x8000004B  }
0xb3: {  	_ =	swait.ge [sflag:s29], $0x1  }
0xb4: {  	[sflag:s29] =	ssyncadd.s32 $0xFFFFFFFF  }
0xb5: {  	_ =	strace $0x9000004B  }
0xb6: {  	_ =	sfence  }
0xb7: {  	s30 =	sld [smem:$0x0];
	_ =	sdelay $0x2  }
0xb8: {  	s31 =	sshll.u32 s1, $0xD;
	s1 =	sshrl.u32 s1, $0x2  }
0xb9: {  	s3 =	sand.u32 $0x4000, s31;
	s1 =	sadd.s32 s1, s30  }
0xba: {  	s0 =	sor.u32 s3, s0;
	s1 =	sshll.u32 s1, $0x11  }
0xbb: {  	s0 =	sor.u32 s1, s0  }
0xbc: {  	s0 =	sadd.s32 $0x8F2B, s0  }
0xbd: {  	[sflag:s0] =	ssyncadd.remote.s32 $0x1  }
0xbe: {  	_ =	sfence.sel $0xFFFF  }
0xbf: {  	[dreg:$0x0] =	wrdreg $0xFFFFFFFF;
	(pc) =	sbr.abs _section_cstart, $3  }
0xc0: {  	[dreg:$0x1] =	wrdreg $0xFFFFFFFF  }
0xc1: {  	_ =	task.clear_ibuf [dreg:s6], $0x2FFFF;
	_ =	strace $0x9FFFFFFF  }
0xc2: {  	(tm) =	ssettm $0x7FFFFFFF  }
0xc3: {  	_ =	shalt  }
tec
execute0_lowered:
.L_overlay_start_1:
0x0: {  	(tag) =	ssettag $0x1  }
0x1: {  	s5 =	rddreg [dreg:$0x0]  }
0x2: {  	s2 =	rddreg [dreg:$0x1]  }
0x3: {  	s1 =	stileid.u32;
	s3 =	simm.s32 $0x0;
	s4 =	srdreg.scid  }
0x4: {  	s19 =	simm.s32 $0x180;
	s20 =	simm.s32 $0x3;
	s13 =	smul.u32 $0xA00, s1  }
0x5: {  	s21 =	simm.s32 $0x4;
	s22 =	simm.s32 $0x4200;
	s6 =	smul.u32 $0x2780, s1  }
0x6: {  	s28 =	simm.s32 $0x0;
	[smem:$0x7FF] =	sst s3;
	s9 =	smul.u32 $0x4F000, s1  }
0x7: {  	s8 =	sand.u32 $0x1, s4;
	s4 =	sadd.s32 $0x97C00, s5;
	s12 =	smul.u32 $0xA0, s1  }
0x8: {  	s14 =	sadd.s32 $0x83C00, s5;
	s29 =	sshll.u32 s1, $0x6;
	s7 =	smul.u32 $0x27800, s8  }
0x9: {  	_ =	strace $0x8000004A;
	s23 =	ssub.s32 $0x2, s8;
	s15 =	smul.u32 $0xA00, s8  }
0xa: {  	s31 =	smul.u32 $0xA000, s8;
	s10 =	sadd.s32 s13, s5;
	s11 =	sadd.s32 s6, s5  }
0xb: {  	s24 =	sshrl.u32 s23, $0x1;
	s25 =	sshrl.u32 s9, $0x2;
	s6 =	sadd.s32 s6, s7  }
0xc: {  	s17 =	ssub.s32 s23, s24;
	s18 =	sadd.s32 s25, s2;
	s26 =	sadd.s32 s12, s15  }
0xd: {  	s8 =	sadd.s32 $0x3400, s10;
	s10 =	sadd.s32 $0x3410, s10;
	s15 =	simm.s32 $0x7  }
0xe: {  	s23 =	simm.s32 $0x5;
	s24 =	simm.s32 $0x1;
	s25 =	simm.s32 $0x2  }
0xf: {  	s16 =	sadd.s32 s6, s5;
	s5 =	sadd.s32 $0xD400, s11;
	s30 =	sshll.u32 s26, $0x4  }
0x10: {  	s6 =	sor.u32 $0x1C07, s29;
	s12 =	smax.u32 s17, $0x1;
	s17 =	simm.s32 $0x80  }
0x11: {  	s26 =	simm.s32 $0x6;
	s7 =	sadd.s32 s14, s30;
	s11 =	sadd.s32 $0xE5E00, s16  }
0x12: {  	s14 =	sadd.s32 s31, s14;
	s16 =	simm.s32 $0x100;
	s9 =	sadd.s32 $0x10, s7  }
0x13: {  	s13 =	sadd.s32 s13, s14;
	s14 =	sshrl.u32 s18, $0x3;
	s18 =	simm.s32 $0x200  }
.LBB2_1:
0x14: {  	[spmem:s14], [sflag:s6] =	dma.local [hbm:s5], $0x2780  }
0x15: {  	_ =	swait.ge [sflag:s15], $0x2780  }
0x16: {  	[sflag:s15] =	ssyncset.done $0x0  }
0x17: {  	[sflag:s15] =	ssyncadd.s32 $0xFFFFD880  }
0x18: {  	[bflag:$0x0] =	sbarrier.arrive $0xFFFF  }
0x19: {  	[tilespmem:s3], [sflag:$0x7] =	stream.linear.gather [hbm4b:s7+s3], $0x80, $0x38;
	[tilespmem:$0x1BE00] =	vst v63  }
0x1a: {  	_ =	swait.ge [sflag:s15], $0x80  }
0x1b: {  	[sflag:s15] =	ssyncset.done $0x0  }
0x1c: {  	[sflag:s15] =	ssyncadd.s32 $0xFFFFFF80  }
0x1d: {  	[tilespmem:s16], [sflag:$0x7] =	stream.linear.gather [hbm4b:s8+s3], $0x80, $0x38;
	[tilespmem:$0x1BE00] =	vst v63  }
0x1e: {  	_ =	swait.ge [sflag:s15], $0x80  }
0x1f: {  	[sflag:s15] =	ssyncset.done $0x0  }
0x20: {  	[sflag:s15] =	ssyncadd.s32 $0xFFFFFF80  }
0x21: {  	[tilespmem:s18], [sflag:$0x5] =	stream.indirect.gather [hbm4b:s4+s17], $0x80, s3, s17, $0xb8;
	[tilespmem:$0x1BE00] =	vst v63  }
0x22: {  	_ = 	snop  }
0x23: {  	[tilespmem:s17], [sflag:$0x3] =	stream.linear.gather [hbm4b:s9+s3], $0x80, $0x38;
	[tilespmem:$0x1BE00] =	vst v63  }
0x24: {  	_ = 	snop  }
0x25: {  	[tilespmem:s19], [sflag:$0x4] =	stream.linear.gather [hbm4b:s10+s3], $0x80, $0x38;
	[tilespmem:$0x1BE00] =	vst v63  }
0x26: {  	_ =	swait.ge [sflag:s20], $0x80  }
0x27: {  	[sflag:s20] =	ssyncset.done $0x0  }
0x28: {  	[sflag:s20] =	ssyncadd.s32 $0xFFFFFF80  }
0x29: {  	_ =	swait.ge [sflag:s21], $0x80  }
0x2a: {  	[sflag:s21] =	ssyncset.done $0x0  }
0x2b: {  	[sflag:s21] =	ssyncadd.s32 $0xFFFFFF80  }
0x2c: {  	[tilespmem:s22], [sflag:$0x6] =	stream.indirect.gather [hbm4b:s4+s17], $0x80, s17, s17, $0xb8;
	[tilespmem:$0x1BE00] =	vst v63  }
0x2d: {  	_ =	swait.ge [sflag:s23], $0x4000  }
0x2e: {  	[sflag:s23] =	ssyncset.done $0x0  }
0x2f: {  	[sflag:s23] =	ssyncadd.s32 $0xFFFFC000  }
0x30: {  	[spmem:s2] =	stream.indirect.scatter.add.f32 [tilespmem:s18], [sflag:$0x7], $0x80, s16, s17, $0xb8;
	[tilespmem:$0x1BE00] =	vst v63  }
0x31: {  	_ =	swait.ge [sflag:s15], $0x4000  }
0x32: {  	s29 =	sadd.s32 $0x0, s13;
	[sflag:s15] =	ssyncset.done $0x0  }
0x33: {  	s31 =	sadd.s32 $0x0, s8;
	s30 =	sadd.s32 $0x20, s29;
	[sflag:s15] =	ssyncadd.s32 $0xFFFFC000  }
0x34: {  	[tilespmem:s3], [sflag:$0x1] =	stream.linear.gather [hbm4b:s30+s3], $0x80, $0x38;
	[tilespmem:$0x1BE00] =	vst v63  }
0x35: {  	s30 =	sadd.s32 $0x20, s31  }
0x36: {  	[tilespmem:s16], [sflag:$0x2] =	stream.linear.gather [hbm4b:s30+s3], $0x80, $0x38;
	[tilespmem:$0x1BE00] =	vst v63  }
0x37: {  	_ =	swait.ge [sflag:s24], $0x80  }
0x38: {  	[sflag:s24] =	ssyncset.done $0x0  }
0x39: {  	[sflag:s24] =	ssyncadd.s32 $0xFFFFFF80  }
0x3a: {  	_ =	swait.ge [sflag:s25], $0x80  }
0x3b: {  	[sflag:s25] =	ssyncset.done $0x0  }
0x3c: {  	[sflag:s25] =	ssyncadd.s32 $0xFFFFFF80  }
0x3d: {  	[tilespmem:s18], [sflag:$0x5] =	stream.indirect.gather [hbm4b:s4+s17], $0x80, s3, s17, $0xb8;
	[tilespmem:$0x1BE00] =	vst v63  }
0x3e: {  	_ =	swait.ge [sflag:s26], $0x4000  }
0x3f: {  	[sflag:s26] =	ssyncset.done $0x0  }
0x40: {  	[sflag:s26] =	ssyncadd.s32 $0xFFFFC000  }
0x41: {  	[spmem:s2] =	stream.indirect.scatter.add.f32 [tilespmem:s22], [sflag:$0x7], $0x80, s19, s17, $0xb8;
	[tilespmem:$0x1BE00] =	vst v63  }
0x42: {  	_ =	swait.ge [sflag:s15], $0x4000  }
0x43: {  	[sflag:s15] =	ssyncset.done $0x0  }
0x44: {  	s29 =	sadd.s32 $0x30, s29;
	[sflag:s15] =	ssyncadd.s32 $0xFFFFC000  }
0x45: {  	[tilespmem:s17], [sflag:$0x3] =	stream.linear.gather [hbm4b:s29+s3], $0x80, $0x38;
	[tilespmem:$0x1BE00] =	vst v63  }
0x46: {  	s30 =	sadd.s32 $0x30, s31;
	s29 =	simm.s32 $0x20  }
.LBB2_2:
0x47: {  	[tilespmem:s19], [sflag:$0x4] =	stream.linear.gather [hbm4b:s30+s3], $0x80, $0x38;
	[tilespmem:$0x1BE00] =	vst v63  }
0x48: {  	s30 =	smov.u32 s29  }
0x49: {  	p0 =	sne.s32 s29, $0x9C0;
	s29 =	sadd.s32 $0x20, s29;
	_ =	swait.ge [sflag:s20], $0x80  }
0x4a: {  	[sflag:s20] =	ssyncset.done $0x0  }
0x4b: {  	[sflag:s20] =	ssyncadd.s32 $0xFFFFFF80  }
0x4c: {  	_ =	swait.ge [sflag:s21], $0x80  }
0x4d: {  	[sflag:s21] =	ssyncset.done $0x0  }
0x4e: {  	[sflag:s21] =	ssyncadd.s32 $0xFFFFFF80  }
0x4f: {  	[tilespmem:s22], [sflag:$0x6] =	stream.indirect.gather [hbm4b:s4+s17], $0x80, s17, s17, $0xb8;
	[tilespmem:$0x1BE00] =	vst v63  }
0x50: {  	_ =	swait.ge [sflag:s23], $0x4000  }
0x51: {  	[sflag:s23] =	ssyncset.done $0x0  }
0x52: {  	[sflag:s23] =	ssyncadd.s32 $0xFFFFC000  }
0x53: {  	[spmem:s2] =	stream.indirect.scatter.add.f32 [tilespmem:s18], [sflag:$0x7], $0x80, s16, s17, $0xb8;
	[tilespmem:$0x1BE00] =	vst v63  }
0x54: {  	_ =	swait.ge [sflag:s15], $0x4000  }
0x55: {  	s31 =	sadd.s32 s30, s13;
	[sflag:s15] =	ssyncset.done $0x0  }
0x56: {  	s30 =	sadd.s32 s30, s8;
	s0 =	sadd.s32 $0x20, s31;
	[sflag:s15] =	ssyncadd.s32 $0xFFFFC000  }
0x57: {  	[tilespmem:s3], [sflag:$0x1] =	stream.linear.gather [hbm4b:s0+s3], $0x80, $0x38;
	[tilespmem:$0x1BE00] =	vst v63  }
0x58: {  	s0 =	sadd.s32 $0x20, s30  }
0x59: {  	[tilespmem:s16], [sflag:$0x2] =	stream.linear.gather [hbm4b:s0+s3], $0x80, $0x38;
	[tilespmem:$0x1BE00] =	vst v63  }
0x5a: {  	_ =	swait.ge [sflag:s24], $0x80  }
0x5b: {  	[sflag:s24] =	ssyncset.done $0x0  }
0x5c: {  	[sflag:s24] =	ssyncadd.s32 $0xFFFFFF80  }
0x5d: {  	_ =	swait.ge [sflag:s25], $0x80  }
0x5e: {  	[sflag:s25] =	ssyncset.done $0x0  }
0x5f: {  	[sflag:s25] =	ssyncadd.s32 $0xFFFFFF80  }
0x60: {  	[tilespmem:s18], [sflag:$0x5] =	stream.indirect.gather [hbm4b:s4+s17], $0x80, s3, s17, $0xb8;
	[tilespmem:$0x1BE00] =	vst v63  }
0x61: {  	_ =	swait.ge [sflag:s26], $0x4000  }
0x62: {  	[sflag:s26] =	ssyncset.done $0x0  }
0x63: {  	[sflag:s26] =	ssyncadd.s32 $0xFFFFC000  }
0x64: {  	[spmem:s2] =	stream.indirect.scatter.add.f32 [tilespmem:s22], [sflag:$0x7], $0x80, s19, s17, $0xb8;
	[tilespmem:$0x1BE00] =	vst v63  }
.Ltmp0:
0x65: {  	_ =	swait.ge [sflag:s15], $0x4000;
	(pc) =	sbr.rel @p0 .LBB2_2-.Ltmp0, $4  }
0x66: {  	[sflag:s15] =	ssyncset.done $0x0  }
0x67: {  	s0 =	sadd.s32 $0x30, s31;
	[sflag:s15] =	ssyncadd.s32 $0xFFFFC000  }
0x68: {  	[tilespmem:s17], [sflag:$0x3] =	stream.linear.gather [hbm4b:s0+s3], $0x80, $0x38;
	[tilespmem:$0x1BE00] =	vst v63  }
0x69: {  	s30 =	sadd.s32 $0x30, s30  }
0x6a: {  	[tilespmem:s19], [sflag:$0x4] =	stream.linear.gather [hbm4b:s30+s3], $0x80, $0x38;
	[tilespmem:$0x1BE00] =	vst v63  }
0x6b: {  	_ =	swait.ge [sflag:s20], $0x80  }
0x6c: {  	[sflag:s20] =	ssyncset.done $0x0  }
0x6d: {  	[sflag:s20] =	ssyncadd.s32 $0xFFFFFF80  }
0x6e: {  	_ =	swait.ge [sflag:s21], $0x80  }
0x6f: {  	[sflag:s21] =	ssyncset.done $0x0  }
0x70: {  	[sflag:s21] =	ssyncadd.s32 $0xFFFFFF80  }
0x71: {  	[tilespmem:s22], [sflag:$0x6] =	stream.indirect.gather [hbm4b:s4+s17], $0x80, s17, s17, $0xb8;
	[tilespmem:$0x1BE00] =	vst v63  }
0x72: {  	_ =	swait.ge [sflag:s23], $0x4000  }
0x73: {  	[sflag:s23] =	ssyncset.done $0x0  }
0x74: {  	[sflag:s23] =	ssyncadd.s32 $0xFFFFC000  }
0x75: {  	[spmem:s2] =	stream.indirect.scatter.add.f32 [tilespmem:s18], [sflag:$0x7], $0x80, s16, s17, $0xb8;
	[tilespmem:$0x1BE00] =	vst v63  }
0x76: {  	_ =	swait.ge [sflag:s15], $0x4000  }
0x77: {  	[sflag:s15] =	ssyncset.done $0x0  }
0x78: {  	[sflag:s15] =	ssyncadd.s32 $0xFFFFC000  }
0x79: {  	_ =	swait.ge [sflag:s26], $0x4000  }
0x7a: {  	[sflag:s26] =	ssyncset.done $0x0  }
0x7b: {  	[sflag:s26] =	ssyncadd.s32 $0xFFFFC000  }
0x7c: {  	[spmem:s2] =	stream.indirect.scatter.add.f32 [tilespmem:s22], [sflag:$0x7], $0x80, s19, s17, $0xb8;
	[tilespmem:$0x1BE00] =	vst v63  }
0x7d: {  	_ =	swait.ge [sflag:s15], $0x4000  }
0x7e: {  	s28 =	sadd.s32 $0x1, s28;
	[sflag:s15] =	ssyncset.done $0x0  }
0x7f: {  	p0 =	sne.s32 s28, s12;
	[sflag:s15] =	ssyncadd.s32 $0xFFFFC000  }
.Ltmp1:
0x80: {  	[bflag:$0x0] =	sbarrier.arrive $0xFFFF;
	(pc) =	sbr.rel @p0 .LBB2_1-.Ltmp1, $4  }
0x81: {  	[hbm:s11], [sflag:s6] =	dma.local [spmem:s14], $0x2780  }
0x82: {  	_ =	swait.ge [sflag:s15], $0x2780  }
0x83: {  	[sflag:s15] =	ssyncset.done $0x0  }
0x84: {  	[sflag:s15] =	ssyncadd.s32 $0xFFFFD880  }
0x85: {  	_ =	sfence.sel $0x180000  }
0x86: {  	[bflag:$0x0] =	sbarrier.arrive $0xFFFF  }
0x87: {  	_ =	strace $0x9000004A  }
0x88: {  	[bflag:$0x2] =	sbarrier.arrive $0xFFFF  }
0x89: {  	p0 =	sne.s32 s1, $0x0;
	s0 =	rddreg [dreg:$0x2]  }
0x8a: {  	s0 =	sadd.s32 @!p0 $0x100000, s0  }
0x8b: {  	[sflag:s0] =	ssyncadd.tile.s32 @!p0 $0x1;
	_ =	shalt  }
.Lfunc_end2:
_tile_overlayer_lowered:
.L_overlay_start_2:
0x8c: {  	(tag) =	ssettag $0x2  }
0x8d: {  	s0 =	rddreg [dreg:$0x0];
	s2 =	stileid.u32  }
0x8e: {  	s1 =	rddreg [dreg:$0x1];
	p0 =	sne.s32 s2, $0x0  }
0x8f: {  	s3 =	rddreg [dreg:$0x2];
	[bflag:$0x3] =	sbarrier.arrive $0xFFFF;
	s2 =	simm.s32 @!p0 $0x1C07  }
0x90: {  	[timem:s3], [sflag:s2] =	dma.local @!p0 [hbm:s0], s1  }
0x91: {  	s0 =	simm.s32 @!p0 $0x7  }
0x92: {  	_ =	swait.ge @!p0 [sflag:s0], s1  }
0x93: {  	s1 =	ssub.s32 @!p0 $0x0, s1;
	[sflag:s0] =	ssyncset.done @!p0 $0x0  }
0x94: {  	[sflag:s0] =	ssyncadd.s32 @!p0 s1  }
0x95: {  	[bflag:$0x3] =	sbarrier.arrive $0xFFFF  }
0x96: {  	_ =	shalt  }

// kernel: kernel.14.cloned.1.call-start
scs
__scs_entry_jumppad:
0x0: {  	(pc) =	sbr.rel $0x88, $3  }
0x1: {  	(tag) =	ssettag $0x0;
	lr =	simm.s32 $0x1  }
0x2: {  	[smem:$0x3F9A] =	sst lr;
	_ =	strace $0xD0000000  }
0x3: {  	_ = 	snop  }
0x4: {  	_ = 	snop  }
0x5: {  	_ = 	snop  }
0x6: {  	_ = 	snop  }
0x7: {  	_ = 	snop  }
__scs_overlays_trampoline_lowered:
0x8: {  	[smem:$0x3FA9] =	sst s0  }
0x9: {  	[smem:$0x3FAA] =	sst s1  }
0xa: {  	[smem:$0x3FAB] =	sst s2  }
0xb: {  	[smem:$0x3FAC] =	sst s3  }
0xc: {  	[smem:$0x3FAD] =	sst s4  }
0xd: {  	[smem:$0x3FAE] =	sst s5  }
0xe: {  	[smem:$0x3FAF] =	sst s6  }
0xf: {  	[smem:$0x3FB0] =	sst s7  }
0x10: {  	[smem:$0x3FB1] =	sst s8  }
0x11: {  	[smem:$0x3FB2] =	sst s9;
	s0 =	simm.s32 @!p0 $0x0  }
0x12: {  	s1 =	sld [smem:$0x3F98];
	s0 =	simm.s32 @p0 $0x1  }
0x13: {  	[smem:$0x3FB3] =	sst s0;
	s0 =	simm.s32 @!p1 $0x0  }
0x14: {  	s2 =	sld [smem:$0x3F97];
	s0 =	simm.s32 @p1 $0x1  }
0x15: {  	[smem:$0x3FB4] =	sst s0;
	s0 =	simm.s32 @!p2 $0x0  }
0x16: {  	s3 =	sld [smem:$0x3FDB];
	s0 =	simm.s32 @p2 $0x1  }
0x17: {  	s4 =	simm.s32 $0x1BF5;
	[smem:$0x3FB6] =	sst s0  }
0x18: {  	s0 =	sld [smem:$0x3F99];
	_ =	swait.ge [sflag:s4], $0x0  }
0x19: {  	s7 =	sld [smem:$0x3F9A]  }
0x1a: {  	s8 =	sadd.s32 $0xFFFFE003, lr  }
0x1b: {  	s9 =	sadd.s32 $0xFFFFFEF7, lr;
	s5 =	simm.s32 $0xFFFFFFFF;
	p2 =	slt.u32 s8, $0xFFFFF086  }
0x1c: {  	p1 =	slt.u32 s9, $0xF7A;
	s5 =	simm.s32 @!p2 $0x0  }
0x1d: {  	s5 =	simm.s32 @p1 $0x1;
	p0 =	seq.s32 s7, s2  }
0x1e: {  	s7 =	smul.u32 @!p0 $0xF7A, s2;
	p2 =	seq.s32 @!p0 s5, $0x0  }
0x1f: {  	s9 =	smul.u32 $0xF7A, s1;
	s8 =	simm.s32 @!p0 $0x1BF5;
	p2 =	por !p2, p0  }
0x20: {  	[sflag:s8] =	ssyncset.s32 @!p0 $0xFFFFF086;
	s6 =	sadd.s32 @!p0 s3, s7;
	s7 =	simm.s32 @!p0 $0x108  }
0x21: {  	s3 =	sadd.s32 s3, s9;
	s6 =	sadd.s32 @!p0 $0x88, s6;
	s7 =	simm.s32 @p2 $0x1082  }
0x22: {  	[simem:s7], [sflag:s8] =	dma.local @!p0 [hbm:s6], $0xF7A  }
0x23: {  	s9 =	sor.u32 $0xD0000000, s2;
	s6 =	simm.s32 $0x108;
	_ =	swait.ge @!p0 [sflag:s8], $0x0  }
0x24: {  	s3 =	sadd.s32 $0x88, s3;
	s6 =	simm.s32 @!p1 $0x1082;
	[sflag:s4] =	ssyncset.s32 $0xFFFFF086  }
0x25: {  	[simem:s6], [sflag:s4] =	dma.local [hbm:s3], $0xF7A  }
0x26: {  	[smem:$0x3F9A] =	sst s1;
	(tag) =	ssettag s2;
	_ =	strace s9  }
0x27: {  	s1 =	sld [smem:$0x3FAA]  }
0x28: {  	s2 =	sld [smem:$0x3FAB]  }
0x29: {  	s4 =	sld [smem:$0x3FAD]  }
0x2a: {  	p0 =	seq.s32 s5, $0x0;
	s5 =	sld [smem:$0x3FAE]  }
0x2b: {  	s6 =	sld [smem:$0x3FAF]  }
0x2c: {  	s7 =	sld [smem:$0x3FB0]  }
0x2d: {  	s3 =	simm.s32 $0x108;
	s8 =	sld [smem:$0x3FB1]  }
0x2e: {  	s3 =	simm.s32 @!p0 $0x1082;
	s9 =	sld [smem:$0x3FB2]  }
0x2f: {  	lr =	sadd.s32 s0, s3;
	s0 =	sld [smem:$0x3FA9]  }
0x30: {  	s3 =	sld [smem:$0x3FAC]  }
0x31: {  	[smem:$0x3FB5] =	sst s10  }
0x32: {  	s10 =	sld [smem:$0x3FB3];
	_ =	sdelay $0x3  }
0x33: {  	p0 =	seq.s32 s10, $0x1;
	s10 =	sld [smem:$0x3FB5];
	_ =	sdelay $0x3  }
0x34: {  	[smem:$0x3FB5] =	sst s10  }
0x35: {  	s10 =	sld [smem:$0x3FB4];
	_ =	sdelay $0x3  }
0x36: {  	p1 =	seq.s32 s10, $0x1;
	s10 =	sld [smem:$0x3FB5];
	_ =	sdelay $0x3  }
0x37: {  	[smem:$0x3FB5] =	sst s10  }
0x38: {  	s10 =	sld [smem:$0x3FB6]  }
0x39: {  	_ = 	snop;
	(pc) =	sbr.ind lr, $3  }
0x3a: {  	_ = 	snop  }
0x3b: {  	_ = 	snop  }
0x3c: {  	p2 =	seq.s32 s10, $0x1;
	s10 =	sld [smem:$0x3FB5]  }
0x3d: {  	_ =	shalt  }
0x3e: {  	_ =	shalt  }
0x3f: {  	_ =	shalt  }
0x40: {  	_ =	shalt  }
0x41: {  	_ =	shalt  }
0x42: {  	_ =	shalt  }
0x43: {  	_ =	shalt  }
0x44: {  	_ =	shalt  }
0x45: {  	_ =	shalt  }
0x46: {  	_ =	shalt  }
0x47: {  	_ =	shalt  }
0x48: {  	_ =	shalt  }
0x49: {  	_ =	shalt  }
0x4a: {  	_ =	shalt  }
0x4b: {  	_ =	shalt  }
0x4c: {  	_ =	shalt  }
0x4d: {  	_ =	shalt  }
0x4e: {  	_ =	shalt  }
0x4f: {  	_ =	shalt  }
0x50: {  	_ =	shalt  }
0x51: {  	_ =	shalt  }
0x52: {  	_ =	shalt  }
0x53: {  	_ =	shalt  }
0x54: {  	_ =	shalt  }
0x55: {  	_ =	shalt  }
0x56: {  	_ =	shalt  }
0x57: {  	_ =	shalt  }
0x58: {  	_ =	shalt  }
0x59: {  	_ =	shalt  }
0x5a: {  	_ =	shalt  }
0x5b: {  	_ =	shalt  }
0x5c: {  	_ =	shalt  }
0x5d: {  	_ =	shalt  }
0x5e: {  	_ =	shalt  }
0x5f: {  	_ =	shalt  }
0x60: {  	_ =	shalt  }
0x61: {  	_ =	shalt  }
0x62: {  	_ =	shalt  }
0x63: {  	_ =	shalt  }
0x64: {  	_ =	shalt  }
0x65: {  	_ =	shalt  }
0x66: {  	_ =	shalt  }
0x67: {  	_ =	shalt  }
0x68: {  	_ =	shalt  }
0x69: {  	_ =	shalt  }
0x6a: {  	_ =	shalt  }
0x6b: {  	_ =	shalt  }
0x6c: {  	_ =	shalt  }
0x6d: {  	_ =	shalt  }
0x6e: {  	_ =	shalt  }
0x6f: {  	_ =	shalt  }
0x70: {  	_ =	shalt  }
0x71: {  	_ =	shalt  }
0x72: {  	_ =	shalt  }
0x73: {  	_ =	shalt  }
0x74: {  	_ =	shalt  }
0x75: {  	_ =	shalt  }
0x76: {  	_ =	shalt  }
0x77: {  	_ =	shalt  }
0x78: {  	_ =	shalt  }
0x79: {  	_ =	shalt  }
0x7a: {  	_ =	shalt  }
0x7b: {  	_ =	shalt  }
0x7c: {  	_ =	shalt  }
0x7d: {  	_ =	shalt  }
0x7e: {  	_ =	shalt  }
0x7f: {  	_ =	shalt  }
0x80: {  	_ =	shalt  }
0x81: {  	_ =	shalt  }
0x82: {  	_ =	shalt  }
0x83: {  	_ =	shalt  }
0x84: {  	_ =	shalt  }
0x85: {  	_ =	shalt  }
0x86: {  	_ =	shalt  }
0x87: {  	_ =	shalt  }
.Lfunc_end0:
.L_simem_size_0:
called_computation.2_lowered:
.L_overlay_start_0:
0x88: {  	s2 =	sld [smem:$0x3FD9]  }
0x89: {  	s3 =	sld [smem:$0x3FFE];
	_ =	sdelay $0x1  }
0x8a: {  	s1 =	srdreg.scid  }
0x8b: {  	s0 =	sand.u32 $0x1, s1  }
0x8c: {  	s16 =	sshll.u32 s0, $0xA;
	s2 =	sadd.s32 s3, s2  }
0x8d: {  	s2 =	sadd.s32 s2, s16  }
0x8e: {  	[smem:$0x3FC1] =	sst s2  }
0x8f: {  	_ = 	snop  }
0x90: {  	(tm) =	ssettm $0x1  }
0x91: {  	s17 =	sld [smem:$0x3FFB];
	_ =	sdelay $0x3  }
0x92: {  	_ =	strace s17  }
0x93: {  	s2 =	sld [smem:$0x3FFC];
	_ =	sdelay $0x3  }
0x94: {  	_ =	strace s2  }
0x95: {  	s2 =	sld [smem:$0x3FFD];
	_ =	sdelay $0x3  }
0x96: {  	_ =	strace s2  }
0x97: {  	_ =	strace $0x8FFFFFFF  }
0x98: {  	s18 =	sld [smem:$0x3FDB];
	_ =	sdelay $0x1  }
0x99: {  	s19 =	simm.s32 $_scs_section_size  }
0x9a: {  	s4 =	simm.s32 $_size__tile_overlayer_lowered;
	s5 =	simm.s32 $_tile_overlayer_lowered  }
0x9b: {  	s22 =	simm.s32 $0x1BFF;
	s21 =	sshll.u32 s5, $0x1;
	s2 =	sadd.s32 s19, s18  }
0x9c: {  	s6 =	simm.s32 $0x0;
	s20 =	sshll.u32 s4, $0x1;
	s4 =	sadd.s32 s21, s2  }
0x9d: {  	[timem:s6], [sflag:s22] =	dma.local [hbm:s4], s20  }
0x9e: {  	_ =	swait.ge [sflag:s22], s20  }
0x9f: {  	s3 =	ssub.s32 $0x0, s20;
	[sflag:s22] =	ssyncset.done $0x0  }
0xa0: {  	[sflag:s22] =	ssyncadd.s32 s3;
	_ =	sdelay $0x1  }
0xa1: {  	s23 =	simm.s32 $0x1B8B  }
0xa2: {  	_ =	swait.ge [sflag:s23], $0x1  }
0xa3: {  	[sflag:s23] =	ssyncset.done $0x0  }
0xa4: {  	s25 =	simm.s32 $0x1B8E;
	s24 =	sld [smem:$0x3FFE];
	[sflag:s23] =	ssyncadd.s32 $0xFFFFFFFF  }
0xa5: {  	s26 =	simm.s32 $execute0_lowered;
	[smem:$0x3FD2] =	sst s25  }
0xa6: {  	s4 =	sshll.u32 s26, $0x1;
	_ =	strace $0x8000004C;
	[dreg:$0x1] =	wrdreg $0xFFFFFFFF  }
0xa7: {  	s28 =	simm.s32 $_size_execute0_lowered;
	s2 =	sadd.s32 s2, s4;
	[dreg:$0x0] =	wrdreg $0x0  }
0xa8: {  	s4 =	sshll.u32 s28, $0x1;
	[dreg:$0x2] =	wrdreg s2  }
0xa9: {  	[dreg:$0x3] =	wrdreg s4  }
0xaa: {  	[dreg:$0x4] =	wrdreg $0xC0  }
0xab: {  	_ =	task [dreg:s6], $0x5FFFF  }
0xac: {  	[dreg:$0x1] =	wrdreg $0xFFFFFFFF  }
0xad: {  	[dreg:$0x0] =	wrdreg $0x60  }
0xae: {  	[dreg:$0x2] =	wrdreg s24  }
0xaf: {  	[dreg:$0x3] =	wrdreg $0x82000  }
0xb0: {  	[dreg:$0x4] =	wrdreg $0x9  }
0xb1: {  	_ =	task.clear_ibuf [dreg:s6], $0x5FFFF;
	_ =	strace $0x9000004C  }
0xb2: {  	s29 =	simm.s32 $0x9;
	_ =	strace $0x8000004E  }
0xb3: {  	_ =	swait.ge [sflag:s29], $0x1  }
0xb4: {  	[sflag:s29] =	ssyncadd.s32 $0xFFFFFFFF  }
0xb5: {  	_ =	strace $0x9000004E  }
0xb6: {  	_ =	sfence  }
0xb7: {  	s30 =	sld [smem:$0x0];
	_ =	sdelay $0x2  }
0xb8: {  	s31 =	sshll.u32 s1, $0xD;
	s1 =	sshrl.u32 s1, $0x2  }
0xb9: {  	s3 =	sand.u32 $0x4000, s31;
	s1 =	sadd.s32 s1, s30  }
0xba: {  	s0 =	sor.u32 s3, s0;
	s1 =	sshll.u32 s1, $0x11  }
0xbb: {  	s0 =	sor.u32 s1, s0  }
0xbc: {  	s0 =	sadd.s32 $0x8F2B, s0  }
0xbd: {  	[sflag:s0] =	ssyncadd.remote.s32 $0x1  }
0xbe: {  	_ =	sfence.sel $0xFFFF  }
0xbf: {  	[dreg:$0x0] =	wrdreg $0xFFFFFFFF;
	(pc) =	sbr.abs _section_cstart, $3  }
0xc0: {  	[dreg:$0x1] =	wrdreg $0xFFFFFFFF  }
0xc1: {  	_ =	task.clear_ibuf [dreg:s6], $0x2FFFF;
	_ =	strace $0x9FFFFFFF  }
0xc2: {  	(tm) =	ssettm $0x7FFFFFFF  }
0xc3: {  	_ =	shalt  }
tec
execute0_lowered:
.L_overlay_start_1:
0x0: {  	(tag) =	ssettag $0x1  }
0x1: {  	s5 =	rddreg [dreg:$0x0]  }
0x2: {  	s2 =	rddreg [dreg:$0x1]  }
0x3: {  	s1 =	stileid.u32;
	s3 =	simm.s32 $0x0;
	s4 =	srdreg.scid  }
0x4: {  	s19 =	simm.s32 $0x180;
	s20 =	simm.s32 $0x3;
	s13 =	smul.u32 $0xA00, s1  }
0x5: {  	s21 =	simm.s32 $0x4;
	s22 =	simm.s32 $0x4200;
	s6 =	smul.u32 $0x2780, s1  }
0x6: {  	s28 =	simm.s32 $0x0;
	[smem:$0x7FF] =	sst s3;
	s9 =	smul.u32 $0x4F000, s1  }
0x7: {  	s8 =	sand.u32 $0x1, s4;
	s4 =	sadd.s32 $0x97C00, s5;
	s12 =	smul.u32 $0xA0, s1  }
0x8: {  	s14 =	sadd.s32 $0x83C00, s5;
	s29 =	sshll.u32 s1, $0x6;
	s7 =	smul.u32 $0x27800, s8  }
0x9: {  	_ =	strace $0x8000004D;
	s23 =	ssub.s32 $0x2, s8;
	s15 =	smul.u32 $0xA00, s8  }
0xa: {  	s31 =	smul.u32 $0xA000, s8;
	s10 =	sadd.s32 s13, s5;
	s11 =	sadd.s32 s6, s5  }
0xb: {  	s24 =	sshrl.u32 s23, $0x1;
	s25 =	sshrl.u32 s9, $0x2;
	s6 =	sadd.s32 s6, s7  }
0xc: {  	s17 =	ssub.s32 s23, s24;
	s18 =	sadd.s32 s25, s2;
	s26 =	sadd.s32 s12, s15  }
0xd: {  	s8 =	sadd.s32 $0x3400, s10;
	s10 =	sadd.s32 $0x3410, s10;
	s15 =	simm.s32 $0x7  }
0xe: {  	s23 =	simm.s32 $0x5;
	s24 =	simm.s32 $0x1;
	s25 =	simm.s32 $0x2  }
0xf: {  	s16 =	sadd.s32 s6, s5;
	s5 =	sadd.s32 $0xD400, s11;
	s30 =	sshll.u32 s26, $0x4  }
0x10: {  	s6 =	sor.u32 $0x1C07, s29;
	s12 =	smax.u32 s17, $0x1;
	s17 =	simm.s32 $0x80  }
0x11: {  	s26 =	simm.s32 $0x6;
	s7 =	sadd.s32 s14, s30;
	s11 =	sadd.s32 $0xE5E00, s16  }
0x12: {  	s14 =	sadd.s32 s31, s14;
	s16 =	simm.s32 $0x100;
	s9 =	sadd.s32 $0x10, s7  }
0x13: {  	s13 =	sadd.s32 s13, s14;
	s14 =	sshrl.u32 s18, $0x3;
	s18 =	simm.s32 $0x200  }
.LBB2_1:
0x14: {  	[spmem:s14], [sflag:s6] =	dma.local [hbm:s5], $0x2780  }
0x15: {  	_ =	swait.ge [sflag:s15], $0x2780  }
0x16: {  	[sflag:s15] =	ssyncset.done $0x0  }
0x17: {  	[sflag:s15] =	ssyncadd.s32 $0xFFFFD880  }
0x18: {  	[bflag:$0x0] =	sbarrier.arrive $0xFFFF  }
0x19: {  	[tilespmem:s3], [sflag:$0x7] =	stream.linear.gather [hbm4b:s7+s3], $0x80, $0x38;
	[tilespmem:$0x1BE00] =	vst v63  }
0x1a: {  	_ =	swait.ge [sflag:s15], $0x80  }
0x1b: {  	[sflag:s15] =	ssyncset.done $0x0  }
0x1c: {  	[sflag:s15] =	ssyncadd.s32 $0xFFFFFF80  }
0x1d: {  	[tilespmem:s16], [sflag:$0x7] =	stream.linear.gather [hbm4b:s8+s3], $0x80, $0x38;
	[tilespmem:$0x1BE00] =	vst v63  }
0x1e: {  	_ =	swait.ge [sflag:s15], $0x80  }
0x1f: {  	[sflag:s15] =	ssyncset.done $0x0  }
0x20: {  	[sflag:s15] =	ssyncadd.s32 $0xFFFFFF80  }
0x21: {  	[tilespmem:s18], [sflag:$0x5] =	stream.indirect.gather [hbm4b:s4+s17], $0x80, s3, s17, $0xb8;
	[tilespmem:$0x1BE00] =	vst v63  }
0x22: {  	_ = 	snop  }
0x23: {  	[tilespmem:s17], [sflag:$0x3] =	stream.linear.gather [hbm4b:s9+s3], $0x80, $0x38;
	[tilespmem:$0x1BE00] =	vst v63  }
0x24: {  	_ = 	snop  }
0x25: {  	[tilespmem:s19], [sflag:$0x4] =	stream.linear.gather [hbm4b:s10+s3], $0x80, $0x38;
	[tilespmem:$0x1BE00] =	vst v63  }
0x26: {  	_ =	swait.ge [sflag:s20], $0x80  }
0x27: {  	[sflag:s20] =	ssyncset.done $0x0  }
0x28: {  	[sflag:s20] =	ssyncadd.s32 $0xFFFFFF80  }
0x29: {  	_ =	swait.ge [sflag:s21], $0x80  }
0x2a: {  	[sflag:s21] =	ssyncset.done $0x0  }
0x2b: {  	[sflag:s21] =	ssyncadd.s32 $0xFFFFFF80  }
0x2c: {  	[tilespmem:s22], [sflag:$0x6] =	stream.indirect.gather [hbm4b:s4+s17], $0x80, s17, s17, $0xb8;
	[tilespmem:$0x1BE00] =	vst v63  }
0x2d: {  	_ =	swait.ge [sflag:s23], $0x4000  }
0x2e: {  	[sflag:s23] =	ssyncset.done $0x0  }
0x2f: {  	[sflag:s23] =	ssyncadd.s32 $0xFFFFC000  }
0x30: {  	[spmem:s2] =	stream.indirect.scatter.add.f32 [tilespmem:s18], [sflag:$0x7], $0x80, s16, s17, $0xb8;
	[tilespmem:$0x1BE00] =	vst v63  }
0x31: {  	_ =	swait.ge [sflag:s15], $0x4000  }
0x32: {  	s29 =	sadd.s32 $0x0, s13;
	[sflag:s15] =	ssyncset.done $0x0  }
0x33: {  	s31 =	sadd.s32 $0x0, s8;
	s30 =	sadd.s32 $0x20, s29;
	[sflag:s15] =	ssyncadd.s32 $0xFFFFC000  }
0x34: {  	[tilespmem:s3], [sflag:$0x1] =	stream.linear.gather [hbm4b:s30+s3], $0x80, $0x38;
	[tilespmem:$0x1BE00] =	vst v63  }
0x35: {  	s30 =	sadd.s32 $0x20, s31  }
0x36: {  	[tilespmem:s16], [sflag:$0x2] =	stream.linear.gather [hbm4b:s30+s3], $0x80, $0x38;
	[tilespmem:$0x1BE00] =	vst v63  }
0x37: {  	_ =	swait.ge [sflag:s24], $0x80  }
0x38: {  	[sflag:s24] =	ssyncset.done $0x0  }
0x39: {  	[sflag:s24] =	ssyncadd.s32 $0xFFFFFF80  }
0x3a: {  	_ =	swait.ge [sflag:s25], $0x80  }
0x3b: {  	[sflag:s25] =	ssyncset.done $0x0  }
0x3c: {  	[sflag:s25] =	ssyncadd.s32 $0xFFFFFF80  }
0x3d: {  	[tilespmem:s18], [sflag:$0x5] =	stream.indirect.gather [hbm4b:s4+s17], $0x80, s3, s17, $0xb8;
	[tilespmem:$0x1BE00] =	vst v63  }
0x3e: {  	_ =	swait.ge [sflag:s26], $0x4000  }
0x3f: {  	[sflag:s26] =	ssyncset.done $0x0  }
0x40: {  	[sflag:s26] =	ssyncadd.s32 $0xFFFFC000  }
0x41: {  	[spmem:s2] =	stream.indirect.scatter.add.f32 [tilespmem:s22], [sflag:$0x7], $0x80, s19, s17, $0xb8;
	[tilespmem:$0x1BE00] =	vst v63  }
0x42: {  	_ =	swait.ge [sflag:s15], $0x4000  }
0x43: {  	[sflag:s15] =	ssyncset.done $0x0  }
0x44: {  	s29 =	sadd.s32 $0x30, s29;
	[sflag:s15] =	ssyncadd.s32 $0xFFFFC000  }
0x45: {  	[tilespmem:s17], [sflag:$0x3] =	stream.linear.gather [hbm4b:s29+s3], $0x80, $0x38;
	[tilespmem:$0x1BE00] =	vst v63  }
0x46: {  	s30 =	sadd.s32 $0x30, s31;
	s29 =	simm.s32 $0x20  }
.LBB2_2:
0x47: {  	[tilespmem:s19], [sflag:$0x4] =	stream.linear.gather [hbm4b:s30+s3], $0x80, $0x38;
	[tilespmem:$0x1BE00] =	vst v63  }
0x48: {  	s30 =	smov.u32 s29  }
0x49: {  	p0 =	sne.s32 s29, $0x9C0;
	s29 =	sadd.s32 $0x20, s29;
	_ =	swait.ge [sflag:s20], $0x80  }
0x4a: {  	[sflag:s20] =	ssyncset.done $0x0  }
0x4b: {  	[sflag:s20] =	ssyncadd.s32 $0xFFFFFF80  }
0x4c: {  	_ =	swait.ge [sflag:s21], $0x80  }
0x4d: {  	[sflag:s21] =	ssyncset.done $0x0  }
0x4e: {  	[sflag:s21] =	ssyncadd.s32 $0xFFFFFF80  }
0x4f: {  	[tilespmem:s22], [sflag:$0x6] =	stream.indirect.gather [hbm4b:s4+s17], $0x80, s17, s17, $0xb8;
	[tilespmem:$0x1BE00] =	vst v63  }
0x50: {  	_ =	swait.ge [sflag:s23], $0x4000  }
0x51: {  	[sflag:s23] =	ssyncset.done $0x0  }
0x52: {  	[sflag:s23] =	ssyncadd.s32 $0xFFFFC000  }
0x53: {  	[spmem:s2] =	stream.indirect.scatter.add.f32 [tilespmem:s18], [sflag:$0x7], $0x80, s16, s17, $0xb8;
	[tilespmem:$0x1BE00] =	vst v63  }
0x54: {  	_ =	swait.ge [sflag:s15], $0x4000  }
0x55: {  	s31 =	sadd.s32 s30, s13;
	[sflag:s15] =	ssyncset.done $0x0  }
0x56: {  	s30 =	sadd.s32 s30, s8;
	s0 =	sadd.s32 $0x20, s31;
	[sflag:s15] =	ssyncadd.s32 $0xFFFFC000  }
0x57: {  	[tilespmem:s3], [sflag:$0x1] =	stream.linear.gather [hbm4b:s0+s3], $0x80, $0x38;
	[tilespmem:$0x1BE00] =	vst v63  }
0x58: {  	s0 =	sadd.s32 $0x20, s30  }
0x59: {  	[tilespmem:s16], [sflag:$0x2] =	stream.linear.gather [hbm4b:s0+s3], $0x80, $0x38;
	[tilespmem:$0x1BE00] =	vst v63  }
0x5a: {  	_ =	swait.ge [sflag:s24], $0x80  }
0x5b: {  	[sflag:s24] =	ssyncset.done $0x0  }
0x5c: {  	[sflag:s24] =	ssyncadd.s32 $0xFFFFFF80  }
0x5d: {  	_ =	swait.ge [sflag:s25], $0x80  }
0x5e: {  	[sflag:s25] =	ssyncset.done $0x0  }
0x5f: {  	[sflag:s25] =	ssyncadd.s32 $0xFFFFFF80  }
0x60: {  	[tilespmem:s18], [sflag:$0x5] =	stream.indirect.gather [hbm4b:s4+s17], $0x80, s3, s17, $0xb8;
	[tilespmem:$0x1BE00] =	vst v63  }
0x61: {  	_ =	swait.ge [sflag:s26], $0x4000  }
0x62: {  	[sflag:s26] =	ssyncset.done $0x0  }
0x63: {  	[sflag:s26] =	ssyncadd.s32 $0xFFFFC000  }
0x64: {  	[spmem:s2] =	stream.indirect.scatter.add.f32 [tilespmem:s22], [sflag:$0x7], $0x80, s19, s17, $0xb8;
	[tilespmem:$0x1BE00] =	vst v63  }
.Ltmp0:
0x65: {  	_ =	swait.ge [sflag:s15], $0x4000;
	(pc) =	sbr.rel @p0 .LBB2_2-.Ltmp0, $4  }
0x66: {  	[sflag:s15] =	ssyncset.done $0x0  }
0x67: {  	s0 =	sadd.s32 $0x30, s31;
	[sflag:s15] =	ssyncadd.s32 $0xFFFFC000  }
0x68: {  	[tilespmem:s17], [sflag:$0x3] =	stream.linear.gather [hbm4b:s0+s3], $0x80, $0x38;
	[tilespmem:$0x1BE00] =	vst v63  }
0x69: {  	s30 =	sadd.s32 $0x30, s30  }
0x6a: {  	[tilespmem:s19], [sflag:$0x4] =	stream.linear.gather [hbm4b:s30+s3], $0x80, $0x38;
	[tilespmem:$0x1BE00] =	vst v63  }
0x6b: {  	_ =	swait.ge [sflag:s20], $0x80  }
0x6c: {  	[sflag:s20] =	ssyncset.done $0x0  }
0x6d: {  	[sflag:s20] =	ssyncadd.s32 $0xFFFFFF80  }
0x6e: {  	_ =	swait.ge [sflag:s21], $0x80  }
0x6f: {  	[sflag:s21] =	ssyncset.done $0x0  }
0x70: {  	[sflag:s21] =	ssyncadd.s32 $0xFFFFFF80  }
0x71: {  	[tilespmem:s22], [sflag:$0x6] =	stream.indirect.gather [hbm4b:s4+s17], $0x80, s17, s17, $0xb8;
	[tilespmem:$0x1BE00] =	vst v63  }
0x72: {  	_ =	swait.ge [sflag:s23], $0x4000  }
0x73: {  	[sflag:s23] =	ssyncset.done $0x0  }
0x74: {  	[sflag:s23] =	ssyncadd.s32 $0xFFFFC000  }
0x75: {  	[spmem:s2] =	stream.indirect.scatter.add.f32 [tilespmem:s18], [sflag:$0x7], $0x80, s16, s17, $0xb8;
	[tilespmem:$0x1BE00] =	vst v63  }
0x76: {  	_ =	swait.ge [sflag:s15], $0x4000  }
0x77: {  	[sflag:s15] =	ssyncset.done $0x0  }
0x78: {  	[sflag:s15] =	ssyncadd.s32 $0xFFFFC000  }
0x79: {  	_ =	swait.ge [sflag:s26], $0x4000  }
0x7a: {  	[sflag:s26] =	ssyncset.done $0x0  }
0x7b: {  	[sflag:s26] =	ssyncadd.s32 $0xFFFFC000  }
0x7c: {  	[spmem:s2] =	stream.indirect.scatter.add.f32 [tilespmem:s22], [sflag:$0x7], $0x80, s19, s17, $0xb8;
	[tilespmem:$0x1BE00] =	vst v63  }
0x7d: {  	_ =	swait.ge [sflag:s15], $0x4000  }
0x7e: {  	s28 =	sadd.s32 $0x1, s28;
	[sflag:s15] =	ssyncset.done $0x0  }
0x7f: {  	p0 =	sne.s32 s28, s12;
	[sflag:s15] =	ssyncadd.s32 $0xFFFFC000  }
.Ltmp1:
0x80: {  	[bflag:$0x0] =	sbarrier.arrive $0xFFFF;
	(pc) =	sbr.rel @p0 .LBB2_1-.Ltmp1, $4  }
0x81: {  	[hbm:s11], [sflag:s6] =	dma.local [spmem:s14], $0x2780  }
0x82: {  	_ =	swait.ge [sflag:s15], $0x2780  }
0x83: {  	[sflag:s15] =	ssyncset.done $0x0  }
0x84: {  	[sflag:s15] =	ssyncadd.s32 $0xFFFFD880  }
0x85: {  	_ =	sfence.sel $0x180000  }
0x86: {  	[bflag:$0x0] =	sbarrier.arrive $0xFFFF  }
0x87: {  	_ =	strace $0x9000004D  }
0x88: {  	[bflag:$0x2] =	sbarrier.arrive $0xFFFF  }
0x89: {  	p0 =	sne.s32 s1, $0x0;
	s0 =	rddreg [dreg:$0x2]  }
0x8a: {  	s0 =	sadd.s32 @!p0 $0x100000, s0  }
0x8b: {  	[sflag:s0] =	ssyncadd.tile.s32 @!p0 $0x1;
	_ =	shalt  }
.Lfunc_end2:
_tile_overlayer_lowered:
.L_overlay_start_2:
0x8c: {  	(tag) =	ssettag $0x2  }
0x8d: {  	s0 =	rddreg [dreg:$0x0];
	s2 =	stileid.u32  }
0x8e: {  	s1 =	rddreg [dreg:$0x1];
	p0 =	sne.s32 s2, $0x0  }
0x8f: {  	s3 =	rddreg [dreg:$0x2];
	[bflag:$0x3] =	sbarrier.arrive $0xFFFF;
	s2 =	simm.s32 @!p0 $0x1C07  }
0x90: {  	[timem:s3], [sflag:s2] =	dma.local @!p0 [hbm:s0], s1  }
0x91: {  	s0 =	simm.s32 @!p0 $0x7  }
0x92: {  	_ =	swait.ge @!p0 [sflag:s0], s1  }
0x93: {  	s1 =	ssub.s32 @!p0 $0x0, s1;
	[sflag:s0] =	ssyncset.done @!p0 $0x0  }
0x94: {  	[sflag:s0] =	ssyncadd.s32 @!p0 s1  }
0x95: {  	[bflag:$0x3] =	sbarrier.arrive $0xFFFF  }
0x96: {  	_ =	shalt  }

// kernel: kernel.8.cloned.1.call-start
scs
__scs_entry_jumppad:
0x0: {  	(pc) =	sbr.rel $0x88, $3  }
0x1: {  	(tag) =	ssettag $0x0;
	lr =	simm.s32 $0x1  }
0x2: {  	[smem:$0x3F9A] =	sst lr;
	_ =	strace $0xD0000000  }
0x3: {  	_ = 	snop  }
0x4: {  	_ = 	snop  }
0x5: {  	_ = 	snop  }
0x6: {  	_ = 	snop  }
0x7: {  	_ = 	snop  }
__scs_overlays_trampoline_lowered:
0x8: {  	[smem:$0x3FA9] =	sst s0  }
0x9: {  	[smem:$0x3FAA] =	sst s1  }
0xa: {  	[smem:$0x3FAB] =	sst s2  }
0xb: {  	[smem:$0x3FAC] =	sst s3  }
0xc: {  	[smem:$0x3FAD] =	sst s4  }
0xd: {  	[smem:$0x3FAE] =	sst s5  }
0xe: {  	[smem:$0x3FAF] =	sst s6  }
0xf: {  	[smem:$0x3FB0] =	sst s7  }
0x10: {  	[smem:$0x3FB1] =	sst s8  }
0x11: {  	[smem:$0x3FB2] =	sst s9;
	s0 =	simm.s32 @!p0 $0x0  }
0x12: {  	s1 =	sld [smem:$0x3F98];
	s0 =	simm.s32 @p0 $0x1  }
0x13: {  	[smem:$0x3FB3] =	sst s0;
	s0 =	simm.s32 @!p1 $0x0  }
0x14: {  	s2 =	sld [smem:$0x3F97];
	s0 =	simm.s32 @p1 $0x1  }
0x15: {  	[smem:$0x3FB4] =	sst s0;
	s0 =	simm.s32 @!p2 $0x0  }
0x16: {  	s3 =	sld [smem:$0x3FDB];
	s0 =	simm.s32 @p2 $0x1  }
0x17: {  	s4 =	simm.s32 $0x1BF5;
	[smem:$0x3FB6] =	sst s0  }
0x18: {  	s0 =	sld [smem:$0x3F99];
	_ =	swait.ge [sflag:s4], $0x0  }
0x19: {  	s7 =	sld [smem:$0x3F9A]  }
0x1a: {  	s8 =	sadd.s32 $0xFFFFE003, lr  }
0x1b: {  	s9 =	sadd.s32 $0xFFFFFEF7, lr;
	s5 =	simm.s32 $0xFFFFFFFF;
	p2 =	slt.u32 s8, $0xFFFFF086  }
0x1c: {  	p1 =	slt.u32 s9, $0xF7A;
	s5 =	simm.s32 @!p2 $0x0  }
0x1d: {  	s5 =	simm.s32 @p1 $0x1;
	p0 =	seq.s32 s7, s2  }
0x1e: {  	s7 =	smul.u32 @!p0 $0xF7A, s2;
	p2 =	seq.s32 @!p0 s5, $0x0  }
0x1f: {  	s9 =	smul.u32 $0xF7A, s1;
	s8 =	simm.s32 @!p0 $0x1BF5;
	p2 =	por !p2, p0  }
0x20: {  	[sflag:s8] =	ssyncset.s32 @!p0 $0xFFFFF086;
	s6 =	sadd.s32 @!p0 s3, s7;
	s7 =	simm.s32 @!p0 $0x108  }
0x21: {  	s3 =	sadd.s32 s3, s9;
	s6 =	sadd.s32 @!p0 $0x88, s6;
	s7 =	simm.s32 @p2 $0x1082  }
0x22: {  	[simem:s7], [sflag:s8] =	dma.local @!p0 [hbm:s6], $0xF7A  }
0x23: {  	s9 =	sor.u32 $0xD0000000, s2;
	s6 =	simm.s32 $0x108;
	_ =	swait.ge @!p0 [sflag:s8], $0x0  }
0x24: {  	s3 =	sadd.s32 $0x88, s3;
	s6 =	simm.s32 @!p1 $0x1082;
	[sflag:s4] =	ssyncset.s32 $0xFFFFF086  }
0x25: {  	[simem:s6], [sflag:s4] =	dma.local [hbm:s3], $0xF7A  }
0x26: {  	[smem:$0x3F9A] =	sst s1;
	(tag) =	ssettag s2;
	_ =	strace s9  }
0x27: {  	s1 =	sld [smem:$0x3FAA]  }
0x28: {  	s2 =	sld [smem:$0x3FAB]  }
0x29: {  	s4 =	sld [smem:$0x3FAD]  }
0x2a: {  	p0 =	seq.s32 s5, $0x0;
	s5 =	sld [smem:$0x3FAE]  }
0x2b: {  	s6 =	sld [smem:$0x3FAF]  }
0x2c: {  	s7 =	sld [smem:$0x3FB0]  }
0x2d: {  	s3 =	simm.s32 $0x108;
	s8 =	sld [smem:$0x3FB1]  }
0x2e: {  	s3 =	simm.s32 @!p0 $0x1082;
	s9 =	sld [smem:$0x3FB2]  }
0x2f: {  	lr =	sadd.s32 s0, s3;
	s0 =	sld [smem:$0x3FA9]  }
0x30: {  	s3 =	sld [smem:$0x3FAC]  }
0x31: {  	[smem:$0x3FB5] =	sst s10  }
0x32: {  	s10 =	sld [smem:$0x3FB3];
	_ =	sdelay $0x3  }
0x33: {  	p0 =	seq.s32 s10, $0x1;
	s10 =	sld [smem:$0x3FB5];
	_ =	sdelay $0x3  }
0x34: {  	[smem:$0x3FB5] =	sst s10  }
0x35: {  	s10 =	sld [smem:$0x3FB4];
	_ =	sdelay $0x3  }
0x36: {  	p1 =	seq.s32 s10, $0x1;
	s10 =	sld [smem:$0x3FB5];
	_ =	sdelay $0x3  }
0x37: {  	[smem:$0x3FB5] =	sst s10  }
0x38: {  	s10 =	sld [smem:$0x3FB6]  }
0x39: {  	_ = 	snop;
	(pc) =	sbr.ind lr, $3  }
0x3a: {  	_ = 	snop  }
0x3b: {  	_ = 	snop  }
0x3c: {  	p2 =	seq.s32 s10, $0x1;
	s10 =	sld [smem:$0x3FB5]  }
0x3d: {  	_ =	shalt  }
0x3e: {  	_ =	shalt  }
0x3f: {  	_ =	shalt  }
0x40: {  	_ =	shalt  }
0x41: {  	_ =	shalt  }
0x42: {  	_ =	shalt  }
0x43: {  	_ =	shalt  }
0x44: {  	_ =	shalt  }
0x45: {  	_ =	shalt  }
0x46: {  	_ =	shalt  }
0x47: {  	_ =	shalt  }
0x48: {  	_ =	shalt  }
0x49: {  	_ =	shalt  }
0x4a: {  	_ =	shalt  }
0x4b: {  	_ =	shalt  }
0x4c: {  	_ =	shalt  }
0x4d: {  	_ =	shalt  }
0x4e: {  	_ =	shalt  }
0x4f: {  	_ =	shalt  }
0x50: {  	_ =	shalt  }
0x51: {  	_ =	shalt  }
0x52: {  	_ =	shalt  }
0x53: {  	_ =	shalt  }
0x54: {  	_ =	shalt  }
0x55: {  	_ =	shalt  }
0x56: {  	_ =	shalt  }
0x57: {  	_ =	shalt  }
0x58: {  	_ =	shalt  }
0x59: {  	_ =	shalt  }
0x5a: {  	_ =	shalt  }
0x5b: {  	_ =	shalt  }
0x5c: {  	_ =	shalt  }
0x5d: {  	_ =	shalt  }
0x5e: {  	_ =	shalt  }
0x5f: {  	_ =	shalt  }
0x60: {  	_ =	shalt  }
0x61: {  	_ =	shalt  }
0x62: {  	_ =	shalt  }
0x63: {  	_ =	shalt  }
0x64: {  	_ =	shalt  }
0x65: {  	_ =	shalt  }
0x66: {  	_ =	shalt  }
0x67: {  	_ =	shalt  }
0x68: {  	_ =	shalt  }
0x69: {  	_ =	shalt  }
0x6a: {  	_ =	shalt  }
0x6b: {  	_ =	shalt  }
0x6c: {  	_ =	shalt  }
0x6d: {  	_ =	shalt  }
0x6e: {  	_ =	shalt  }
0x6f: {  	_ =	shalt  }
0x70: {  	_ =	shalt  }
0x71: {  	_ =	shalt  }
0x72: {  	_ =	shalt  }
0x73: {  	_ =	shalt  }
0x74: {  	_ =	shalt  }
0x75: {  	_ =	shalt  }
0x76: {  	_ =	shalt  }
0x77: {  	_ =	shalt  }
0x78: {  	_ =	shalt  }
0x79: {  	_ =	shalt  }
0x7a: {  	_ =	shalt  }
0x7b: {  	_ =	shalt  }
0x7c: {  	_ =	shalt  }
0x7d: {  	_ =	shalt  }
0x7e: {  	_ =	shalt  }
0x7f: {  	_ =	shalt  }
0x80: {  	_ =	shalt  }
0x81: {  	_ =	shalt  }
0x82: {  	_ =	shalt  }
0x83: {  	_ =	shalt  }
0x84: {  	_ =	shalt  }
0x85: {  	_ =	shalt  }
0x86: {  	_ =	shalt  }
0x87: {  	_ =	shalt  }
.Lfunc_end0:
.L_simem_size_0:
called_computation_lowered:
.L_overlay_start_0:
0x88: {  	s2 =	sld [smem:$0x3FD9]  }
0x89: {  	s3 =	sld [smem:$0x3FFE];
	_ =	sdelay $0x1  }
0x8a: {  	s1 =	srdreg.scid  }
0x8b: {  	s0 =	sand.u32 $0x1, s1  }
0x8c: {  	s17 =	sshll.u32 s0, $0xA;
	s2 =	sadd.s32 s3, s2  }
0x8d: {  	s2 =	sadd.s32 s2, s17  }
0x8e: {  	[smem:$0x3FC1] =	sst s2  }
0x8f: {  	_ = 	snop  }
0x90: {  	s2 =	sld [smem:$0x3FD0];
	(tm) =	ssettm $0x1  }
0x91: {  	s18 =	sld [smem:$0x3FFB];
	_ =	sdelay $0x3  }
0x92: {  	_ =	strace s18  }
0x93: {  	s3 =	sld [smem:$0x3FFC];
	_ =	sdelay $0x3  }
0x94: {  	_ =	strace s3  }
0x95: {  	s3 =	sld [smem:$0x3FFD];
	_ =	sdelay $0x3  }
0x96: {  	_ =	strace s3  }
0x97: {  	_ =	strace $0x8FFFFFFF  }
0x98: {  	s19 =	sld [smem:$0x3FDB];
	_ =	sdelay $0x1  }
0x99: {  	s4 =	simm.s32 $_scs_section_size  }
0x9a: {  	s5 =	simm.s32 $_size__tile_overlayer_lowered;
	s6 =	simm.s32 $_tile_overlayer_lowered  }
0x9b: {  	s22 =	simm.s32 $0x1BFF;
	s21 =	sshll.u32 s6, $0x1;
	s3 =	sadd.s32 s4, s19  }
0x9c: {  	s7 =	simm.s32 $0x0;
	s20 =	sshll.u32 s5, $0x1;
	s5 =	sadd.s32 s21, s3  }
0x9d: {  	[timem:s7], [sflag:s22] =	dma.local [hbm:s5], s20  }
0x9e: {  	_ =	swait.ge [sflag:s22], s20  }
0x9f: {  	s4 =	ssub.s32 $0x0, s20;
	[sflag:s22] =	ssyncset.done $0x0  }
0xa0: {  	[sflag:s22] =	ssyncadd.s32 s4;
	_ =	sdelay $0x1  }
0xa1: {  	s23 =	simm.s32 $0x1B8B  }
0xa2: {  	_ =	swait.ge [sflag:s23], $0x1  }
0xa3: {  	[sflag:s23] =	ssyncset.done $0x0  }
0xa4: {  	s25 =	simm.s32 $0x1B8E;
	s24 =	sld [smem:$0x3FFE];
	[sflag:s23] =	ssyncadd.s32 $0xFFFFFFFF  }
0xa5: {  	s26 =	simm.s32 $execute0_lowered;
	[smem:$0x3FD2] =	sst s25  }
0xa6: {  	s5 =	sshll.u32 s26, $0x1;
	_ =	strace $0x80000046;
	[dreg:$0x1] =	wrdreg $0xFFFFFFFF  }
0xa7: {  	s28 =	simm.s32 $_size_execute0_lowered;
	s3 =	sadd.s32 s3, s5;
	[dreg:$0x0] =	wrdreg $0x0  }
0xa8: {  	s5 =	sshll.u32 s28, $0x1;
	[dreg:$0x2] =	wrdreg s3  }
0xa9: {  	[dreg:$0x3] =	wrdreg s5  }
0xaa: {  	[dreg:$0x4] =	wrdreg $0xC0  }
0xab: {  	_ =	task [dreg:s7], $0x5FFFF  }
0xac: {  	[dreg:$0x1] =	wrdreg $0xFFFFFFFF  }
0xad: {  	[dreg:$0x0] =	wrdreg $0x60  }
0xae: {  	[dreg:$0x2] =	wrdreg s24  }
0xaf: {  	[dreg:$0x3] =	wrdreg s2  }
0xb0: {  	[dreg:$0x4] =	wrdreg $0x41000  }
0xb1: {  	[dreg:$0x5] =	wrdreg $0x9  }
0xb2: {  	_ =	task.clear_ibuf [dreg:s7], $0x6FFFF;
	_ =	strace $0x90000046  }
0xb3: {  	s29 =	simm.s32 $0x9;
	_ =	strace $0x80000048  }
0xb4: {  	_ =	swait.ge [sflag:s29], $0x1  }
0xb5: {  	[sflag:s29] =	ssyncadd.s32 $0xFFFFFFFF  }
0xb6: {  	_ =	strace $0x90000048  }
0xb7: {  	_ =	sfence  }
0xb8: {  	s30 =	sld [smem:$0x0];
	_ =	sdelay $0x2  }
0xb9: {  	s31 =	sshll.u32 s1, $0xD;
	s1 =	sshrl.u32 s1, $0x2  }
0xba: {  	s3 =	sand.u32 $0x4000, s31;
	s1 =	sadd.s32 s1, s30  }
0xbb: {  	s0 =	sor.u32 s3, s0;
	s1 =	sshll.u32 s1, $0x11  }
0xbc: {  	s0 =	sor.u32 s1, s0  }
0xbd: {  	s0 =	sadd.s32 $0x8F2B, s0  }
0xbe: {  	[sflag:s0] =	ssyncadd.remote.s32 $0x1  }
0xbf: {  	_ =	sfence.sel $0xFFFF  }
0xc0: {  	[dreg:$0x0] =	wrdreg $0xFFFFFFFF;
	(pc) =	sbr.abs _section_cstart, $3  }
0xc1: {  	[dreg:$0x1] =	wrdreg $0xFFFFFFFF  }
0xc2: {  	_ =	task.clear_ibuf [dreg:s7], $0x2FFFF;
	_ =	strace $0x9FFFFFFF  }
0xc3: {  	(tm) =	ssettm $0x7FFFFFFF  }
tec
execute0_lowered:
.L_overlay_start_1:
0x0: {  	(tag) =	ssettag $0x1  }
0x1: {  	s5 =	rddreg [dreg:$0x0]  }
0x2: {  	s2 =	rddreg [dreg:$0x1]  }
0x3: {  	s3 =	rddreg [dreg:$0x2]  }
0x4: {  	s0 =	rddreg [dreg:$0x3]  }
0x5: {  	s1 =	stileid.u32;
	s6 =	srdreg.scid;
	s4 =	simm.s32 $0x0  }
0x6: {  	s15 =	simm.s32 $0x80;
	s16 =	simm.s32 $0x2;
	s7 =	smul.u32 $0x2780, s1  }
0x7: {  	s17 =	simm.s32 $0x1;
	s18 =	simm.s32 $0x0;
	s12 =	smul.u32 $0x4F000, s1  }
0x8: {  	s6 =	sand.u32 $0x1, s6;
	[smem:$0x7FF] =	sst s4;
	s29 =	smul.u32 $0x500, s1  }
0x9: {  	s9 =	sadd.s32 $0x3400, s5;
	s31 =	sshll.u32 s1, $0x6;
	s8 =	smul.u32 $0x27800, s6  }
0xa: {  	_ =	strace $0x80000047;
	s23 =	sshll.u32 s6, $0x4;
	s11 =	ssub.s32 $0x2, s6  }
0xb: {  	s28 =	smul.u32 $0x5000, s6;
	s10 =	sadd.s32 s7, s5;
	s24 =	sshrl.u32 s11, $0x1  }
0xc: {  	s26 =	sshrl.u32 s12, $0x2;
	s12 =	simm.s32 $0x3;
	s7 =	sadd.s32 s7, s8  }
0xd: {  	s8 =	sor.u32 s1, s23;
	s11 =	ssub.s32 s11, s24;
	s14 =	sadd.s32 s26, s3  }
0xe: {  	s6 =	sadd.s32 $0xD400, s10;
	s30 =	sadd.s32 s28, s9;
	s25 =	smul.u32 $0x500, s8  }
0xf: {  	s13 =	sadd.s32 s7, s5;
	s10 =	sadd.s32 s29, s30;
	s14 =	sshrl.u32 s14, $0x3  }
0x10: {  	s8 =	sadd.s32 $0x34C00, s13;
	s13 =	sor.u32 $0x1C03, s31;
	s5 =	sadd.s32 s9, s25  }
0x11: {  	s9 =	smax.u32 s11, $0x1;
	s11 =	simm.s32 $0x100;
	s7 =	sadd.s32 $0x10, s5  }
.LBB2_1:
0x12: {  	[tilespmem:s11], [sflag:$0x3] =	stream.linear.gather [hbm4b:s2+s4], $0x4000, $0x38;
	[tilespmem:$0x17D00] =	vst v63  }
0x13: {  	_ =	swait.ge [sflag:s12], $0x4000  }
0x14: {  	[sflag:s12] =	ssyncset.done $0x0  }
0x15: {  	[sflag:s12] =	ssyncadd.s32 $0xFFFFC000  }
0x16: {  	[spmem:s14], [sflag:s13] =	dma.local [hbm:s6], $0x2780  }
0x17: {  	_ =	swait.ge [sflag:s12], $0x2780  }
0x18: {  	[sflag:s12] =	ssyncset.done $0x0  }
0x19: {  	[sflag:s12] =	ssyncadd.s32 $0xFFFFD880  }
0x1a: {  	[bflag:$0x0] =	sbarrier.arrive $0xFFFF  }
0x1b: {  	[tilespmem:s4], [sflag:$0x3] =	stream.linear.gather [hbm4b:s5+s4], $0x80, $0x38;
	[tilespmem:$0x17D00] =	vst v63  }
0x1c: {  	_ =	swait.ge [sflag:s12], $0x80  }
0x1d: {  	[sflag:s12] =	ssyncset.done $0x0  }
0x1e: {  	[sflag:s12] =	ssyncadd.s32 $0xFFFFFF80  }
0x1f: {  	[tilespmem:s15], [sflag:$0x2] =	stream.linear.gather [hbm4b:s7+s4], $0x80, $0x38;
	[tilespmem:$0x17D00] =	vst v63  }
0x20: {  	_ =	swait.ge [sflag:s16], $0x80  }
0x21: {  	[sflag:s16] =	ssyncset.done $0x0  }
0x22: {  	[sflag:s16] =	ssyncadd.s32 $0xFFFFFF80  }
0x23: {  	[spmem:s3] =	stream.indirect.scatter.add.f32 [tilespmem:s11], [sflag:$0x3], $0x80, s4, s15, $0xb8;
	[tilespmem:$0x17D00] =	vst v63  }
0x24: {  	_ =	swait.ge [sflag:s12], $0x4000  }
0x25: {  	s20 =	sadd.s32 $0xFFFFFB20, s10;
	[sflag:s12] =	ssyncset.done $0x0  }
0x26: {  	s19 =	sadd.s32 $0x500, s20;
	[sflag:s12] =	ssyncadd.s32 $0xFFFFC000  }
0x27: {  	[tilespmem:s4], [sflag:$0x1] =	stream.linear.gather [hbm4b:s19+s4], $0x80, $0x38;
	[tilespmem:$0x17D00] =	vst v63  }
0x28: {  	_ =	swait.ge [sflag:s17], $0x80  }
0x29: {  	[sflag:s17] =	ssyncset.done $0x0  }
0x2a: {  	[sflag:s17] =	ssyncadd.s32 $0xFFFFFF80  }
0x2b: {  	[spmem:s3] =	stream.indirect.scatter.add.f32 [tilespmem:s11], [sflag:$0x3], $0x80, s15, s15, $0xb8;
	[tilespmem:$0x17D00] =	vst v63  }
0x2c: {  	_ =	swait.ge [sflag:s12], $0x4000  }
0x2d: {  	[sflag:s12] =	ssyncset.done $0x0  }
0x2e: {  	s20 =	sadd.s32 $0x510, s20;
	s19 =	simm.s32 $0xFFFFFB40;
	[sflag:s12] =	ssyncadd.s32 $0xFFFFC000  }
.LBB2_2:
0x2f: {  	[tilespmem:s15], [sflag:$0x2] =	stream.linear.gather [hbm4b:s20+s4], $0x80, $0x38;
	[tilespmem:$0x17D00] =	vst v63  }
0x30: {  	s20 =	smov.u32 s19  }
0x31: {  	p0 =	sne.s32 s19, $0xFFFFFFE0;
	s19 =	sadd.s32 $0x20, s19;
	_ =	swait.ge [sflag:s16], $0x80  }
0x32: {  	[sflag:s16] =	ssyncset.done $0x0  }
0x33: {  	[sflag:s16] =	ssyncadd.s32 $0xFFFFFF80  }
0x34: {  	[spmem:s3] =	stream.indirect.scatter.add.f32 [tilespmem:s11], [sflag:$0x3], $0x80, s4, s15, $0xb8;
	[tilespmem:$0x17D00] =	vst v63  }
0x35: {  	_ =	swait.ge [sflag:s12], $0x4000  }
0x36: {  	s20 =	sadd.s32 s20, s10;
	[sflag:s12] =	ssyncset.done $0x0  }
0x37: {  	s21 =	sadd.s32 $0x500, s20;
	[sflag:s12] =	ssyncadd.s32 $0xFFFFC000  }
0x38: {  	[tilespmem:s4], [sflag:$0x1] =	stream.linear.gather [hbm4b:s21+s4], $0x80, $0x38;
	[tilespmem:$0x17D00] =	vst v63  }
0x39: {  	_ =	swait.ge [sflag:s17], $0x80  }
0x3a: {  	[sflag:s17] =	ssyncset.done $0x0  }
.Ltmp0:
0x3b: {  	[sflag:s17] =	ssyncadd.s32 $0xFFFFFF80;
	(pc) =	sbr.rel @p0 .LBB2_2-.Ltmp0, $4  }
0x3c: {  	[spmem:s3] =	stream.indirect.scatter.add.f32 [tilespmem:s11], [sflag:$0x3], $0x80, s15, s15, $0xb8;
	[tilespmem:$0x17D00] =	vst v63  }
0x3d: {  	_ =	swait.ge [sflag:s12], $0x4000  }
0x3e: {  	[sflag:s12] =	ssyncset.done $0x0  }
0x3f: {  	s20 =	sadd.s32 $0x510, s20;
	[sflag:s12] =	ssyncadd.s32 $0xFFFFC000  }
0x40: {  	[tilespmem:s15], [sflag:$0x2] =	stream.linear.gather [hbm4b:s20+s4], $0x80, $0x38;
	[tilespmem:$0x17D00] =	vst v63  }
0x41: {  	_ =	swait.ge [sflag:s16], $0x80  }
0x42: {  	[sflag:s16] =	ssyncset.done $0x0  }
0x43: {  	[sflag:s16] =	ssyncadd.s32 $0xFFFFFF80  }
0x44: {  	[spmem:s3] =	stream.indirect.scatter.add.f32 [tilespmem:s11], [sflag:$0x3], $0x80, s4, s15, $0xb8;
	[tilespmem:$0x17D00] =	vst v63  }
0x45: {  	_ =	swait.ge [sflag:s12], $0x4000  }
0x46: {  	[sflag:s12] =	ssyncset.done $0x0  }
0x47: {  	[sflag:s12] =	ssyncadd.s32 $0xFFFFC000  }
0x48: {  	[spmem:s3] =	stream.indirect.scatter.add.f32 [tilespmem:s11], [sflag:$0x3], $0x80, s15, s15, $0xb8;
	[tilespmem:$0x17D00] =	vst v63  }
0x49: {  	_ =	swait.ge [sflag:s12], $0x4000  }
0x4a: {  	s18 =	sadd.s32 $0x1, s18;
	[sflag:s12] =	ssyncset.done $0x0  }
0x4b: {  	p0 =	sne.s32 s18, s9;
	[sflag:s12] =	ssyncadd.s32 $0xFFFFC000  }
.Ltmp1:
0x4c: {  	[bflag:$0x0] =	sbarrier.arrive $0xFFFF;
	(pc) =	sbr.rel @p0 .LBB2_1-.Ltmp1, $4  }
0x4d: {  	[hbm:s8], [sflag:s13] =	dma.local [spmem:s14], $0x2780  }
0x4e: {  	_ =	swait.ge [sflag:s12], $0x2780  }
0x4f: {  	[sflag:s12] =	ssyncset.done $0x0  }
0x50: {  	[sflag:s12] =	ssyncadd.s32 $0xFFFFD880  }
0x51: {  	_ =	sfence.sel $0x180000  }
0x52: {  	[bflag:$0x0] =	sbarrier.arrive $0xFFFF  }
0x53: {  	p0 =	sne.s32 s1, $0x0;
	_ =	strace $0x90000047  }
0x54: {  	s0 =	sadd.s32 @!p0 $0x100000, s0;
	[bflag:$0x2] =	sbarrier.arrive $0xFFFF  }
0x55: {  	[sflag:s0] =	ssyncadd.tile.s32 @!p0 $0x1;
	_ =	shalt  }
.Lfunc_end2:
_tile_overlayer_lowered:
.L_overlay_start_2:
0x56: {  	(tag) =	ssettag $0x2  }
0x57: {  	s0 =	rddreg [dreg:$0x0];
	s2 =	stileid.u32  }
0x58: {  	s1 =	rddreg [dreg:$0x1];
	p0 =	sne.s32 s2, $0x0  }
0x59: {  	s3 =	rddreg [dreg:$0x2];
	[bflag:$0x3] =	sbarrier.arrive $0xFFFF;
	s2 =	simm.s32 @!p0 $0x1C03  }
0x5a: {  	[timem:s3], [sflag:s2] =	dma.local @!p0 [hbm:s0], s1  }
0x5b: {  	s0 =	simm.s32 @!p0 $0x3  }
0x5c: {  	_ =	swait.ge @!p0 [sflag:s0], s1  }
0x5d: {  	s1 =	ssub.s32 @!p0 $0x0, s1;
	[sflag:s0] =	ssyncset.done @!p0 $0x0  }
0x5e: {  	[sflag:s0] =	ssyncadd.s32 @!p0 s1  }
0x5f: {  	[bflag:$0x3] =	sbarrier.arrive $0xFFFF  }
0x60: {  	_ =	shalt  }

</sc_bundles>
